<compile_context>
chip_gen: v7x
topology: tpu7x:2x2x1
jax: 0.10.2.dev20260603
libtpu: 0.0.44.dev20260713+nightly
codegen_flags: <defaults>
</compile_context>

<pallas_src>
import functools

import jax
import jax.numpy as jnp
from jax import lax
from jax.experimental import pallas as pl
from jax.experimental.pallas import tpu as pltpu
from jax.experimental.pallas import tpu_sc as plsc

N_NODES = 10000
HIDDEN = 128
N_REL = 2
N_USERS = 2000

NP = 10016
DUMMY = N_NODES
N_TILES = 16
T_ROWS = NP // N_TILES
ZCH = 313
HH = HIDDEN // 2
CHUNK = 128
BLK = 2048
RPB = BLK // CHUNK
EPT = 20480
NBLK = EPT // BLK
E_PAD = N_TILES * EPT


def _seg_sum_body(x0_hbm, x1_hbm, pk_hbm, agg_out,
                  cnt_out, pk_v, cpk, sstage,
                  rows_v, rows_v2, zero_v, cnt_loc, agg_sh, gsem, gsem2,
                  ssem):
    c = lax.axis_index("c")
    s = lax.axis_index("s")
    z16 = jnp.zeros((16,), jnp.float32)
    one16 = jnp.ones((16,), jnp.float32)

    def zb(i, _):
        for k in range(HH // 16):
            zero_v[i, pl.ds(k * 16, 16)] = z16
        return 0
    lax.fori_loop(0, ZCH, zb, 0)

    def zc(i, _):
        cnt_loc[pl.ds(i * 16, 16)] = z16
        return 0
    lax.fori_loop(0, NP // 16, zc, 0)

    def blk_body(b, off):
        base = (s * NBLK + b) * RPB
        pltpu.sync_copy(pk_hbm.at[pl.ds(base, RPB)], pk_v)

        def row(j, off):
            for k in range(CHUNK // 16):
                pk = pk_v[j, pl.ds(k * 16, 16)]
                d = pk & 16383
                m = (pk >> 28) == c
                plsc.addupdate_scatter(cnt_loc, [jnp.where(m, d, DUMMY)],
                                       one16)
                plsc.store_compressed(cpk.at[pl.ds(off, 16)], pk, mask=m)
                pc = lax.reduce_max(plsc.all_reduce_population_count(m),
                                    axes=(0,))
                off = off + pc
            return off
        return lax.fori_loop(0, RPB, row, off)
    off = lax.fori_loop(0, NBLK, blk_body, 0)

    def fill(i, off):
        cpk[pl.ds(off, 16)] = jnp.full((16,), DUMMY, jnp.int32)
        return off + jnp.where(off % (2 * CHUNK) != 0, 16, 0)
    off = lax.fori_loop(0, 2 * CHUNK // 16, fill, off)
    npairs = off // (2 * CHUNK)

    pltpu.sync_copy(cnt_loc, cnt_out.at[c, s])

    for h, xh_hbm in ((0, x0_hbm), (1, x1_hbm)):
        pltpu.sync_copy(zero_v, agg_sh.at[pl.ds(s * T_ROWS, ZCH)])
        pltpu.sync_copy(zero_v, agg_sh.at[pl.ds(s * T_ROWS + ZCH, ZCH)])
        plsc.subcore_barrier()

        def pair(p, _):
            for q in range(CHUNK // 16):
                pk0 = cpk[pl.ds(p * 2 * CHUNK + q * 16, 16)]
                pk1 = cpk[pl.ds(p * 2 * CHUNK + CHUNK + q * 16, 16)]
                sstage[0, pl.ds(q * 16, 16)] = pk0 & 16383
                sstage[1, pl.ds(q * 16, 16)] = pk1 & 16383
                sstage[2, pl.ds(q * 16, 16)] = (pk0 >> 14) & 16383
                sstage[3, pl.ds(q * 16, 16)] = (pk1 >> 14) & 16383
            g0 = pltpu.async_copy(xh_hbm.at[sstage.at[2]], rows_v, gsem)
            g1 = pltpu.async_copy(xh_hbm.at[sstage.at[3]], rows_v2, gsem2)
            g0.wait()
            pltpu.async_copy(rows_v, agg_sh.at[sstage.at[0]], ssem,
                             add=True).wait()
            g1.wait()
            pltpu.async_copy(rows_v2, agg_sh.at[sstage.at[1]], ssem,
                             add=True).wait()
            return 0
        lax.fori_loop(0, npairs, pair, 0)
        plsc.subcore_barrier()

        pltpu.sync_copy(agg_sh.at[pl.ds(s * T_ROWS, T_ROWS)],
                        agg_out.at[c, h, pl.ds(s * T_ROWS, T_ROWS)])
        plsc.subcore_barrier()


@jax.jit
def _seg_sum(x0, x1, pk2d):
    mesh = plsc.VectorSubcoreMesh(core_axis_name="c", subcore_axis_name="s",
                                  num_cores=N_REL, num_subcores=N_TILES)
    f = pl.kernel(
        _seg_sum_body,
        out_type=(
            jax.ShapeDtypeStruct((N_REL, 2, NP, HH), jnp.float32),
            jax.ShapeDtypeStruct((N_REL, N_TILES, NP), jnp.float32),
        ),
        mesh=mesh,
        compiler_params=pltpu.CompilerParams(needs_layout_passes=False,
                                             use_tc_tiling_on_sc=False),
        scratch_types=[
            pltpu.VMEM((RPB, CHUNK), jnp.int32),
            pltpu.VMEM((EPT + 2 * CHUNK,), jnp.int32),
            pltpu.VMEM((4, CHUNK), jnp.int32),
            pltpu.VMEM((CHUNK, HH), jnp.float32),
            pltpu.VMEM((CHUNK, HH), jnp.float32),
            pltpu.VMEM((ZCH, HH), jnp.float32),
            pltpu.VMEM((NP,), jnp.float32),
            pltpu.VMEM_SHARED((NP, HH), jnp.float32),
            pltpu.SemaphoreType.DMA,
            pltpu.SemaphoreType.DMA,
            pltpu.SemaphoreType.DMA,
        ],
    )
    return f(x0, x1, pk2d)



_ROWB = 1000


def _combine_body(xs_ref, agg_ref, c0_ref, c1_ref, wr_ref, w0_ref, w1_ref,
                  b_ref, out_ref):
    inv0 = (1.0 / jnp.maximum(jnp.sum(c0_ref[...], axis=1), 1.0))[:, None]
    inv1 = (1.0 / jnp.maximum(jnp.sum(c1_ref[...], axis=1), 1.0))[:, None]
    wr = wr_ref[...]
    w0 = w0_ref[...]
    w1 = w1_ref[...]
    acc = jnp.dot(xs_ref[0], wr[:HH], preferred_element_type=jnp.float32)
    acc += jnp.dot(xs_ref[1], wr[HH:], preferred_element_type=jnp.float32)
    acc += jnp.dot(agg_ref[0, 0] * inv0, w0[:HH],
                   preferred_element_type=jnp.float32)
    acc += jnp.dot(agg_ref[0, 1] * inv0, w0[HH:],
                   preferred_element_type=jnp.float32)
    acc += jnp.dot(agg_ref[1, 0] * inv1, w1[:HH],
                   preferred_element_type=jnp.float32)
    acc += jnp.dot(agg_ref[1, 1] * inv1, w1[HH:],
                   preferred_element_type=jnp.float32)
    acc += b_ref[...]
    out_ref[0] = acc[:, :HH]
    out_ref[1] = acc[:, HH:]


def _pred_body(xs_ref, wp_ref, bp_ref, out_ref):
    wp = wp_ref[...]
    acc = jnp.dot(xs_ref[0], wp[:HH], preferred_element_type=jnp.float32)
    acc += jnp.dot(xs_ref[1], wp[HH:], preferred_element_type=jnp.float32)
    out_ref[...] = acc + bp_ref[...]


def _split_spec():
    return pl.BlockSpec((2, _ROWB, HH), lambda i: (0, i, 0))


def _cnt_spec():
    return pl.BlockSpec((_ROWB, N_TILES), lambda i: (i, 0))


def _full_spec(shape):
    return pl.BlockSpec(shape, lambda i: tuple(0 for _ in shape))


@jax.jit
def _combine(xs, agg, c0, c1, wr, w0, w1, b):
    grid = (N_NODES // _ROWB,)
    return pl.pallas_call(
        _combine_body,
        grid=grid,
        in_specs=[
            _split_spec(),
            pl.BlockSpec((N_REL, 2, _ROWB, HH), lambda i: (0, 0, i, 0)),
            _cnt_spec(), _cnt_spec(),
            _full_spec((HIDDEN, HIDDEN)), _full_spec((HIDDEN, HIDDEN)),
            _full_spec((HIDDEN, HIDDEN)), _full_spec((1, HIDDEN)),
        ],
        out_specs=_split_spec(),
        out_shape=jax.ShapeDtypeStruct((2, N_NODES, HH), jnp.float32),
        compiler_params=pltpu.CompilerParams(
            dimension_semantics=("parallel",)),
    )(xs, agg, c0, c1, wr, w0, w1, b)


@jax.jit
def _pred(xs, wp, bp):
    grid = (N_NODES // _ROWB,)
    return pl.pallas_call(
        _pred_body,
        grid=grid,
        in_specs=[
            _split_spec(), _full_spec((HIDDEN, N_USERS)),
            _full_spec((1, N_USERS)),
        ],
        out_specs=pl.BlockSpec((_ROWB, N_USERS), lambda i: (i, 0)),
        out_shape=jax.ShapeDtypeStruct((N_NODES, N_USERS), jnp.float32),
        compiler_params=pltpu.CompilerParams(
            dimension_semantics=("parallel",)),
    )(xs, wp, bp)


def kernel(emb_weight, edge_index, edge_type, w_rel1, w_root1, b1,
           w_rel2, w_root2, b2, w_pred, b_pred):
    e = edge_index.shape[1]
    pad = E_PAD - e
    pk = ((edge_type.astype(jnp.int32) << 28)
          | (edge_index[0].astype(jnp.int32) << 14)
          | edge_index[1].astype(jnp.int32))
    pk2d = jnp.pad(pk, (0, pad),
                   constant_values=N_REL << 28).reshape(E_PAD // CHUNK, CHUNK)

    w_root_s = jnp.stack([w_root1, w_root2])
    w_rel_s = jnp.stack([w_rel1, w_rel2])
    b_s = jnp.stack([b1, b2])

    xs0 = jnp.stack([emb_weight[:, :HH], emb_weight[:, HH:]])

    def layer(i, xs):
        agg, cnt = _seg_sum(xs[0], xs[1], pk2d)
        return _combine(xs, agg, cnt[0].T, cnt[1].T, w_root_s[i],
                        w_rel_s[i, 0], w_rel_s[i, 1], b_s[i][None])

    hs = lax.fori_loop(0, 2, layer, xs0)
    return _pred(hs, w_pred, b_pred[None])

# --- scband reference (transcript-rebuilt; emitter-appended) ---
"""Pipeline reference for scband-global-tul-with-spatio-46986942218301 (READ-ONLY COPY).

The authoritative reference and input builder live on the scoring server;
editing this copy changes nothing except your own understanding.
"""

import jax, jax.numpy as jnp
import numpy as np

N_NODES = 10000
N_EDGES = 320000
HIDDEN = 128
N_REL = 2
N_USERS = 2000


def setup_inputs(seed: int = 0) -> dict:
    key = jax.random.key(seed)
    ks = jax.random.split(key, 12)
    emb_weight = jax.random.normal(ks[0], (N_NODES, HIDDEN), dtype=jnp.float32) * 0.05
    edge_index = jax.random.randint(ks[1], (2, N_EDGES), 0, N_NODES, dtype=jnp.int32)
    edge_type = jax.random.randint(ks[2], (N_EDGES,), 0, N_REL, dtype=jnp.int32)
    w_rel1 = jax.random.normal(ks[3], (N_REL, HIDDEN, HIDDEN), dtype=jnp.float32) * 0.05
    w_root1 = jax.random.normal(ks[4], (HIDDEN, HIDDEN), dtype=jnp.float32) * 0.05
    b1 = jnp.zeros((HIDDEN,), dtype=jnp.float32)
    w_rel2 = jax.random.normal(ks[5], (N_REL, HIDDEN, HIDDEN), dtype=jnp.float32) * 0.05
    w_root2 = jax.random.normal(ks[6], (HIDDEN, HIDDEN), dtype=jnp.float32) * 0.05
    b2 = jnp.zeros((HIDDEN,), dtype=jnp.float32)
    w_pred = jax.random.normal(ks[7], (HIDDEN, N_USERS), dtype=jnp.float32) * 0.05
    b_pred = jnp.zeros((N_USERS,), dtype=jnp.float32)
    return {"emb_weight": emb_weight, "edge_index": edge_index, "edge_type": edge_type,
            "w_rel1": w_rel1, "w_root1": w_root1, "b1": b1,
            "w_rel2": w_rel2, "w_root2": w_root2, "b2": b2,
            "w_pred": w_pred, "b_pred": b_pred}


def _rgcn_layer(x, edge_index, edge_type, w_rel, w_root, bias):
    # RGCNConv (PyG semantics): out = x @ root + bias + sum_r mean_{j in N_r(i)} x_j @ W_r
    src = edge_index[0]
    dst = edge_index[1]
    n = x.shape[0]
    d_out = w_rel.shape[2]
    out = x @ w_root + bias
    for r in range(w_rel.shape[0]):
        mask = (edge_type == r).astype(x.dtype)
        msg = (x[src] @ w_rel[r]) * mask[:, None]  # gather + per-relation transform
        summed = jnp.zeros((n, d_out), dtype=x.dtype).at[dst].add(msg)  # scatter-add
        cnt = jnp.zeros((n,), dtype=x.dtype).at[dst].add(mask)
        out = out + summed / jnp.maximum(cnt, 1.0)[:, None]  # mean aggregation per relation
    return out


def reference(emb_weight, edge_index, edge_type, w_rel1, w_root1, b1, w_rel2, w_root2, b2, w_pred, b_pred):
    # Traj_emb_zero = embedding_layer.weight (full table as node features)
    h1 = _rgcn_layer(emb_weight, edge_index, edge_type, w_rel1, w_root1, b1)
    h2 = _rgcn_layer(h1, edge_index, edge_type, w_rel2, w_root2, b2)
    # dropout is identity in eval mode
    predictions = h2 @ w_pred + b_pred
    return predictions

if __name__ == "__main__":
    import jax
    _d = setup_inputs()
    print(jax.jit(kernel)(*tuple(_d.values())))

</pallas_src>

<mosaic_0001>
#map = affine_map<(d0, d1) -> (0, 0)>
#map1 = affine_map<(d0, d1) -> (0, 0, 0, 0)>
#map2 = affine_map<(d0, d1) -> (0, 0, 0)>
module attributes {stable_mosaic.version = 14 : i64} {
  func.func @_seg_sum_body(%arg0: i32, %arg1: i32, %arg2: memref<10000x64xf32, #tpu.memory_space<hbm>>, %arg3: memref<10000x64xf32, #tpu.memory_space<hbm>>, %arg4: memref<2560x128xi32, #tpu.memory_space<hbm>>, %arg5: memref<2x2x10016x64xf32, #tpu.memory_space<hbm>>, %arg6: memref<2x16x10016xf32, #tpu.memory_space<hbm>>, %arg7: memref<16x128xi32, #tpu.memory_space<vmem>>, %arg8: memref<20736xi32, #tpu.memory_space<vmem>>, %arg9: memref<4x128xi32, #tpu.memory_space<vmem>>, %arg10: memref<128x64xf32, #tpu.memory_space<vmem>>, %arg11: memref<128x64xf32, #tpu.memory_space<vmem>>, %arg12: memref<313x64xf32, #tpu.memory_space<vmem>>, %arg13: memref<10016xf32, #tpu.memory_space<vmem>>, %arg14: memref<10016x64xf32, #tpu.memory_space<vmem_shared>>, %arg15: memref<!tpu.dma_semaphore, #tpu.memory_space<semaphore_mem>>, %arg16: memref<!tpu.dma_semaphore, #tpu.memory_space<semaphore_mem>>, %arg17: memref<!tpu.dma_semaphore, #tpu.memory_space<semaphore_mem>>) attributes {dimension_semantics = [#tpu.dimension_semantics<core_parallel>, #tpu.dimension_semantics<subcore_parallel>], iteration_bounds = array<i64: 2, 16>, scalar_prefetch = 0 : i64, scratch_operands = 11 : i64, tpu.core_type = #tpu.core_type<sc_vector_subcore>, window_params = [{transform_indices = #map}, {transform_indices = #map}, {transform_indices = #map}, {transform_indices = #map1}, {transform_indices = #map2}]} {
    %broadcast_in_dim3A = arith.constant 0.000000e+00 : f32
    %broadcast_in_dim3A_0 = vector.broadcast %broadcast_in_dim3A : f32 to vector<16xf32>
    %broadcast_in_dim3A_1 = arith.constant 1.000000e+00 : f32
    %broadcast_in_dim3A_2 = vector.broadcast %broadcast_in_dim3A_1 : f32 to vector<16xf32>
    %scan3A = arith.constant 0 : i32
    %scan3A_3 = arith.constant 0 : i32
    %scan3A_4 = arith.constant 313 : i32
    %scan3A_5 = arith.addi %scan3A_3, %scan3A_4 : i32
    %scan3A_6 = arith.constant 1 : i32
    %scan3A_7 = scf.for %scan3A_92 = %scan3A_3 to %scan3A_5 step %scan3A_6 iter_args(%scan3A_93 = %scan3A) -> (i32)  : i32 {
      %swap3A = arith.index_cast %scan3A_92 : i32 to index
      %swap3A_94 = arith.constant 0 : index
      %swap3A_95 = tpu.vector_load %arg12[%swap3A, %swap3A_94] {strides = array<i32>} : memref<313x64xf32, #tpu.memory_space<vmem>>, vector<16xf32>,
      tpu.vector_store %arg12[%swap3A, %swap3A_94], %broadcast_in_dim3A_0 {strides = array<i32>} : memref<313x64xf32, #tpu.memory_space<vmem>>, vector<16xf32>,
      %swap3A_96 = arith.index_cast %scan3A_92 : i32 to index
      %swap3A_97 = arith.constant 16 : index
      %swap3A_98 = tpu.vector_load %arg12[%swap3A_96, %swap3A_97] {strides = array<i32>} : memref<313x64xf32, #tpu.memory_space<vmem>>, vector<16xf32>,
      tpu.vector_store %arg12[%swap3A_96, %swap3A_97], %broadcast_in_dim3A_0 {strides = array<i32>} : memref<313x64xf32, #tpu.memory_space<vmem>>, vector<16xf32>,
      %swap3A_99 = arith.index_cast %scan3A_92 : i32 to index
      %swap3A_100 = arith.constant 32 : index
      %swap3A_101 = tpu.vector_load %arg12[%swap3A_99, %swap3A_100] {strides = array<i32>} : memref<313x64xf32, #tpu.memory_space<vmem>>, vector<16xf32>,
      tpu.vector_store %arg12[%swap3A_99, %swap3A_100], %broadcast_in_dim3A_0 {strides = array<i32>} : memref<313x64xf32, #tpu.memory_space<vmem>>, vector<16xf32>,
      %swap3A_102 = arith.index_cast %scan3A_92 : i32 to index
      %swap3A_103 = arith.constant 48 : index
      %swap3A_104 = tpu.vector_load %arg12[%swap3A_102, %swap3A_103] {strides = array<i32>} : memref<313x64xf32, #tpu.memory_space<vmem>>, vector<16xf32>,
      tpu.vector_store %arg12[%swap3A_102, %swap3A_103], %broadcast_in_dim3A_0 {strides = array<i32>} : memref<313x64xf32, #tpu.memory_space<vmem>>, vector<16xf32>,
      %scan3A_105 = arith.constant 0 : i32
      scf.yield %scan3A_105 : i32
    }
    %scan3A_8 = arith.constant 313 : i32
    %scan3A_9 = arith.constant 0 : i32
    %scan3A_10 = arith.constant 0 : i32
    %scan3A_11 = arith.constant 626 : i32
    %scan3A_12 = arith.addi %scan3A_10, %scan3A_11 : i32
    %scan3A_13 = arith.constant 1 : i32
    %scan3A_14 = scf.for %scan3A_92 = %scan3A_10 to %scan3A_12 step %scan3A_13 iter_args(%scan3A_93 = %scan3A_9) -> (i32)  : i32 {
      %mul3A_94 = arith.constant 16 : i32
      %mul3A_95 = arith.muli %scan3A_92, %mul3A_94 : i32
      %swap3A = arith.index_cast %mul3A_95 : i32 to index
      %swap3A_96 = tpu.vector_load %arg13[%swap3A] {strides = array<i32>} : memref<10016xf32, #tpu.memory_space<vmem>>, vector<16xf32>,
      tpu.vector_store %arg13[%swap3A], %broadcast_in_dim3A_0 {strides = array<i32>} : memref<10016xf32, #tpu.memory_space<vmem>>, vector<16xf32>,
      %scan3A_97 = arith.constant 0 : i32
      scf.yield %scan3A_97 : i32
    }
    %scan3A_15 = arith.constant 626 : i32
    %scan3A_16 = arith.constant 0 : i32
    %scan3A_17 = arith.constant 0 : i32
    %scan3A_18 = arith.constant 10 : i32
    %scan3A_19 = arith.addi %scan3A_17, %scan3A_18 : i32
    %scan3A_20 = arith.constant 1 : i32
    %scan3A_21 = scf.for %scan3A_92 = %scan3A_17 to %scan3A_19 step %scan3A_20 iter_args(%scan3A_93 = %scan3A_16) -> (i32)  : i32 {
      %mul3A_94 = arith.constant 10 : i32
      %mul3A_95 = arith.muli %arg1, %mul3A_94 : i32
      %add3A_96 = arith.addi %mul3A_95, %scan3A_92 : i32
      %mul3A_97 = arith.constant 16 : i32
      %mul3A_98 = arith.muli %add3A_96, %mul3A_97 : i32
      "tpu.region"() ({
        %run_scoped3A_105 = tpu.sem_alloc : memref<!tpu.dma_semaphore, #tpu.memory_space<semaphore_mem>>
        %dma_start3A = arith.constant 0 : i32
        %dma_start3A_106 = tpu.memref_slice %arg4[%mul3A_98, %dma_start3A] : memref<2560x128xi32, #tpu.memory_space<hbm>> -> memref<16x128xi32, #tpu.memory_space<hbm>>
        %dma_start3A_107 = arith.constant 0 : i32
        %dma_start3A_108 = tpu.memref_slice %arg4[%mul3A_98, %dma_start3A_107] : memref<2560x128xi32, #tpu.memory_space<hbm>> -> memref<16x128xi32, #tpu.memory_space<hbm>>
        tpu.enqueue_dma source(%dma_start3A_108 : memref<16x128xi32, #tpu.memory_space<hbm>>) target(%arg7 : memref<16x128xi32, #tpu.memory_space<vmem>>) target_semaphore(%run_scoped3A_105 : memref<!tpu.dma_semaphore, #tpu.memory_space<semaphore_mem>>)
        %dma_wait3A = arith.constant 0 : i32
        %dma_wait3A_109 = tpu.memref_slice %arg4[%mul3A_98, %dma_wait3A] : memref<2560x128xi32, #tpu.memory_space<hbm>> -> memref<16x128xi32, #tpu.memory_space<hbm>>
        %dma_wait3A_110 = arith.constant 0 : i32
        %dma_wait3A_111 = tpu.memref_slice %arg4[%mul3A_98, %dma_wait3A_110] : memref<2560x128xi32, #tpu.memory_space<hbm>> -> memref<16x128xi32, #tpu.memory_space<hbm>>
        tpu.wait_dma2 semaphore(%run_scoped3A_105 : memref<!tpu.dma_semaphore, #tpu.memory_space<semaphore_mem>>) src(%dma_wait3A_111 : memref<16x128xi32, #tpu.memory_space<hbm>>) dst(%arg7 : memref<16x128xi32, #tpu.memory_space<vmem>>)
        tpu.yield
      }) : () -> ()
      %scan3A_99 = arith.constant 0 : i32
      %scan3A_100 = arith.constant 16 : i32
      %scan3A_101 = arith.addi %scan3A_99, %scan3A_100 : i32
      %scan3A_102 = arith.constant 1 : i32
      %scan3A_103 = scf.for %scan3A_105 = %scan3A_99 to %scan3A_101 step %scan3A_102 iter_args(%scan3A_106 = %scan3A_93) -> (i32)  : i32 {
        %get3A = arith.index_cast %scan3A_105 : i32 to index
        %get3A_107 = arith.constant 0 : index
        %get3A_108 = tpu.vector_load %arg7[%get3A, %get3A_107] {strides = array<i32>} : memref<16x128xi32, #tpu.memory_space<vmem>>, vector<16xi32>,
        %and3A_109 = arith.constant 16383 : i32
        %and3A_110 = vector.broadcast %and3A_109 : i32 to vector<16xi32>
        %and3A_111 = arith.andi %get3A_108, %and3A_110 : vector<16xi32>
        %shift_right_arithmetic3A = arith.constant 28 : i32
        %shift_right_arithmetic3A_112 = vector.broadcast %shift_right_arithmetic3A : i32 to vector<16xi32>
        %shift_right_arithmetic3A_113 = arith.shrsi %get3A_108, %shift_right_arithmetic3A_112 : vector<16xi32>
        %eq3A = vector.broadcast %arg0 : i32 to vector<16xi32>
        %eq3A_114 = arith.cmpi eq, %shift_right_arithmetic3A_113, %eq3A : vector<16xi32>
        %jit3A_115 = arith.constant 10000 : i32
        %broadcast_in_dim3A_116 = vector.broadcast %jit3A_115 : i32 to vector<16xi32>
        %select_n3A_117 = arith.select %eq3A_114, %and3A_111, %broadcast_in_dim3A_116 : vector<16xi1>, vector<16xi32>
        tpu.vector_store_idx %arg13[%select_n3A_117], %broadcast_in_dim3A_2 {add = true} : memref<10016xf32, #tpu.memory_space<vmem>>[vector<16xi32>], vector<16xf32>,
        %swap3A = arith.index_cast %scan3A_106 : i32 to index
        %swap3A_118 = tpu.vector_load %arg8[%swap3A] masked %eq3A_114 {strides = array<i32>} : memref<20736xi32, #tpu.memory_space<vmem>>, vector<16xi32>, vector<16xi1>
        tpu.vector_store %arg8[%swap3A], %get3A_108 masked %eq3A_114 {strides = array<i32>} : memref<20736xi32, #tpu.memory_space<vmem>>, vector<16xi32>, vector<16xi1>
        %all_reduce_population_count3A = tpu.all_reduce %eq3A_114 {dim = 0 : i64, kind = #tpu.reduction_kind<sum>} : vector<16xi1> -> vector<16xi32>
        %reduce_max3A = arith.constant true
        %reduce_max3A_119 = vector.broadcast %reduce_max3A : i1 to vector<16xi1>
        %reduce_max3A_120 = arith.constant -2147483648 : i32
        %reduce_max3A_121 = vector.broadcast %reduce_max3A_120 : i32 to vector<16xi32>
        %reduce_max3A_122 = arith.xori %all_reduce_population_count3A, %reduce_max3A_121 : vector<16xi32>
        %reduce_max3A_123 = tpu.scan <max>, %reduce_max3A_122 masked %reduce_max3A_119 : vector<16xi32>, vector<16xi1> -> vector<16xi32>
        %reduce_max3A_124 = arith.xori %reduce_max3A_123, %reduce_max3A_121 : vector<16xi32>
        %reduce_max3A_125 = vector.extract %reduce_max3A_124[15] : i32 from vector<16xi32>
        %add3A_126 = arith.addi %scan3A_106, %reduce_max3A_125 : i32
        %get3A_127 = arith.index_cast %scan3A_105 : i32 to index
        %get3A_128 = arith.constant 16 : index
        %get3A_129 = tpu.vector_load %arg7[%get3A_127, %get3A_128] {strides = array<i32>} : memref<16x128xi32, #tpu.memory_space<vmem>>, vector<16xi32>,
        %and3A_130 = arith.constant 16383 : i32
        %and3A_131 = vector.broadcast %and3A_130 : i32 to vector<16xi32>
        %and3A_132 = arith.andi %get3A_129, %and3A_131 : vector<16xi32>
        %shift_right_arithmetic3A_133 = arith.constant 28 : i32
        %shift_right_arithmetic3A_134 = vector.broadcast %shift_right_arithmetic3A_133 : i32 to vector<16xi32>
        %shift_right_arithmetic3A_135 = arith.shrsi %get3A_129, %shift_right_arithmetic3A_134 : vector<16xi32>
        %eq3A_136 = vector.broadcast %arg0 : i32 to vector<16xi32>
        %eq3A_137 = arith.cmpi eq, %shift_right_arithmetic3A_135, %eq3A_136 : vector<16xi32>
        %jit3A_138 = arith.constant 10000 : i32
        %broadcast_in_dim3A_139 = vector.broadcast %jit3A_138 : i32 to vector<16xi32>
        %select_n3A_140 = arith.select %eq3A_137, %and3A_132, %broadcast_in_dim3A_139 : vector<16xi1>, vector<16xi32>
        tpu.vector_store_idx %arg13[%select_n3A_140], %broadcast_in_dim3A_2 {add = true} : memref<10016xf32, #tpu.memory_space<vmem>>[vector<16xi32>], vector<16xf32>,
        %swap3A_141 = arith.index_cast %add3A_126 : i32 to index
        %swap3A_142 = tpu.vector_load %arg8[%swap3A_141] masked %eq3A_137 {strides = array<i32>} : memref<20736xi32, #tpu.memory_space<vmem>>, vector<16xi32>, vector<16xi1>
        tpu.vector_store %arg8[%swap3A_141], %get3A_129 masked %eq3A_137 {strides = array<i32>} : memref<20736xi32, #tpu.memory_space<vmem>>, vector<16xi32>, vector<16xi1>
        %all_reduce_population_count3A_143 = tpu.all_reduce %eq3A_137 {dim = 0 : i64, kind = #tpu.reduction_kind<sum>} : vector<16xi1> -> vector<16xi32>
        %reduce_max3A_144 = arith.constant true
        %reduce_max3A_145 = vector.broadcast %reduce_max3A_144 : i1 to vector<16xi1>
        %reduce_max3A_146 = arith.constant -2147483648 : i32
        %reduce_max3A_147 = vector.broadcast %reduce_max3A_146 : i32 to vector<16xi32>
        %reduce_max3A_148 = arith.xori %all_reduce_population_count3A_143, %reduce_max3A_147 : vector<16xi32>
        %reduce_max3A_149 = tpu.scan <max>, %reduce_max3A_148 masked %reduce_max3A_145 : vector<16xi32>, vector<16xi1> -> vector<16xi32>
        %reduce_max3A_150 = arith.xori %reduce_max3A_149, %reduce_max3A_147 : vector<16xi32>
        %reduce_max3A_151 = vector.extract %reduce_max3A_150[15] : i32 from vector<16xi32>
        %add3A_152 = arith.addi %add3A_126, %reduce_max3A_151 : i32
        %get3A_153 = arith.index_cast %scan3A_105 : i32 to index
        %get3A_154 = arith.constant 32 : index
        %get3A_155 = tpu.vector_load %arg7[%get3A_153, %get3A_154] {strides = array<i32>} : memref<16x128xi32, #tpu.memory_space<vmem>>, vector<16xi32>,
        %and3A_156 = arith.constant 16383 : i32
        %and3A_157 = vector.broadcast %and3A_156 : i32 to vector<16xi32>
        %and3A_158 = arith.andi %get3A_155, %and3A_157 : vector<16xi32>
        %shift_right_arithmetic3A_159 = arith.constant 28 : i32
        %shift_right_arithmetic3A_160 = vector.broadcast %shift_right_arithmetic3A_159 : i32 to vector<16xi32>
        %shift_right_arithmetic3A_161 = arith.shrsi %get3A_155, %shift_right_arithmetic3A_160 : vector<16xi32>
        %eq3A_162 = vector.broadcast %arg0 : i32 to vector<16xi32>
        %eq3A_163 = arith.cmpi eq, %shift_right_arithmetic3A_161, %eq3A_162 : vector<16xi32>
        %jit3A_164 = arith.constant 10000 : i32
        %broadcast_in_dim3A_165 = vector.broadcast %jit3A_164 : i32 to vector<16xi32>
        %select_n3A_166 = arith.select %eq3A_163, %and3A_158, %broadcast_in_dim3A_165 : vector<16xi1>, vector<16xi32>
        tpu.vector_store_idx %arg13[%select_n3A_166], %broadcast_in_dim3A_2 {add = true} : memref<10016xf32, #tpu.memory_space<vmem>>[vector<16xi32>], vector<16xf32>,
        %swap3A_167 = arith.index_cast %add3A_152 : i32 to index
        %swap3A_168 = tpu.vector_load %arg8[%swap3A_167] masked %eq3A_163 {strides = array<i32>} : memref<20736xi32, #tpu.memory_space<vmem>>, vector<16xi32>, vector<16xi1>
        tpu.vector_store %arg8[%swap3A_167], %get3A_155 masked %eq3A_163 {strides = array<i32>} : memref<20736xi32, #tpu.memory_space<vmem>>, vector<16xi32>, vector<16xi1>
        %all_reduce_population_count3A_169 = tpu.all_reduce %eq3A_163 {dim = 0 : i64, kind = #tpu.reduction_kind<sum>} : vector<16xi1> -> vector<16xi32>
        %reduce_max3A_170 = arith.constant true
        %reduce_max3A_171 = vector.broadcast %reduce_max3A_170 : i1 to vector<16xi1>
        %reduce_max3A_172 = arith.constant -2147483648 : i32
        %reduce_max3A_173 = vector.broadcast %reduce_max3A_172 : i32 to vector<16xi32>
        %reduce_max3A_174 = arith.xori %all_reduce_population_count3A_169, %reduce_max3A_173 : vector<16xi32>
        %reduce_max3A_175 = tpu.scan <max>, %reduce_max3A_174 masked %reduce_max3A_171 : vector<16xi32>, vector<16xi1> -> vector<16xi32>
        %reduce_max3A_176 = arith.xori %reduce_max3A_175, %reduce_max3A_173 : vector<16xi32>
        %reduce_max3A_177 = vector.extract %reduce_max3A_176[15] : i32 from vector<16xi32>
        %add3A_178 = arith.addi %add3A_152, %reduce_max3A_177 : i32
        %get3A_179 = arith.index_cast %scan3A_105 : i32 to index
        %get3A_180 = arith.constant 48 : index
        %get3A_181 = tpu.vector_load %arg7[%get3A_179, %get3A_180] {strides = array<i32>} : memref<16x128xi32, #tpu.memory_space<vmem>>, vector<16xi32>,
        %and3A_182 = arith.constant 16383 : i32
        %and3A_183 = vector.broadcast %and3A_182 : i32 to vector<16xi32>
        %and3A_184 = arith.andi %get3A_181, %and3A_183 : vector<16xi32>
        %shift_right_arithmetic3A_185 = arith.constant 28 : i32
        %shift_right_arithmetic3A_186 = vector.broadcast %shift_right_arithmetic3A_185 : i32 to vector<16xi32>
        %shift_right_arithmetic3A_187 = arith.shrsi %get3A_181, %shift_right_arithmetic3A_186 : vector<16xi32>
        %eq3A_188 = vector.broadcast %arg0 : i32 to vector<16xi32>
        %eq3A_189 = arith.cmpi eq, %shift_right_arithmetic3A_187, %eq3A_188 : vector<16xi32>
        %jit3A_190 = arith.constant 10000 : i32
        %broadcast_in_dim3A_191 = vector.broadcast %jit3A_190 : i32 to vector<16xi32>
        %select_n3A_192 = arith.select %eq3A_189, %and3A_184, %broadcast_in_dim3A_191 : vector<16xi1>, vector<16xi32>
        tpu.vector_store_idx %arg13[%select_n3A_192], %broadcast_in_dim3A_2 {add = true} : memref<10016xf32, #tpu.memory_space<vmem>>[vector<16xi32>], vector<16xf32>,
        %swap3A_193 = arith.index_cast %add3A_178 : i32 to index
        %swap3A_194 = tpu.vector_load %arg8[%swap3A_193] masked %eq3A_189 {strides = array<i32>} : memref<20736xi32, #tpu.memory_space<vmem>>, vector<16xi32>, vector<16xi1>
        tpu.vector_store %arg8[%swap3A_193], %get3A_181 masked %eq3A_189 {strides = array<i32>} : memref<20736xi32, #tpu.memory_space<vmem>>, vector<16xi32>, vector<16xi1>
        %all_reduce_population_count3A_195 = tpu.all_reduce %eq3A_189 {dim = 0 : i64, kind = #tpu.reduction_kind<sum>} : vector<16xi1> -> vector<16xi32>
        %reduce_max3A_196 = arith.constant true
        %reduce_max3A_197 = vector.broadcast %reduce_max3A_196 : i1 to vector<16xi1>
        %reduce_max3A_198 = arith.constant -2147483648 : i32
        %reduce_max3A_199 = vector.broadcast %reduce_max3A_198 : i32 to vector<16xi32>
        %reduce_max3A_200 = arith.xori %all_reduce_population_count3A_195, %reduce_max3A_199 : vector<16xi32>
        %reduce_max3A_201 = tpu.scan <max>, %reduce_max3A_200 masked %reduce_max3A_197 : vector<16xi32>, vector<16xi1> -> vector<16xi32>
        %reduce_max3A_202 = arith.xori %reduce_max3A_201, %reduce_max3A_199 : vector<16xi32>
        %reduce_max3A_203 = vector.extract %reduce_max3A_202[15] : i32 from vector<16xi32>
        %add3A_204 = arith.addi %add3A_178, %reduce_max3A_203 : i32
        %get3A_205 = arith.index_cast %scan3A_105 : i32 to index
        %get3A_206 = arith.constant 64 : index
        %get3A_207 = tpu.vector_load %arg7[%get3A_205, %get3A_206] {strides = array<i32>} : memref<16x128xi32, #tpu.memory_space<vmem>>, vector<16xi32>,
        %and3A_208 = arith.constant 16383 : i32
        %and3A_209 = vector.broadcast %and3A_208 : i32 to vector<16xi32>
        %and3A_210 = arith.andi %get3A_207, %and3A_209 : vector<16xi32>
        %shift_right_arithmetic3A_211 = arith.constant 28 : i32
        %shift_right_arithmetic3A_212 = vector.broadcast %shift_right_arithmetic3A_211 : i32 to vector<16xi32>
        %shift_right_arithmetic3A_213 = arith.shrsi %get3A_207, %shift_right_arithmetic3A_212 : vector<16xi32>
        %eq3A_214 = vector.broadcast %arg0 : i32 to vector<16xi32>
        %eq3A_215 = arith.cmpi eq, %shift_right_arithmetic3A_213, %eq3A_214 : vector<16xi32>
        %jit3A_216 = arith.constant 10000 : i32
        %broadcast_in_dim3A_217 = vector.broadcast %jit3A_216 : i32 to vector<16xi32>
        %select_n3A_218 = arith.select %eq3A_215, %and3A_210, %broadcast_in_dim3A_217 : vector<16xi1>, vector<16xi32>
        tpu.vector_store_idx %arg13[%select_n3A_218], %broadcast_in_dim3A_2 {add = true} : memref<10016xf32, #tpu.memory_space<vmem>>[vector<16xi32>], vector<16xf32>,
        %swap3A_219 = arith.index_cast %add3A_204 : i32 to index
        %swap3A_220 = tpu.vector_load %arg8[%swap3A_219] masked %eq3A_215 {strides = array<i32>} : memref<20736xi32, #tpu.memory_space<vmem>>, vector<16xi32>, vector<16xi1>
        tpu.vector_store %arg8[%swap3A_219], %get3A_207 masked %eq3A_215 {strides = array<i32>} : memref<20736xi32, #tpu.memory_space<vmem>>, vector<16xi32>, vector<16xi1>
        %all_reduce_population_count3A_221 = tpu.all_reduce %eq3A_215 {dim = 0 : i64, kind = #tpu.reduction_kind<sum>} : vector<16xi1> -> vector<16xi32>
        %reduce_max3A_222 = arith.constant true
        %reduce_max3A_223 = vector.broadcast %reduce_max3A_222 : i1 to vector<16xi1>
        %reduce_max3A_224 = arith.constant -2147483648 : i32
        %reduce_max3A_225 = vector.broadcast %reduce_max3A_224 : i32 to vector<16xi32>
        %reduce_max3A_226 = arith.xori %all_reduce_population_count3A_221, %reduce_max3A_225 : vector<16xi32>
        %reduce_max3A_227 = tpu.scan <max>, %reduce_max3A_226 masked %reduce_max3A_223 : vector<16xi32>, vector<16xi1> -> vector<16xi32>
        %reduce_max3A_228 = arith.xori %reduce_max3A_227, %reduce_max3A_225 : vector<16xi32>
        %reduce_max3A_229 = vector.extract %reduce_max3A_228[15] : i32 from vector<16xi32>
        %add3A_230 = arith.addi %add3A_204, %reduce_max3A_229 : i32
        %get3A_231 = arith.index_cast %scan3A_105 : i32 to index
        %get3A_232 = arith.constant 80 : index
        %get3A_233 = tpu.vector_load %arg7[%get3A_231, %get3A_232] {strides = array<i32>} : memref<16x128xi32, #tpu.memory_space<vmem>>, vector<16xi32>,
        %and3A_234 = arith.constant 16383 : i32
        %and3A_235 = vector.broadcast %and3A_234 : i32 to vector<16xi32>
        %and3A_236 = arith.andi %get3A_233, %and3A_235 : vector<16xi32>
        %shift_right_arithmetic3A_237 = arith.constant 28 : i32
        %shift_right_arithmetic3A_238 = vector.broadcast %shift_right_arithmetic3A_237 : i32 to vector<16xi32>
        %shift_right_arithmetic3A_239 = arith.shrsi %get3A_233, %shift_right_arithmetic3A_238 : vector<16xi32>
        %eq3A_240 = vector.broadcast %arg0 : i32 to vector<16xi32>
        %eq3A_241 = arith.cmpi eq, %shift_right_arithmetic3A_239, %eq3A_240 : vector<16xi32>
        %jit3A_242 = arith.constant 10000 : i32
        %broadcast_in_dim3A_243 = vector.broadcast %jit3A_242 : i32 to vector<16xi32>
        %select_n3A_244 = arith.select %eq3A_241, %and3A_236, %broadcast_in_dim3A_243 : vector<16xi1>, vector<16xi32>
        tpu.vector_store_idx %arg13[%select_n3A_244], %broadcast_in_dim3A_2 {add = true} : memref<10016xf32, #tpu.memory_space<vmem>>[vector<16xi32>], vector<16xf32>,
        %swap3A_245 = arith.index_cast %add3A_230 : i32 to index
        %swap3A_246 = tpu.vector_load %arg8[%swap3A_245] masked %eq3A_241 {strides = array<i32>} : memref<20736xi32, #tpu.memory_space<vmem>>, vector<16xi32>, vector<16xi1>
        tpu.vector_store %arg8[%swap3A_245], %get3A_233 masked %eq3A_241 {strides = array<i32>} : memref<20736xi32, #tpu.memory_space<vmem>>, vector<16xi32>, vector<16xi1>
        %all_reduce_population_count3A_247 = tpu.all_reduce %eq3A_241 {dim = 0 : i64, kind = #tpu.reduction_kind<sum>} : vector<16xi1> -> vector<16xi32>
        %reduce_max3A_248 = arith.constant true
        %reduce_max3A_249 = vector.broadcast %reduce_max3A_248 : i1 to vector<16xi1>
        %reduce_max3A_250 = arith.constant -2147483648 : i32
        %reduce_max3A_251 = vector.broadcast %reduce_max3A_250 : i32 to vector<16xi32>
        %reduce_max3A_252 = arith.xori %all_reduce_population_count3A_247, %reduce_max3A_251 : vector<16xi32>
        %reduce_max3A_253 = tpu.scan <max>, %reduce_max3A_252 masked %reduce_max3A_249 : vector<16xi32>, vector<16xi1> -> vector<16xi32>
        %reduce_max3A_254 = arith.xori %reduce_max3A_253, %reduce_max3A_251 : vector<16xi32>
        %reduce_max3A_255 = vector.extract %reduce_max3A_254[15] : i32 from vector<16xi32>
        %add3A_256 = arith.addi %add3A_230, %reduce_max3A_255 : i32
        %get3A_257 = arith.index_cast %scan3A_105 : i32 to index
        %get3A_258 = arith.constant 96 : index
        %get3A_259 = tpu.vector_load %arg7[%get3A_257, %get3A_258] {strides = array<i32>} : memref<16x128xi32, #tpu.memory_space<vmem>>, vector<16xi32>,
        %and3A_260 = arith.constant 16383 : i32
        %and3A_261 = vector.broadcast %and3A_260 : i32 to vector<16xi32>
        %and3A_262 = arith.andi %get3A_259, %and3A_261 : vector<16xi32>
        %shift_right_arithmetic3A_263 = arith.constant 28 : i32
        %shift_right_arithmetic3A_264 = vector.broadcast %shift_right_arithmetic3A_263 : i32 to vector<16xi32>
        %shift_right_arithmetic3A_265 = arith.shrsi %get3A_259, %shift_right_arithmetic3A_264 : vector<16xi32>
        %eq3A_266 = vector.broadcast %arg0 : i32 to vector<16xi32>
        %eq3A_267 = arith.cmpi eq, %shift_right_arithmetic3A_265, %eq3A_266 : vector<16xi32>
        %jit3A_268 = arith.constant 10000 : i32
        %broadcast_in_dim3A_269 = vector.broadcast %jit3A_268 : i32 to vector<16xi32>
        %select_n3A_270 = arith.select %eq3A_267, %and3A_262, %broadcast_in_dim3A_269 : vector<16xi1>, vector<16xi32>
        tpu.vector_store_idx %arg13[%select_n3A_270], %broadcast_in_dim3A_2 {add = true} : memref<10016xf32, #tpu.memory_space<vmem>>[vector<16xi32>], vector<16xf32>,
        %swap3A_271 = arith.index_cast %add3A_256 : i32 to index
        %swap3A_272 = tpu.vector_load %arg8[%swap3A_271] masked %eq3A_267 {strides = array<i32>} : memref<20736xi32, #tpu.memory_space<vmem>>, vector<16xi32>, vector<16xi1>
        tpu.vector_store %arg8[%swap3A_271], %get3A_259 masked %eq3A_267 {strides = array<i32>} : memref<20736xi32, #tpu.memory_space<vmem>>, vector<16xi32>, vector<16xi1>
        %all_reduce_population_count3A_273 = tpu.all_reduce %eq3A_267 {dim = 0 : i64, kind = #tpu.reduction_kind<sum>} : vector<16xi1> -> vector<16xi32>
        %reduce_max3A_274 = arith.constant true
        %reduce_max3A_275 = vector.broadcast %reduce_max3A_274 : i1 to vector<16xi1>
        %reduce_max3A_276 = arith.constant -2147483648 : i32
        %reduce_max3A_277 = vector.broadcast %reduce_max3A_276 : i32 to vector<16xi32>
        %reduce_max3A_278 = arith.xori %all_reduce_population_count3A_273, %reduce_max3A_277 : vector<16xi32>
        %reduce_max3A_279 = tpu.scan <max>, %reduce_max3A_278 masked %reduce_max3A_275 : vector<16xi32>, vector<16xi1> -> vector<16xi32>
        %reduce_max3A_280 = arith.xori %reduce_max3A_279, %reduce_max3A_277 : vector<16xi32>
        %reduce_max3A_281 = vector.extract %reduce_max3A_280[15] : i32 from vector<16xi32>
        %add3A_282 = arith.addi %add3A_256, %reduce_max3A_281 : i32
        %get3A_283 = arith.index_cast %scan3A_105 : i32 to index
        %get3A_284 = arith.constant 112 : index
        %get3A_285 = tpu.vector_load %arg7[%get3A_283, %get3A_284] {strides = array<i32>} : memref<16x128xi32, #tpu.memory_space<vmem>>, vector<16xi32>,
        %and3A_286 = arith.constant 16383 : i32
        %and3A_287 = vector.broadcast %and3A_286 : i32 to vector<16xi32>
        %and3A_288 = arith.andi %get3A_285, %and3A_287 : vector<16xi32>
        %shift_right_arithmetic3A_289 = arith.constant 28 : i32
        %shift_right_arithmetic3A_290 = vector.broadcast %shift_right_arithmetic3A_289 : i32 to vector<16xi32>
        %shift_right_arithmetic3A_291 = arith.shrsi %get3A_285, %shift_right_arithmetic3A_290 : vector<16xi32>
        %eq3A_292 = vector.broadcast %arg0 : i32 to vector<16xi32>
        %eq3A_293 = arith.cmpi eq, %shift_right_arithmetic3A_291, %eq3A_292 : vector<16xi32>
        %jit3A_294 = arith.constant 10000 : i32
        %broadcast_in_dim3A_295 = vector.broadcast %jit3A_294 : i32 to vector<16xi32>
        %select_n3A_296 = arith.select %eq3A_293, %and3A_288, %broadcast_in_dim3A_295 : vector<16xi1>, vector<16xi32>
        tpu.vector_store_idx %arg13[%select_n3A_296], %broadcast_in_dim3A_2 {add = true} : memref<10016xf32, #tpu.memory_space<vmem>>[vector<16xi32>], vector<16xf32>,
        %swap3A_297 = arith.index_cast %add3A_282 : i32 to index
        %swap3A_298 = tpu.vector_load %arg8[%swap3A_297] masked %eq3A_293 {strides = array<i32>} : memref<20736xi32, #tpu.memory_space<vmem>>, vector<16xi32>, vector<16xi1>
        tpu.vector_store %arg8[%swap3A_297], %get3A_285 masked %eq3A_293 {strides = array<i32>} : memref<20736xi32, #tpu.memory_space<vmem>>, vector<16xi32>, vector<16xi1>
        %all_reduce_population_count3A_299 = tpu.all_reduce %eq3A_293 {dim = 0 : i64, kind = #tpu.reduction_kind<sum>} : vector<16xi1> -> vector<16xi32>
        %reduce_max3A_300 = arith.constant true
        %reduce_max3A_301 = vector.broadcast %reduce_max3A_300 : i1 to vector<16xi1>
        %reduce_max3A_302 = arith.constant -2147483648 : i32
        %reduce_max3A_303 = vector.broadcast %reduce_max3A_302 : i32 to vector<16xi32>
        %reduce_max3A_304 = arith.xori %all_reduce_population_count3A_299, %reduce_max3A_303 : vector<16xi32>
        %reduce_max3A_305 = tpu.scan <max>, %reduce_max3A_304 masked %reduce_max3A_301 : vector<16xi32>, vector<16xi1> -> vector<16xi32>
        %reduce_max3A_306 = arith.xori %reduce_max3A_305, %reduce_max3A_303 : vector<16xi32>
        %reduce_max3A_307 = vector.extract %reduce_max3A_306[15] : i32 from vector<16xi32>
        %add3A_308 = arith.addi %add3A_282, %reduce_max3A_307 : i32
        scf.yield %add3A_308 : i32
      }
      %scan3A_104 = arith.constant 16 : i32
      scf.yield %scan3A_103 : i32
    }
    %scan3A_22 = arith.constant 10 : i32
    %scan3A_23 = arith.constant 0 : i32
    %scan3A_24 = arith.constant 16 : i32
    %scan3A_25 = arith.addi %scan3A_23, %scan3A_24 : i32
    %scan3A_26 = arith.constant 1 : i32
    %scan3A_27 = scf.for %scan3A_92 = %scan3A_23 to %scan3A_25 step %scan3A_26 iter_args(%scan3A_93 = %scan3A_21) -> (i32)  : i32 {
      %broadcast_in_dim3A_94 = arith.constant 10000 : i32
      %broadcast_in_dim3A_95 = vector.broadcast %broadcast_in_dim3A_94 : i32 to vector<16xi32>
      %swap3A = arith.index_cast %scan3A_93 : i32 to index
      %swap3A_96 = tpu.vector_load %arg8[%swap3A] {strides = array<i32>} : memref<20736xi32, #tpu.memory_space<vmem>>, vector<16xi32>,
      tpu.vector_store %arg8[%swap3A], %broadcast_in_dim3A_95 {strides = array<i32>} : memref<20736xi32, #tpu.memory_space<vmem>>, vector<16xi32>,
      %jit3A_97 = arith.constant 256 : i32
      %eq3A = arith.constant 0 : i32
      %eq3A_98 = arith.cmpi eq, %jit3A_97, %eq3A : i32
      %jit3A_99 = arith.constant 1 : i32
      %select_n3A_100 = arith.select %eq3A_98, %jit3A_99, %jit3A_97 : i32
      %rem3A_101 = arith.remsi %scan3A_93, %select_n3A_100 : i32
      %ne3A_102 = arith.constant 0 : i32
      %ne3A_103 = arith.cmpi ne, %rem3A_101, %ne3A_102 : i32
      %lt3A = arith.constant 0 : i32
      %lt3A_104 = arith.cmpi slt, %rem3A_101, %lt3A : i32
      %lt3A_105 = arith.constant 0 : i32
      %lt3A_106 = arith.cmpi slt, %select_n3A_100, %lt3A_105 : i32
      %ne3A_107 = arith.xori %lt3A_104, %lt3A_106 : i1
      %and3A_108 = arith.andi %ne3A_107, %ne3A_103 : i1
      %add3A_109 = arith.addi %rem3A_101, %select_n3A_100 : i32
      %select_n3A_110 = arith.select %and3A_108, %add3A_109, %rem3A_101 : i32
      %ne3A_111 = arith.constant 0 : i32
      %ne3A_112 = arith.cmpi ne, %select_n3A_110, %ne3A_111 : i32
      %jit3A_113 = arith.constant 16 : i32
      %jit3A_114 = arith.constant 0 : i32
      %select_n3A_115 = arith.select %ne3A_112, %jit3A_113, %jit3A_114 : i32
      %add3A_116 = arith.addi %scan3A_93, %select_n3A_115 : i32
      scf.yield %add3A_116 : i32
    }
    %scan3A_28 = arith.constant 16 : i32
    %jit3A = arith.constant 256 : i32
    %div3A = arith.divsi %scan3A_27, %jit3A : i32
    %sign3A = arith.constant 0 : i32
    %sign3A_29 = arith.cmpi sgt, %scan3A_27, %sign3A : i32
    %sign3A_30 = arith.extui %sign3A_29 : i1 to i32
    %sign3A_31 = arith.constant 0 : i32
    %sign3A_32 = arith.cmpi slt, %scan3A_27, %sign3A_31 : i32
    %sign3A_33 = arith.extui %sign3A_32 : i1 to i32
    %sign3A_34 = arith.subi %sign3A_30, %sign3A_33 : i32
    %sign3A_35 = arith.constant 0 : i32
    %sign3A_36 = arith.cmpi sgt, %jit3A, %sign3A_35 : i32
    %sign3A_37 = arith.extui %sign3A_36 : i1 to i32
    %sign3A_38 = arith.constant 0 : i32
    %sign3A_39 = arith.cmpi slt, %jit3A, %sign3A_38 : i32
    %sign3A_40 = arith.extui %sign3A_39 : i1 to i32
    %sign3A_41 = arith.subi %sign3A_37, %sign3A_40 : i32
    %ne3A = arith.cmpi ne, %sign3A_34, %sign3A_41 : i32
    %rem3A = arith.remsi %scan3A_27, %jit3A : i32
    %ne3A_42 = arith.constant 0 : i32
    %ne3A_43 = arith.cmpi ne, %rem3A, %ne3A_42 : i32
    %and3A = arith.andi %ne3A, %ne3A_43 : i1
    %sub3A = arith.constant 1 : i32
    %sub3A_44 = arith.subi %div3A, %sub3A : i32
    %select_n3A = arith.select %and3A, %sub3A_44, %div3A : i32
    "tpu.region"() ({
      %run_scoped3A_92 = tpu.sem_alloc : memref<!tpu.dma_semaphore, #tpu.memory_space<semaphore_mem>>
      %dma_start3A = arith.constant 0 : i32
      %dma_start3A_93 = tpu.memref_slice %arg6[%arg0, %arg1, %dma_start3A] : memref<2x16x10016xf32, #tpu.memory_space<hbm>> -> memref<1x1x10016xf32, #tpu.memory_space<hbm>>
      %dma_start3A_94 = tpu.memref_squeeze %dma_start3A_93 : memref<1x1x10016xf32, #tpu.memory_space<hbm>> -> memref<10016xf32, #tpu.memory_space<hbm>>
      %dma_start3A_95 = arith.constant 0 : i32
      %dma_start3A_96 = tpu.memref_slice %arg6[%arg0, %arg1, %dma_start3A_95] : memref<2x16x10016xf32, #tpu.memory_space<hbm>> -> memref<1x1x10016xf32, #tpu.memory_space<hbm>>
      %dma_start3A_97 = tpu.memref_squeeze %dma_start3A_96 : memref<1x1x10016xf32, #tpu.memory_space<hbm>> -> memref<10016xf32, #tpu.memory_space<hbm>>
      tpu.enqueue_dma source(%arg13 : memref<10016xf32, #tpu.memory_space<vmem>>) target(%dma_start3A_97 : memref<10016xf32, #tpu.memory_space<hbm>>) target_semaphore(%run_scoped3A_92 : memref<!tpu.dma_semaphore, #tpu.memory_space<semaphore_mem>>)
      %dma_wait3A = arith.constant 0 : i32
      %dma_wait3A_98 = tpu.memref_slice %arg6[%arg0, %arg1, %dma_wait3A] : memref<2x16x10016xf32, #tpu.memory_space<hbm>> -> memref<1x1x10016xf32, #tpu.memory_space<hbm>>
      %dma_wait3A_99 = tpu.memref_squeeze %dma_wait3A_98 : memref<1x1x10016xf32, #tpu.memory_space<hbm>> -> memref<10016xf32, #tpu.memory_space<hbm>>
      %dma_wait3A_100 = arith.constant 0 : i32
      %dma_wait3A_101 = tpu.memref_slice %arg6[%arg0, %arg1, %dma_wait3A_100] : memref<2x16x10016xf32, #tpu.memory_space<hbm>> -> memref<1x1x10016xf32, #tpu.memory_space<hbm>>
      %dma_wait3A_102 = tpu.memref_squeeze %dma_wait3A_101 : memref<1x1x10016xf32, #tpu.memory_space<hbm>> -> memref<10016xf32, #tpu.memory_space<hbm>>
      tpu.wait_dma2 semaphore(%run_scoped3A_92 : memref<!tpu.dma_semaphore, #tpu.memory_space<semaphore_mem>>) src(%arg13 : memref<10016xf32, #tpu.memory_space<vmem>>) dst(%dma_wait3A_102 : memref<10016xf32, #tpu.memory_space<hbm>>)
      tpu.yield
    }) : () -> ()
    %mul3A = arith.constant 626 : i32
    %mul3A_45 = arith.muli %arg1, %mul3A : i32
    "tpu.region"() ({
      %run_scoped3A_92 = tpu.sem_alloc : memref<!tpu.dma_semaphore, #tpu.memory_space<semaphore_mem>>
      %dma_start3A = arith.constant 0 : i32
      %dma_start3A_93 = tpu.memref_slice %arg14[%mul3A_45, %dma_start3A] : memref<10016x64xf32, #tpu.memory_space<vmem_shared>> -> memref<313x64xf32, #tpu.memory_space<vmem_shared>>
      %dma_start3A_94 = arith.constant 0 : i32
      %dma_start3A_95 = tpu.memref_slice %arg14[%mul3A_45, %dma_start3A_94] : memref<10016x64xf32, #tpu.memory_space<vmem_shared>> -> memref<313x64xf32, #tpu.memory_space<vmem_shared>>
      tpu.enqueue_dma source(%arg12 : memref<313x64xf32, #tpu.memory_space<vmem>>) target(%dma_start3A_95 : memref<313x64xf32, #tpu.memory_space<vmem_shared>>) target_semaphore(%run_scoped3A_92 : memref<!tpu.dma_semaphore, #tpu.memory_space<semaphore_mem>>)
      %dma_wait3A = arith.constant 0 : i32
      %dma_wait3A_96 = tpu.memref_slice %arg14[%mul3A_45, %dma_wait3A] : memref<10016x64xf32, #tpu.memory_space<vmem_shared>> -> memref<313x64xf32, #tpu.memory_space<vmem_shared>>
      %dma_wait3A_97 = arith.constant 0 : i32
      %dma_wait3A_98 = tpu.memref_slice %arg14[%mul3A_45, %dma_wait3A_97] : memref<10016x64xf32, #tpu.memory_space<vmem_shared>> -> memref<313x64xf32, #tpu.memory_space<vmem_shared>>
      tpu.wait_dma2 semaphore(%run_scoped3A_92 : memref<!tpu.dma_semaphore, #tpu.memory_space<semaphore_mem>>) src(%arg12 : memref<313x64xf32, #tpu.memory_space<vmem>>) dst(%dma_wait3A_98 : memref<313x64xf32, #tpu.memory_space<vmem_shared>>)
      tpu.yield
    }) : () -> ()
    %mul3A_46 = arith.constant 626 : i32
    %mul3A_47 = arith.muli %arg1, %mul3A_46 : i32
    %add3A = arith.constant 313 : i32
    %add3A_48 = arith.addi %mul3A_47, %add3A : i32
    "tpu.region"() ({
      %run_scoped3A_92 = tpu.sem_alloc : memref<!tpu.dma_semaphore, #tpu.memory_space<semaphore_mem>>
      %dma_start3A = arith.constant 0 : i32
      %dma_start3A_93 = tpu.memref_slice %arg14[%add3A_48, %dma_start3A] : memref<10016x64xf32, #tpu.memory_space<vmem_shared>> -> memref<313x64xf32, #tpu.memory_space<vmem_shared>>
      %dma_start3A_94 = arith.constant 0 : i32
      %dma_start3A_95 = tpu.memref_slice %arg14[%add3A_48, %dma_start3A_94] : memref<10016x64xf32, #tpu.memory_space<vmem_shared>> -> memref<313x64xf32, #tpu.memory_space<vmem_shared>>
      tpu.enqueue_dma source(%arg12 : memref<313x64xf32, #tpu.memory_space<vmem>>) target(%dma_start3A_95 : memref<313x64xf32, #tpu.memory_space<vmem_shared>>) target_semaphore(%run_scoped3A_92 : memref<!tpu.dma_semaphore, #tpu.memory_space<semaphore_mem>>)
      %dma_wait3A = arith.constant 0 : i32
      %dma_wait3A_96 = tpu.memref_slice %arg14[%add3A_48, %dma_wait3A] : memref<10016x64xf32, #tpu.memory_space<vmem_shared>> -> memref<313x64xf32, #tpu.memory_space<vmem_shared>>
      %dma_wait3A_97 = arith.constant 0 : i32
      %dma_wait3A_98 = tpu.memref_slice %arg14[%add3A_48, %dma_wait3A_97] : memref<10016x64xf32, #tpu.memory_space<vmem_shared>> -> memref<313x64xf32, #tpu.memory_space<vmem_shared>>
      tpu.wait_dma2 semaphore(%run_scoped3A_92 : memref<!tpu.dma_semaphore, #tpu.memory_space<semaphore_mem>>) src(%arg12 : memref<313x64xf32, #tpu.memory_space<vmem>>) dst(%dma_wait3A_98 : memref<313x64xf32, #tpu.memory_space<vmem_shared>>)
      tpu.yield
    }) : () -> ()
    %barrier3A = arith.constant 0 : index
    tpu.barrier barrier_id(%barrier3A)
    %while3A = arith.constant 0 : i32
    %while3A_49 = arith.constant 0 : i32
    %while3A_50 = arith.subi %select_n3A, %while3A : i32
    %while3A_51 = arith.addi %while3A, %while3A_50 : i32
    %while3A_52 = arith.constant 1 : i32
    %while3A_53 = arith.divsi %while3A_50, %while3A_52 : i32
    %while3A_54 = arith.muli %while3A_53, %while3A_52 : i32
    %while3A_55 = arith.addi %while3A, %while3A_54 : i32
    %while3A_56 = arith.constant 1 : i32
    %while3A_57 = scf.for %while3A_92 = %while3A to %while3A_55 step %while3A_56 iter_args(%while3A_93 = %while3A_49) -> (i32)  : i32 {
      %mul3A_94 = arith.constant 2 : i32
      %mul3A_95 = arith.muli %while3A_92, %mul3A_94 : i32
      %mul3A_96 = arith.constant 128 : i32
      %mul3A_97 = arith.muli %mul3A_95, %mul3A_96 : i32
      %add3A_98 = arith.constant 0 : i32
      %add3A_99 = arith.addi %mul3A_97, %add3A_98 : i32
      %get3A = arith.index_cast %add3A_99 : i32 to index
      %get3A_100 = tpu.vector_load %arg8[%get3A] {strides = array<i32>} : memref<20736xi32, #tpu.memory_space<vmem>>, vector<16xi32>,
      %mul3A_101 = arith.constant 2 : i32
      %mul3A_102 = arith.muli %while3A_92, %mul3A_101 : i32
      %mul3A_103 = arith.constant 128 : i32
      %mul3A_104 = arith.muli %mul3A_102, %mul3A_103 : i32
      %add3A_105 = arith.constant 128 : i32
      %add3A_106 = arith.addi %mul3A_104, %add3A_105 : i32
      %add3A_107 = arith.constant 0 : i32
      %add3A_108 = arith.addi %add3A_106, %add3A_107 : i32
      %get3A_109 = arith.index_cast %add3A_108 : i32 to index
      %get3A_110 = tpu.vector_load %arg8[%get3A_109] {strides = array<i32>} : memref<20736xi32, #tpu.memory_space<vmem>>, vector<16xi32>,
      %and3A_111 = arith.constant 16383 : i32
      %and3A_112 = vector.broadcast %and3A_111 : i32 to vector<16xi32>
      %and3A_113 = arith.andi %get3A_100, %and3A_112 : vector<16xi32>
      %swap3A = arith.constant 0 : i32
      %swap3A_114 = arith.index_cast %swap3A : i32 to index
      %swap3A_115 = arith.constant 0 : index
      %swap3A_116 = tpu.vector_load %arg9[%swap3A_114, %swap3A_115] {strides = array<i32>} : memref<4x128xi32, #tpu.memory_space<vmem>>, vector<16xi32>,
      tpu.vector_store %arg9[%swap3A_114, %swap3A_115], %and3A_113 {strides = array<i32>} : memref<4x128xi32, #tpu.memory_space<vmem>>, vector<16xi32>,
      %and3A_117 = arith.constant 16383 : i32
      %and3A_118 = vector.broadcast %and3A_117 : i32 to vector<16xi32>
      %and3A_119 = arith.andi %get3A_110, %and3A_118 : vector<16xi32>
      %swap3A_120 = arith.constant 1 : i32
      %swap3A_121 = arith.index_cast %swap3A_120 : i32 to index
      %swap3A_122 = arith.constant 0 : index
      %swap3A_123 = tpu.vector_load %arg9[%swap3A_121, %swap3A_122] {strides = array<i32>} : memref<4x128xi32, #tpu.memory_space<vmem>>, vector<16xi32>,
      tpu.vector_store %arg9[%swap3A_121, %swap3A_122], %and3A_119 {strides = array<i32>} : memref<4x128xi32, #tpu.memory_space<vmem>>, vector<16xi32>,
      %shift_right_arithmetic3A = arith.constant 14 : i32
      %shift_right_arithmetic3A_124 = vector.broadcast %shift_right_arithmetic3A : i32 to vector<16xi32>
      %shift_right_arithmetic3A_125 = arith.shrsi %get3A_100, %shift_right_arithmetic3A_124 : vector<16xi32>
      %and3A_126 = arith.constant 16383 : i32
      %and3A_127 = vector.broadcast %and3A_126 : i32 to vector<16xi32>
      %and3A_128 = arith.andi %shift_right_arithmetic3A_125, %and3A_127 : vector<16xi32>
      %swap3A_129 = arith.constant 2 : i32
      %swap3A_130 = arith.index_cast %swap3A_129 : i32 to index
      %swap3A_131 = arith.constant 0 : index
      %swap3A_132 = tpu.vector_load %arg9[%swap3A_130, %swap3A_131] {strides = array<i32>} : memref<4x128xi32, #tpu.memory_space<vmem>>, vector<16xi32>,
      tpu.vector_store %arg9[%swap3A_130, %swap3A_131], %and3A_128 {strides = array<i32>} : memref<4x128xi32, #tpu.memory_space<vmem>>, vector<16xi32>,
      %shift_right_arithmetic3A_133 = arith.constant 14 : i32
      %shift_right_arithmetic3A_134 = vector.broadcast %shift_right_arithmetic3A_133 : i32 to vector<16xi32>
      %shift_right_arithmetic3A_135 = arith.shrsi %get3A_110, %shift_right_arithmetic3A_134 : vector<16xi32>
      %and3A_136 = arith.constant 16383 : i32
      %and3A_137 = vector.broadcast %and3A_136 : i32 to vector<16xi32>
      %and3A_138 = arith.andi %shift_right_arithmetic3A_135, %and3A_137 : vector<16xi32>
      %swap3A_139 = arith.constant 3 : i32
      %swap3A_140 = arith.index_cast %swap3A_139 : i32 to index
      %swap3A_141 = arith.constant 0 : index
      %swap3A_142 = tpu.vector_load %arg9[%swap3A_140, %swap3A_141] {strides = array<i32>} : memref<4x128xi32, #tpu.memory_space<vmem>>, vector<16xi32>,
      tpu.vector_store %arg9[%swap3A_140, %swap3A_141], %and3A_138 {strides = array<i32>} : memref<4x128xi32, #tpu.memory_space<vmem>>, vector<16xi32>,
      %mul3A_143 = arith.constant 2 : i32
      %mul3A_144 = arith.muli %while3A_92, %mul3A_143 : i32
      %mul3A_145 = arith.constant 128 : i32
      %mul3A_146 = arith.muli %mul3A_144, %mul3A_145 : i32
      %add3A_147 = arith.constant 16 : i32
      %add3A_148 = arith.addi %mul3A_146, %add3A_147 : i32
      %get3A_149 = arith.index_cast %add3A_148 : i32 to index
      %get3A_150 = tpu.vector_load %arg8[%get3A_149] {strides = array<i32>} : memref<20736xi32, #tpu.memory_space<vmem>>, vector<16xi32>,
      %mul3A_151 = arith.constant 2 : i32
      %mul3A_152 = arith.muli %while3A_92, %mul3A_151 : i32
      %mul3A_153 = arith.constant 128 : i32
      %mul3A_154 = arith.muli %mul3A_152, %mul3A_153 : i32
      %add3A_155 = arith.constant 128 : i32
      %add3A_156 = arith.addi %mul3A_154, %add3A_155 : i32
      %add3A_157 = arith.constant 16 : i32
      %add3A_158 = arith.addi %add3A_156, %add3A_157 : i32
      %get3A_159 = arith.index_cast %add3A_158 : i32 to index
      %get3A_160 = tpu.vector_load %arg8[%get3A_159] {strides = array<i32>} : memref<20736xi32, #tpu.memory_space<vmem>>, vector<16xi32>,
      %and3A_161 = arith.constant 16383 : i32
      %and3A_162 = vector.broadcast %and3A_161 : i32 to vector<16xi32>
      %and3A_163 = arith.andi %get3A_150, %and3A_162 : vector<16xi32>
      %swap3A_164 = arith.constant 0 : i32
      %swap3A_165 = arith.index_cast %swap3A_164 : i32 to index
      %swap3A_166 = arith.constant 16 : index
      %swap3A_167 = tpu.vector_load %arg9[%swap3A_165, %swap3A_166] {strides = array<i32>} : memref<4x128xi32, #tpu.memory_space<vmem>>, vector<16xi32>,
      tpu.vector_store %arg9[%swap3A_165, %swap3A_166], %and3A_163 {strides = array<i32>} : memref<4x128xi32, #tpu.memory_space<vmem>>, vector<16xi32>,
      %and3A_168 = arith.constant 16383 : i32
      %and3A_169 = vector.broadcast %and3A_168 : i32 to vector<16xi32>
      %and3A_170 = arith.andi %get3A_160, %and3A_169 : vector<16xi32>
      %swap3A_171 = arith.constant 1 : i32
      %swap3A_172 = arith.index_cast %swap3A_171 : i32 to index
      %swap3A_173 = arith.constant 16 : index
      %swap3A_174 = tpu.vector_load %arg9[%swap3A_172, %swap3A_173] {strides = array<i32>} : memref<4x128xi32, #tpu.memory_space<vmem>>, vector<16xi32>,
      tpu.vector_store %arg9[%swap3A_172, %swap3A_173], %and3A_170 {strides = array<i32>} : memref<4x128xi32, #tpu.memory_space<vmem>>, vector<16xi32>,
      %shift_right_arithmetic3A_175 = arith.constant 14 : i32
      %shift_right_arithmetic3A_176 = vector.broadcast %shift_right_arithmetic3A_175 : i32 to vector<16xi32>
      %shift_right_arithmetic3A_177 = arith.shrsi %get3A_150, %shift_right_arithmetic3A_176 : vector<16xi32>
      %and3A_178 = arith.constant 16383 : i32
      %and3A_179 = vector.broadcast %and3A_178 : i32 to vector<16xi32>
      %and3A_180 = arith.andi %shift_right_arithmetic3A_177, %and3A_179 : vector<16xi32>
      %swap3A_181 = arith.constant 2 : i32
      %swap3A_182 = arith.index_cast %swap3A_181 : i32 to index
      %swap3A_183 = arith.constant 16 : index
      %swap3A_184 = tpu.vector_load %arg9[%swap3A_182, %swap3A_183] {strides = array<i32>} : memref<4x128xi32, #tpu.memory_space<vmem>>, vector<16xi32>,
      tpu.vector_store %arg9[%swap3A_182, %swap3A_183], %and3A_180 {strides = array<i32>} : memref<4x128xi32, #tpu.memory_space<vmem>>, vector<16xi32>,
      %shift_right_arithmetic3A_185 = arith.constant 14 : i32
      %shift_right_arithmetic3A_186 = vector.broadcast %shift_right_arithmetic3A_185 : i32 to vector<16xi32>
      %shift_right_arithmetic3A_187 = arith.shrsi %get3A_160, %shift_right_arithmetic3A_186 : vector<16xi32>
      %and3A_188 = arith.constant 16383 : i32
      %and3A_189 = vector.broadcast %and3A_188 : i32 to vector<16xi32>
      %and3A_190 = arith.andi %shift_right_arithmetic3A_187, %and3A_189 : vector<16xi32>
      %swap3A_191 = arith.constant 3 : i32
      %swap3A_192 = arith.index_cast %swap3A_191 : i32 to index
      %swap3A_193 = arith.constant 16 : index
      %swap3A_194 = tpu.vector_load %arg9[%swap3A_192, %swap3A_193] {strides = array<i32>} : memref<4x128xi32, #tpu.memory_space<vmem>>, vector<16xi32>,
      tpu.vector_store %arg9[%swap3A_192, %swap3A_193], %and3A_190 {strides = array<i32>} : memref<4x128xi32, #tpu.memory_space<vmem>>, vector<16xi32>,
      %mul3A_195 = arith.constant 2 : i32
      %mul3A_196 = arith.muli %while3A_92, %mul3A_195 : i32
      %mul3A_197 = arith.constant 128 : i32
      %mul3A_198 = arith.muli %mul3A_196, %mul3A_197 : i32
      %add3A_199 = arith.constant 32 : i32
      %add3A_200 = arith.addi %mul3A_198, %add3A_199 : i32
      %get3A_201 = arith.index_cast %add3A_200 : i32 to index
      %get3A_202 = tpu.vector_load %arg8[%get3A_201] {strides = array<i32>} : memref<20736xi32, #tpu.memory_space<vmem>>, vector<16xi32>,
      %mul3A_203 = arith.constant 2 : i32
      %mul3A_204 = arith.muli %while3A_92, %mul3A_203 : i32
      %mul3A_205 = arith.constant 128 : i32
      %mul3A_206 = arith.muli %mul3A_204, %mul3A_205 : i32
      %add3A_207 = arith.constant 128 : i32
      %add3A_208 = arith.addi %mul3A_206, %add3A_207 : i32
      %add3A_209 = arith.constant 32 : i32
      %add3A_210 = arith.addi %add3A_208, %add3A_209 : i32
      %get3A_211 = arith.index_cast %add3A_210 : i32 to index
      %get3A_212 = tpu.vector_load %arg8[%get3A_211] {strides = array<i32>} : memref<20736xi32, #tpu.memory_space<vmem>>, vector<16xi32>,
      %and3A_213 = arith.constant 16383 : i32
      %and3A_214 = vector.broadcast %and3A_213 : i32 to vector<16xi32>
      %and3A_215 = arith.andi %get3A_202, %and3A_214 : vector<16xi32>
      %swap3A_216 = arith.constant 0 : i32
      %swap3A_217 = arith.index_cast %swap3A_216 : i32 to index
      %swap3A_218 = arith.constant 32 : index
      %swap3A_219 = tpu.vector_load %arg9[%swap3A_217, %swap3A_218] {strides = array<i32>} : memref<4x128xi32, #tpu.memory_space<vmem>>, vector<16xi32>,
      tpu.vector_store %arg9[%swap3A_217, %swap3A_218], %and3A_215 {strides = array<i32>} : memref<4x128xi32, #tpu.memory_space<vmem>>, vector<16xi32>,
      %and3A_220 = arith.constant 16383 : i32
      %and3A_221 = vector.broadcast %and3A_220 : i32 to vector<16xi32>
      %and3A_222 = arith.andi %get3A_212, %and3A_221 : vector<16xi32>
      %swap3A_223 = arith.constant 1 : i32
      %swap3A_224 = arith.index_cast %swap3A_223 : i32 to index
      %swap3A_225 = arith.constant 32 : index
      %swap3A_226 = tpu.vector_load %arg9[%swap3A_224, %swap3A_225] {strides = array<i32>} : memref<4x128xi32, #tpu.memory_space<vmem>>, vector<16xi32>,
      tpu.vector_store %arg9[%swap3A_224, %swap3A_225], %and3A_222 {strides = array<i32>} : memref<4x128xi32, #tpu.memory_space<vmem>>, vector<16xi32>,
      %shift_right_arithmetic3A_227 = arith.constant 14 : i32
      %shift_right_arithmetic3A_228 = vector.broadcast %shift_right_arithmetic3A_227 : i32 to vector<16xi32>
      %shift_right_arithmetic3A_229 = arith.shrsi %get3A_202, %shift_right_arithmetic3A_228 : vector<16xi32>
      %and3A_230 = arith.constant 16383 : i32
      %and3A_231 = vector.broadcast %and3A_230 : i32 to vector<16xi32>
      %and3A_232 = arith.andi %shift_right_arithmetic3A_229, %and3A_231 : vector<16xi32>
      %swap3A_233 = arith.constant 2 : i32
      %swap3A_234 = arith.index_cast %swap3A_233 : i32 to index
      %swap3A_235 = arith.constant 32 : index
      %swap3A_236 = tpu.vector_load %arg9[%swap3A_234, %swap3A_235] {strides = array<i32>} : memref<4x128xi32, #tpu.memory_space<vmem>>, vector<16xi32>,
      tpu.vector_store %arg9[%swap3A_234, %swap3A_235], %and3A_232 {strides = array<i32>} : memref<4x128xi32, #tpu.memory_space<vmem>>, vector<16xi32>,
      %shift_right_arithmetic3A_237 = arith.constant 14 : i32
      %shift_right_arithmetic3A_238 = vector.broadcast %shift_right_arithmetic3A_237 : i32 to vector<16xi32>
      %shift_right_arithmetic3A_239 = arith.shrsi %get3A_212, %shift_right_arithmetic3A_238 : vector<16xi32>
      %and3A_240 = arith.constant 16383 : i32
      %and3A_241 = vector.broadcast %and3A_240 : i32 to vector<16xi32>
      %and3A_242 = arith.andi %shift_right_arithmetic3A_239, %and3A_241 : vector<16xi32>
      %swap3A_243 = arith.constant 3 : i32
      %swap3A_244 = arith.index_cast %swap3A_243 : i32 to index
      %swap3A_245 = arith.constant 32 : index
      %swap3A_246 = tpu.vector_load %arg9[%swap3A_244, %swap3A_245] {strides = array<i32>} : memref<4x128xi32, #tpu.memory_space<vmem>>, vector<16xi32>,
      tpu.vector_store %arg9[%swap3A_244, %swap3A_245], %and3A_242 {strides = array<i32>} : memref<4x128xi32, #tpu.memory_space<vmem>>, vector<16xi32>,
      %mul3A_247 = arith.constant 2 : i32
      %mul3A_248 = arith.muli %while3A_92, %mul3A_247 : i32
      %mul3A_249 = arith.constant 128 : i32
      %mul3A_250 = arith.muli %mul3A_248, %mul3A_249 : i32
      %add3A_251 = arith.constant 48 : i32
      %add3A_252 = arith.addi %mul3A_250, %add3A_251 : i32
      %get3A_253 = arith.index_cast %add3A_252 : i32 to index
      %get3A_254 = tpu.vector_load %arg8[%get3A_253] {strides = array<i32>} : memref<20736xi32, #tpu.memory_space<vmem>>, vector<16xi32>,
      %mul3A_255 = arith.constant 2 : i32
      %mul3A_256 = arith.muli %while3A_92, %mul3A_255 : i32
      %mul3A_257 = arith.constant 128 : i32
      %mul3A_258 = arith.muli %mul3A_256, %mul3A_257 : i32
      %add3A_259 = arith.constant 128 : i32
      %add3A_260 = arith.addi %mul3A_258, %add3A_259 : i32
      %add3A_261 = arith.constant 48 : i32
      %add3A_262 = arith.addi %add3A_260, %add3A_261 : i32
      %get3A_263 = arith.index_cast %add3A_262 : i32 to index
      %get3A_264 = tpu.vector_load %arg8[%get3A_263] {strides = array<i32>} : memref<20736xi32, #tpu.memory_space<vmem>>, vector<16xi32>,
      %and3A_265 = arith.constant 16383 : i32
      %and3A_266 = vector.broadcast %and3A_265 : i32 to vector<16xi32>
      %and3A_267 = arith.andi %get3A_254, %and3A_266 : vector<16xi32>
      %swap3A_268 = arith.constant 0 : i32
      %swap3A_269 = arith.index_cast %swap3A_268 : i32 to index
      %swap3A_270 = arith.constant 48 : index
      %swap3A_271 = tpu.vector_load %arg9[%swap3A_269, %swap3A_270] {strides = array<i32>} : memref<4x128xi32, #tpu.memory_space<vmem>>, vector<16xi32>,
      tpu.vector_store %arg9[%swap3A_269, %swap3A_270], %and3A_267 {strides = array<i32>} : memref<4x128xi32, #tpu.memory_space<vmem>>, vector<16xi32>,
      %and3A_272 = arith.constant 16383 : i32
      %and3A_273 = vector.broadcast %and3A_272 : i32 to vector<16xi32>
      %and3A_274 = arith.andi %get3A_264, %and3A_273 : vector<16xi32>
      %swap3A_275 = arith.constant 1 : i32
      %swap3A_276 = arith.index_cast %swap3A_275 : i32 to index
      %swap3A_277 = arith.constant 48 : index
      %swap3A_278 = tpu.vector_load %arg9[%swap3A_276, %swap3A_277] {strides = array<i32>} : memref<4x128xi32, #tpu.memory_space<vmem>>, vector<16xi32>,
      tpu.vector_store %arg9[%swap3A_276, %swap3A_277], %and3A_274 {strides = array<i32>} : memref<4x128xi32, #tpu.memory_space<vmem>>, vector<16xi32>,
      %shift_right_arithmetic3A_279 = arith.constant 14 : i32
      %shift_right_arithmetic3A_280 = vector.broadcast %shift_right_arithmetic3A_279 : i32 to vector<16xi32>
      %shift_right_arithmetic3A_281 = arith.shrsi %get3A_254, %shift_right_arithmetic3A_280 : vector<16xi32>
      %and3A_282 = arith.constant 16383 : i32
      %and3A_283 = vector.broadcast %and3A_282 : i32 to vector<16xi32>
      %and3A_284 = arith.andi %shift_right_arithmetic3A_281, %and3A_283 : vector<16xi32>
      %swap3A_285 = arith.constant 2 : i32
      %swap3A_286 = arith.index_cast %swap3A_285 : i32 to index
      %swap3A_287 = arith.constant 48 : index
      %swap3A_288 = tpu.vector_load %arg9[%swap3A_286, %swap3A_287] {strides = array<i32>} : memref<4x128xi32, #tpu.memory_space<vmem>>, vector<16xi32>,
      tpu.vector_store %arg9[%swap3A_286, %swap3A_287], %and3A_284 {strides = array<i32>} : memref<4x128xi32, #tpu.memory_space<vmem>>, vector<16xi32>,
      %shift_right_arithmetic3A_289 = arith.constant 14 : i32
      %shift_right_arithmetic3A_290 = vector.broadcast %shift_right_arithmetic3A_289 : i32 to vector<16xi32>
      %shift_right_arithmetic3A_291 = arith.shrsi %get3A_264, %shift_right_arithmetic3A_290 : vector<16xi32>
      %and3A_292 = arith.constant 16383 : i32
      %and3A_293 = vector.broadcast %and3A_292 : i32 to vector<16xi32>
      %and3A_294 = arith.andi %shift_right_arithmetic3A_291, %and3A_293 : vector<16xi32>
      %swap3A_295 = arith.constant 3 : i32
      %swap3A_296 = arith.index_cast %swap3A_295 : i32 to index
      %swap3A_297 = arith.constant 48 : index
      %swap3A_298 = tpu.vector_load %arg9[%swap3A_296, %swap3A_297] {strides = array<i32>} : memref<4x128xi32, #tpu.memory_space<vmem>>, vector<16xi32>,
      tpu.vector_store %arg9[%swap3A_296, %swap3A_297], %and3A_294 {strides = array<i32>} : memref<4x128xi32, #tpu.memory_space<vmem>>, vector<16xi32>,
      %mul3A_299 = arith.constant 2 : i32
      %mul3A_300 = arith.muli %while3A_92, %mul3A_299 : i32
      %mul3A_301 = arith.constant 128 : i32
      %mul3A_302 = arith.muli %mul3A_300, %mul3A_301 : i32
      %add3A_303 = arith.constant 64 : i32
      %add3A_304 = arith.addi %mul3A_302, %add3A_303 : i32
      %get3A_305 = arith.index_cast %add3A_304 : i32 to index
      %get3A_306 = tpu.vector_load %arg8[%get3A_305] {strides = array<i32>} : memref<20736xi32, #tpu.memory_space<vmem>>, vector<16xi32>,
      %mul3A_307 = arith.constant 2 : i32
      %mul3A_308 = arith.muli %while3A_92, %mul3A_307 : i32
      %mul3A_309 = arith.constant 128 : i32
      %mul3A_310 = arith.muli %mul3A_308, %mul3A_309 : i32
      %add3A_311 = arith.constant 128 : i32
      %add3A_312 = arith.addi %mul3A_310, %add3A_311 : i32
      %add3A_313 = arith.constant 64 : i32
      %add3A_314 = arith.addi %add3A_312, %add3A_313 : i32
      %get3A_315 = arith.index_cast %add3A_314 : i32 to index
      %get3A_316 = tpu.vector_load %arg8[%get3A_315] {strides = array<i32>} : memref<20736xi32, #tpu.memory_space<vmem>>, vector<16xi32>,
      %and3A_317 = arith.constant 16383 : i32
      %and3A_318 = vector.broadcast %and3A_317 : i32 to vector<16xi32>
      %and3A_319 = arith.andi %get3A_306, %and3A_318 : vector<16xi32>
      %swap3A_320 = arith.constant 0 : i32
      %swap3A_321 = arith.index_cast %swap3A_320 : i32 to index
      %swap3A_322 = arith.constant 64 : index
      %swap3A_323 = tpu.vector_load %arg9[%swap3A_321, %swap3A_322] {strides = array<i32>} : memref<4x128xi32, #tpu.memory_space<vmem>>, vector<16xi32>,
      tpu.vector_store %arg9[%swap3A_321, %swap3A_322], %and3A_319 {strides = array<i32>} : memref<4x128xi32, #tpu.memory_space<vmem>>, vector<16xi32>,
      %and3A_324 = arith.constant 16383 : i32
      %and3A_325 = vector.broadcast %and3A_324 : i32 to vector<16xi32>
      %and3A_326 = arith.andi %get3A_316, %and3A_325 : vector<16xi32>
      %swap3A_327 = arith.constant 1 : i32
      %swap3A_328 = arith.index_cast %swap3A_327 : i32 to index
      %swap3A_329 = arith.constant 64 : index
      %swap3A_330 = tpu.vector_load %arg9[%swap3A_328, %swap3A_329] {strides = array<i32>} : memref<4x128xi32, #tpu.memory_space<vmem>>, vector<16xi32>,
      tpu.vector_store %arg9[%swap3A_328, %swap3A_329], %and3A_326 {strides = array<i32>} : memref<4x128xi32, #tpu.memory_space<vmem>>, vector<16xi32>,
      %shift_right_arithmetic3A_331 = arith.constant 14 : i32
      %shift_right_arithmetic3A_332 = vector.broadcast %shift_right_arithmetic3A_331 : i32 to vector<16xi32>
      %shift_right_arithmetic3A_333 = arith.shrsi %get3A_306, %shift_right_arithmetic3A_332 : vector<16xi32>
      %and3A_334 = arith.constant 16383 : i32
      %and3A_335 = vector.broadcast %and3A_334 : i32 to vector<16xi32>
      %and3A_336 = arith.andi %shift_right_arithmetic3A_333, %and3A_335 : vector<16xi32>
      %swap3A_337 = arith.constant 2 : i32
      %swap3A_338 = arith.index_cast %swap3A_337 : i32 to index
      %swap3A_339 = arith.constant 64 : index
      %swap3A_340 = tpu.vector_load %arg9[%swap3A_338, %swap3A_339] {strides = array<i32>} : memref<4x128xi32, #tpu.memory_space<vmem>>, vector<16xi32>,
      tpu.vector_store %arg9[%swap3A_338, %swap3A_339], %and3A_336 {strides = array<i32>} : memref<4x128xi32, #tpu.memory_space<vmem>>, vector<16xi32>,
      %shift_right_arithmetic3A_341 = arith.constant 14 : i32
      %shift_right_arithmetic3A_342 = vector.broadcast %shift_right_arithmetic3A_341 : i32 to vector<16xi32>
      %shift_right_arithmetic3A_343 = arith.shrsi %get3A_316, %shift_right_arithmetic3A_342 : vector<16xi32>
      %and3A_344 = arith.constant 16383 : i32
      %and3A_345 = vector.broadcast %and3A_344 : i32 to vector<16xi32>
      %and3A_346 = arith.andi %shift_right_arithmetic3A_343, %and3A_345 : vector<16xi32>
      %swap3A_347 = arith.constant 3 : i32
      %swap3A_348 = arith.index_cast %swap3A_347 : i32 to index
      %swap3A_349 = arith.constant 64 : index
      %swap3A_350 = tpu.vector_load %arg9[%swap3A_348, %swap3A_349] {strides = array<i32>} : memref<4x128xi32, #tpu.memory_space<vmem>>, vector<16xi32>,
      tpu.vector_store %arg9[%swap3A_348, %swap3A_349], %and3A_346 {strides = array<i32>} : memref<4x128xi32, #tpu.memory_space<vmem>>, vector<16xi32>,
      %mul3A_351 = arith.constant 2 : i32
      %mul3A_352 = arith.muli %while3A_92, %mul3A_351 : i32
      %mul3A_353 = arith.constant 128 : i32
      %mul3A_354 = arith.muli %mul3A_352, %mul3A_353 : i32
      %add3A_355 = arith.constant 80 : i32
      %add3A_356 = arith.addi %mul3A_354, %add3A_355 : i32
      %get3A_357 = arith.index_cast %add3A_356 : i32 to index
      %get3A_358 = tpu.vector_load %arg8[%get3A_357] {strides = array<i32>} : memref<20736xi32, #tpu.memory_space<vmem>>, vector<16xi32>,
      %mul3A_359 = arith.constant 2 : i32
      %mul3A_360 = arith.muli %while3A_92, %mul3A_359 : i32
      %mul3A_361 = arith.constant 128 : i32
      %mul3A_362 = arith.muli %mul3A_360, %mul3A_361 : i32
      %add3A_363 = arith.constant 128 : i32
      %add3A_364 = arith.addi %mul3A_362, %add3A_363 : i32
      %add3A_365 = arith.constant 80 : i32
      %add3A_366 = arith.addi %add3A_364, %add3A_365 : i32
      %get3A_367 = arith.index_cast %add3A_366 : i32 to index
      %get3A_368 = tpu.vector_load %arg8[%get3A_367] {strides = array<i32>} : memref<20736xi32, #tpu.memory_space<vmem>>, vector<16xi32>,
      %and3A_369 = arith.constant 16383 : i32
      %and3A_370 = vector.broadcast %and3A_369 : i32 to vector<16xi32>
      %and3A_371 = arith.andi %get3A_358, %and3A_370 : vector<16xi32>
      %swap3A_372 = arith.constant 0 : i32
      %swap3A_373 = arith.index_cast %swap3A_372 : i32 to index
      %swap3A_374 = arith.constant 80 : index
      %swap3A_375 = tpu.vector_load %arg9[%swap3A_373, %swap3A_374] {strides = array<i32>} : memref<4x128xi32, #tpu.memory_space<vmem>>, vector<16xi32>,
      tpu.vector_store %arg9[%swap3A_373, %swap3A_374], %and3A_371 {strides = array<i32>} : memref<4x128xi32, #tpu.memory_space<vmem>>, vector<16xi32>,
      %and3A_376 = arith.constant 16383 : i32
      %and3A_377 = vector.broadcast %and3A_376 : i32 to vector<16xi32>
      %and3A_378 = arith.andi %get3A_368, %and3A_377 : vector<16xi32>
      %swap3A_379 = arith.constant 1 : i32
      %swap3A_380 = arith.index_cast %swap3A_379 : i32 to index
      %swap3A_381 = arith.constant 80 : index
      %swap3A_382 = tpu.vector_load %arg9[%swap3A_380, %swap3A_381] {strides = array<i32>} : memref<4x128xi32, #tpu.memory_space<vmem>>, vector<16xi32>,
      tpu.vector_store %arg9[%swap3A_380, %swap3A_381], %and3A_378 {strides = array<i32>} : memref<4x128xi32, #tpu.memory_space<vmem>>, vector<16xi32>,
      %shift_right_arithmetic3A_383 = arith.constant 14 : i32
      %shift_right_arithmetic3A_384 = vector.broadcast %shift_right_arithmetic3A_383 : i32 to vector<16xi32>
      %shift_right_arithmetic3A_385 = arith.shrsi %get3A_358, %shift_right_arithmetic3A_384 : vector<16xi32>
      %and3A_386 = arith.constant 16383 : i32
      %and3A_387 = vector.broadcast %and3A_386 : i32 to vector<16xi32>
      %and3A_388 = arith.andi %shift_right_arithmetic3A_385, %and3A_387 : vector<16xi32>
      %swap3A_389 = arith.constant 2 : i32
      %swap3A_390 = arith.index_cast %swap3A_389 : i32 to index
      %swap3A_391 = arith.constant 80 : index
      %swap3A_392 = tpu.vector_load %arg9[%swap3A_390, %swap3A_391] {strides = array<i32>} : memref<4x128xi32, #tpu.memory_space<vmem>>, vector<16xi32>,
      tpu.vector_store %arg9[%swap3A_390, %swap3A_391], %and3A_388 {strides = array<i32>} : memref<4x128xi32, #tpu.memory_space<vmem>>, vector<16xi32>,
      %shift_right_arithmetic3A_393 = arith.constant 14 : i32
      %shift_right_arithmetic3A_394 = vector.broadcast %shift_right_arithmetic3A_393 : i32 to vector<16xi32>
      %shift_right_arithmetic3A_395 = arith.shrsi %get3A_368, %shift_right_arithmetic3A_394 : vector<16xi32>
      %and3A_396 = arith.constant 16383 : i32
      %and3A_397 = vector.broadcast %and3A_396 : i32 to vector<16xi32>
      %and3A_398 = arith.andi %shift_right_arithmetic3A_395, %and3A_397 : vector<16xi32>
      %swap3A_399 = arith.constant 3 : i32
      %swap3A_400 = arith.index_cast %swap3A_399 : i32 to index
      %swap3A_401 = arith.constant 80 : index
      %swap3A_402 = tpu.vector_load %arg9[%swap3A_400, %swap3A_401] {strides = array<i32>} : memref<4x128xi32, #tpu.memory_space<vmem>>, vector<16xi32>,
      tpu.vector_store %arg9[%swap3A_400, %swap3A_401], %and3A_398 {strides = array<i32>} : memref<4x128xi32, #tpu.memory_space<vmem>>, vector<16xi32>,
      %mul3A_403 = arith.constant 2 : i32
      %mul3A_404 = arith.muli %while3A_92, %mul3A_403 : i32
      %mul3A_405 = arith.constant 128 : i32
      %mul3A_406 = arith.muli %mul3A_404, %mul3A_405 : i32
      %add3A_407 = arith.constant 96 : i32
      %add3A_408 = arith.addi %mul3A_406, %add3A_407 : i32
      %get3A_409 = arith.index_cast %add3A_408 : i32 to index
      %get3A_410 = tpu.vector_load %arg8[%get3A_409] {strides = array<i32>} : memref<20736xi32, #tpu.memory_space<vmem>>, vector<16xi32>,
      %mul3A_411 = arith.constant 2 : i32
      %mul3A_412 = arith.muli %while3A_92, %mul3A_411 : i32
      %mul3A_413 = arith.constant 128 : i32
      %mul3A_414 = arith.muli %mul3A_412, %mul3A_413 : i32
      %add3A_415 = arith.constant 128 : i32
      %add3A_416 = arith.addi %mul3A_414, %add3A_415 : i32
      %add3A_417 = arith.constant 96 : i32
      %add3A_418 = arith.addi %add3A_416, %add3A_417 : i32
      %get3A_419 = arith.index_cast %add3A_418 : i32 to index
      %get3A_420 = tpu.vector_load %arg8[%get3A_419] {strides = array<i32>} : memref<20736xi32, #tpu.memory_space<vmem>>, vector<16xi32>,
      %and3A_421 = arith.constant 16383 : i32
      %and3A_422 = vector.broadcast %and3A_421 : i32 to vector<16xi32>
      %and3A_423 = arith.andi %get3A_410, %and3A_422 : vector<16xi32>
      %swap3A_424 = arith.constant 0 : i32
      %swap3A_425 = arith.index_cast %swap3A_424 : i32 to index
      %swap3A_426 = arith.constant 96 : index
      %swap3A_427 = tpu.vector_load %arg9[%swap3A_425, %swap3A_426] {strides = array<i32>} : memref<4x128xi32, #tpu.memory_space<vmem>>, vector<16xi32>,
      tpu.vector_store %arg9[%swap3A_425, %swap3A_426], %and3A_423 {strides = array<i32>} : memref<4x128xi32, #tpu.memory_space<vmem>>, vector<16xi32>,
      %and3A_428 = arith.constant 16383 : i32
      %and3A_429 = vector.broadcast %and3A_428 : i32 to vector<16xi32>
      %and3A_430 = arith.andi %get3A_420, %and3A_429 : vector<16xi32>
      %swap3A_431 = arith.constant 1 : i32
      %swap3A_432 = arith.index_cast %swap3A_431 : i32 to index
      %swap3A_433 = arith.constant 96 : index
      %swap3A_434 = tpu.vector_load %arg9[%swap3A_432, %swap3A_433] {strides = array<i32>} : memref<4x128xi32, #tpu.memory_space<vmem>>, vector<16xi32>,
      tpu.vector_store %arg9[%swap3A_432, %swap3A_433], %and3A_430 {strides = array<i32>} : memref<4x128xi32, #tpu.memory_space<vmem>>, vector<16xi32>,
      %shift_right_arithmetic3A_435 = arith.constant 14 : i32
      %shift_right_arithmetic3A_436 = vector.broadcast %shift_right_arithmetic3A_435 : i32 to vector<16xi32>
      %shift_right_arithmetic3A_437 = arith.shrsi %get3A_410, %shift_right_arithmetic3A_436 : vector<16xi32>
      %and3A_438 = arith.constant 16383 : i32
      %and3A_439 = vector.broadcast %and3A_438 : i32 to vector<16xi32>
      %and3A_440 = arith.andi %shift_right_arithmetic3A_437, %and3A_439 : vector<16xi32>
      %swap3A_441 = arith.constant 2 : i32
      %swap3A_442 = arith.index_cast %swap3A_441 : i32 to index
      %swap3A_443 = arith.constant 96 : index
      %swap3A_444 = tpu.vector_load %arg9[%swap3A_442, %swap3A_443] {strides = array<i32>} : memref<4x128xi32, #tpu.memory_space<vmem>>, vector<16xi32>,
      tpu.vector_store %arg9[%swap3A_442, %swap3A_443], %and3A_440 {strides = array<i32>} : memref<4x128xi32, #tpu.memory_space<vmem>>, vector<16xi32>,
      %shift_right_arithmetic3A_445 = arith.constant 14 : i32
      %shift_right_arithmetic3A_446 = vector.broadcast %shift_right_arithmetic3A_445 : i32 to vector<16xi32>
      %shift_right_arithmetic3A_447 = arith.shrsi %get3A_420, %shift_right_arithmetic3A_446 : vector<16xi32>
      %and3A_448 = arith.constant 16383 : i32
      %and3A_449 = vector.broadcast %and3A_448 : i32 to vector<16xi32>
      %and3A_450 = arith.andi %shift_right_arithmetic3A_447, %and3A_449 : vector<16xi32>
      %swap3A_451 = arith.constant 3 : i32
      %swap3A_452 = arith.index_cast %swap3A_451 : i32 to index
      %swap3A_453 = arith.constant 96 : index
      %swap3A_454 = tpu.vector_load %arg9[%swap3A_452, %swap3A_453] {strides = array<i32>} : memref<4x128xi32, #tpu.memory_space<vmem>>, vector<16xi32>,
      tpu.vector_store %arg9[%swap3A_452, %swap3A_453], %and3A_450 {strides = array<i32>} : memref<4x128xi32, #tpu.memory_space<vmem>>, vector<16xi32>,
      %mul3A_455 = arith.constant 2 : i32
      %mul3A_456 = arith.muli %while3A_92, %mul3A_455 : i32
      %mul3A_457 = arith.constant 128 : i32
      %mul3A_458 = arith.muli %mul3A_456, %mul3A_457 : i32
      %add3A_459 = arith.constant 112 : i32
      %add3A_460 = arith.addi %mul3A_458, %add3A_459 : i32
      %get3A_461 = arith.index_cast %add3A_460 : i32 to index
      %get3A_462 = tpu.vector_load %arg8[%get3A_461] {strides = array<i32>} : memref<20736xi32, #tpu.memory_space<vmem>>, vector<16xi32>,
      %mul3A_463 = arith.constant 2 : i32
      %mul3A_464 = arith.muli %while3A_92, %mul3A_463 : i32
      %mul3A_465 = arith.constant 128 : i32
      %mul3A_466 = arith.muli %mul3A_464, %mul3A_465 : i32
      %add3A_467 = arith.constant 128 : i32
      %add3A_468 = arith.addi %mul3A_466, %add3A_467 : i32
      %add3A_469 = arith.constant 112 : i32
      %add3A_470 = arith.addi %add3A_468, %add3A_469 : i32
      %get3A_471 = arith.index_cast %add3A_470 : i32 to index
      %get3A_472 = tpu.vector_load %arg8[%get3A_471] {strides = array<i32>} : memref<20736xi32, #tpu.memory_space<vmem>>, vector<16xi32>,
      %and3A_473 = arith.constant 16383 : i32
      %and3A_474 = vector.broadcast %and3A_473 : i32 to vector<16xi32>
      %and3A_475 = arith.andi %get3A_462, %and3A_474 : vector<16xi32>
      %swap3A_476 = arith.constant 0 : i32
      %swap3A_477 = arith.index_cast %swap3A_476 : i32 to index
      %swap3A_478 = arith.constant 112 : index
      %swap3A_479 = tpu.vector_load %arg9[%swap3A_477, %swap3A_478] {strides = array<i32>} : memref<4x128xi32, #tpu.memory_space<vmem>>, vector<16xi32>,
      tpu.vector_store %arg9[%swap3A_477, %swap3A_478], %and3A_475 {strides = array<i32>} : memref<4x128xi32, #tpu.memory_space<vmem>>, vector<16xi32>,
      %and3A_480 = arith.constant 16383 : i32
      %and3A_481 = vector.broadcast %and3A_480 : i32 to vector<16xi32>
      %and3A_482 = arith.andi %get3A_472, %and3A_481 : vector<16xi32>
      %swap3A_483 = arith.constant 1 : i32
      %swap3A_484 = arith.index_cast %swap3A_483 : i32 to index
      %swap3A_485 = arith.constant 112 : index
      %swap3A_486 = tpu.vector_load %arg9[%swap3A_484, %swap3A_485] {strides = array<i32>} : memref<4x128xi32, #tpu.memory_space<vmem>>, vector<16xi32>,
      tpu.vector_store %arg9[%swap3A_484, %swap3A_485], %and3A_482 {strides = array<i32>} : memref<4x128xi32, #tpu.memory_space<vmem>>, vector<16xi32>,
      %shift_right_arithmetic3A_487 = arith.constant 14 : i32
      %shift_right_arithmetic3A_488 = vector.broadcast %shift_right_arithmetic3A_487 : i32 to vector<16xi32>
      %shift_right_arithmetic3A_489 = arith.shrsi %get3A_462, %shift_right_arithmetic3A_488 : vector<16xi32>
      %and3A_490 = arith.constant 16383 : i32
      %and3A_491 = vector.broadcast %and3A_490 : i32 to vector<16xi32>
      %and3A_492 = arith.andi %shift_right_arithmetic3A_489, %and3A_491 : vector<16xi32>
      %swap3A_493 = arith.constant 2 : i32
      %swap3A_494 = arith.index_cast %swap3A_493 : i32 to index
      %swap3A_495 = arith.constant 112 : index
      %swap3A_496 = tpu.vector_load %arg9[%swap3A_494, %swap3A_495] {strides = array<i32>} : memref<4x128xi32, #tpu.memory_space<vmem>>, vector<16xi32>,
      tpu.vector_store %arg9[%swap3A_494, %swap3A_495], %and3A_492 {strides = array<i32>} : memref<4x128xi32, #tpu.memory_space<vmem>>, vector<16xi32>,
      %shift_right_arithmetic3A_497 = arith.constant 14 : i32
      %shift_right_arithmetic3A_498 = vector.broadcast %shift_right_arithmetic3A_497 : i32 to vector<16xi32>
      %shift_right_arithmetic3A_499 = arith.shrsi %get3A_472, %shift_right_arithmetic3A_498 : vector<16xi32>
      %and3A_500 = arith.constant 16383 : i32
      %and3A_501 = vector.broadcast %and3A_500 : i32 to vector<16xi32>
      %and3A_502 = arith.andi %shift_right_arithmetic3A_499, %and3A_501 : vector<16xi32>
      %swap3A_503 = arith.constant 3 : i32
      %swap3A_504 = arith.index_cast %swap3A_503 : i32 to index
      %swap3A_505 = arith.constant 112 : index
      %swap3A_506 = tpu.vector_load %arg9[%swap3A_504, %swap3A_505] {strides = array<i32>} : memref<4x128xi32, #tpu.memory_space<vmem>>, vector<16xi32>,
      tpu.vector_store %arg9[%swap3A_504, %swap3A_505], %and3A_502 {strides = array<i32>} : memref<4x128xi32, #tpu.memory_space<vmem>>, vector<16xi32>,
      %dma_start3A = arith.constant 2 : i32
      %dma_start3A_507 = arith.constant 0 : i32
      %dma_start3A_508 = tpu.memref_slice %arg9[%dma_start3A, %dma_start3A_507] : memref<4x128xi32, #tpu.memory_space<vmem>> -> memref<1x128xi32, #tpu.memory_space<vmem>>
      %dma_start3A_509 = tpu.memref_squeeze %dma_start3A_508 : memref<1x128xi32, #tpu.memory_space<vmem>> -> memref<128xi32, #tpu.memory_space<vmem>>
      %dma_start3A_510 = arith.constant 0 : i32
      %dma_start3A_511 = arith.constant 0 : i32
      %dma_start3A_512 = tpu.memref_slice %arg2[%dma_start3A_510, %dma_start3A_511] : memref<10000x64xf32, #tpu.memory_space<hbm>> -> memref<10000x64xf32, #tpu.memory_space<hbm>>
      tpu.enqueue_indirect_dma source(%dma_start3A_512 : memref<10000x64xf32, #tpu.memory_space<hbm>>) target(%arg10 : memref<128x64xf32, #tpu.memory_space<vmem>>) offsets(%dma_start3A_509 : memref<128xi32, #tpu.memory_space<vmem>>) semaphore(%arg15 : memref<!tpu.dma_semaphore, #tpu.memory_space<semaphore_mem>>)
      %dma_start3A_513 = arith.constant 3 : i32
      %dma_start3A_514 = arith.constant 0 : i32
      %dma_start3A_515 = tpu.memref_slice %arg9[%dma_start3A_513, %dma_start3A_514] : memref<4x128xi32, #tpu.memory_space<vmem>> -> memref<1x128xi32, #tpu.memory_space<vmem>>
      %dma_start3A_516 = tpu.memref_squeeze %dma_start3A_515 : memref<1x128xi32, #tpu.memory_space<vmem>> -> memref<128xi32, #tpu.memory_space<vmem>>
      %dma_start3A_517 = arith.constant 0 : i32
      %dma_start3A_518 = arith.constant 0 : i32
      %dma_start3A_519 = tpu.memref_slice %arg2[%dma_start3A_517, %dma_start3A_518] : memref<10000x64xf32, #tpu.memory_space<hbm>> -> memref<10000x64xf32, #tpu.memory_space<hbm>>
      tpu.enqueue_indirect_dma source(%dma_start3A_519 : memref<10000x64xf32, #tpu.memory_space<hbm>>) target(%arg11 : memref<128x64xf32, #tpu.memory_space<vmem>>) offsets(%dma_start3A_516 : memref<128xi32, #tpu.memory_space<vmem>>) semaphore(%arg16 : memref<!tpu.dma_semaphore, #tpu.memory_space<semaphore_mem>>)
      %dma_wait3A = arith.constant 2 : i32
      %dma_wait3A_520 = arith.constant 0 : i32
      %dma_wait3A_521 = tpu.memref_slice %arg9[%dma_wait3A, %dma_wait3A_520] : memref<4x128xi32, #tpu.memory_space<vmem>> -> memref<1x128xi32, #tpu.memory_space<vmem>>
      %dma_wait3A_522 = tpu.memref_squeeze %dma_wait3A_521 : memref<1x128xi32, #tpu.memory_space<vmem>> -> memref<128xi32, #tpu.memory_space<vmem>>
      %dma_wait3A_523 = arith.constant 0 : i32
      %dma_wait3A_524 = arith.constant 0 : i32
      %dma_wait3A_525 = tpu.memref_slice %arg2[%dma_wait3A_523, %dma_wait3A_524] : memref<10000x64xf32, #tpu.memory_space<hbm>> -> memref<10000x64xf32, #tpu.memory_space<hbm>>
      tpu.wait_indirect_dma semaphore(%arg15 : memref<!tpu.dma_semaphore, #tpu.memory_space<semaphore_mem>>) src(%dma_wait3A_525 : memref<10000x64xf32, #tpu.memory_space<hbm>>) dst(%arg10 : memref<128x64xf32, #tpu.memory_space<vmem>>)
      %dma_start3A_526 = arith.constant 0 : i32
      %dma_start3A_527 = arith.constant 0 : i32
      %dma_start3A_528 = tpu.memref_slice %arg9[%dma_start3A_526, %dma_start3A_527] : memref<4x128xi32, #tpu.memory_space<vmem>> -> memref<1x128xi32, #tpu.memory_space<vmem>>
      %dma_start3A_529 = tpu.memref_squeeze %dma_start3A_528 : memref<1x128xi32, #tpu.memory_space<vmem>> -> memref<128xi32, #tpu.memory_space<vmem>>
      %dma_start3A_530 = arith.constant 0 : i32
      %dma_start3A_531 = arith.constant 0 : i32
      %dma_start3A_532 = tpu.memref_slice %arg14[%dma_start3A_530, %dma_start3A_531] : memref<10016x64xf32, #tpu.memory_space<vmem_shared>> -> memref<10016x64xf32, #tpu.memory_space<vmem_shared>>
      tpu.enqueue_indirect_dma source(%arg10 : memref<128x64xf32, #tpu.memory_space<vmem>>) target(%dma_start3A_532 : memref<10016x64xf32, #tpu.memory_space<vmem_shared>>) offsets(%dma_start3A_529 : memref<128xi32, #tpu.memory_space<vmem>>) semaphore(%arg17 : memref<!tpu.dma_semaphore, #tpu.memory_space<semaphore_mem>>) {add = true}
      %dma_wait3A_533 = arith.constant 0 : i32
      %dma_wait3A_534 = arith.constant 0 : i32
      %dma_wait3A_535 = tpu.memref_slice %arg9[%dma_wait3A_533, %dma_wait3A_534] : memref<4x128xi32, #tpu.memory_space<vmem>> -> memref<1x128xi32, #tpu.memory_space<vmem>>
      %dma_wait3A_536 = tpu.memref_squeeze %dma_wait3A_535 : memref<1x128xi32, #tpu.memory_space<vmem>> -> memref<128xi32, #tpu.memory_space<vmem>>
      %dma_wait3A_537 = arith.constant 0 : i32
      %dma_wait3A_538 = arith.constant 0 : i32
      %dma_wait3A_539 = tpu.memref_slice %arg14[%dma_wait3A_537, %dma_wait3A_538] : memref<10016x64xf32, #tpu.memory_space<vmem_shared>> -> memref<10016x64xf32, #tpu.memory_space<vmem_shared>>
      tpu.wait_indirect_dma semaphore(%arg17 : memref<!tpu.dma_semaphore, #tpu.memory_space<semaphore_mem>>) src(%arg10 : memref<128x64xf32, #tpu.memory_space<vmem>>) dst(%dma_wait3A_539 : memref<10016x64xf32, #tpu.memory_space<vmem_shared>>)
      %dma_wait3A_540 = arith.constant 3 : i32
      %dma_wait3A_541 = arith.constant 0 : i32
      %dma_wait3A_542 = tpu.memref_slice %arg9[%dma_wait3A_540, %dma_wait3A_541] : memref<4x128xi32, #tpu.memory_space<vmem>> -> memref<1x128xi32, #tpu.memory_space<vmem>>
      %dma_wait3A_543 = tpu.memref_squeeze %dma_wait3A_542 : memref<1x128xi32, #tpu.memory_space<vmem>> -> memref<128xi32, #tpu.memory_space<vmem>>
      %dma_wait3A_544 = arith.constant 0 : i32
      %dma_wait3A_545 = arith.constant 0 : i32
      %dma_wait3A_546 = tpu.memref_slice %arg2[%dma_wait3A_544, %dma_wait3A_545] : memref<10000x64xf32, #tpu.memory_space<hbm>> -> memref<10000x64xf32, #tpu.memory_space<hbm>>
      tpu.wait_indirect_dma semaphore(%arg16 : memref<!tpu.dma_semaphore, #tpu.memory_space<semaphore_mem>>) src(%dma_wait3A_546 : memref<10000x64xf32, #tpu.memory_space<hbm>>) dst(%arg11 : memref<128x64xf32, #tpu.memory_space<vmem>>)
      %dma_start3A_547 = arith.constant 1 : i32
      %dma_start3A_548 = arith.constant 0 : i32
      %dma_start3A_549 = tpu.memref_slice %arg9[%dma_start3A_547, %dma_start3A_548] : memref<4x128xi32, #tpu.memory_space<vmem>> -> memref<1x128xi32, #tpu.memory_space<vmem>>
      %dma_start3A_550 = tpu.memref_squeeze %dma_start3A_549 : memref<1x128xi32, #tpu.memory_space<vmem>> -> memref<128xi32, #tpu.memory_space<vmem>>
      %dma_start3A_551 = arith.constant 0 : i32
      %dma_start3A_552 = arith.constant 0 : i32
      %dma_start3A_553 = tpu.memref_slice %arg14[%dma_start3A_551, %dma_start3A_552] : memref<10016x64xf32, #tpu.memory_space<vmem_shared>> -> memref<10016x64xf32, #tpu.memory_space<vmem_shared>>
      tpu.enqueue_indirect_dma source(%arg11 : memref<128x64xf32, #tpu.memory_space<vmem>>) target(%dma_start3A_553 : memref<10016x64xf32, #tpu.memory_space<vmem_shared>>) offsets(%dma_start3A_550 : memref<128xi32, #tpu.memory_space<vmem>>) semaphore(%arg17 : memref<!tpu.dma_semaphore, #tpu.memory_space<semaphore_mem>>) {add = true}
      %dma_wait3A_554 = arith.constant 1 : i32
      %dma_wait3A_555 = arith.constant 0 : i32
      %dma_wait3A_556 = tpu.memref_slice %arg9[%dma_wait3A_554, %dma_wait3A_555] : memref<4x128xi32, #tpu.memory_space<vmem>> -> memref<1x128xi32, #tpu.memory_space<vmem>>
      %dma_wait3A_557 = tpu.memref_squeeze %dma_wait3A_556 : memref<1x128xi32, #tpu.memory_space<vmem>> -> memref<128xi32, #tpu.memory_space<vmem>>
      %dma_wait3A_558 = arith.constant 0 : i32
      %dma_wait3A_559 = arith.constant 0 : i32
      %dma_wait3A_560 = tpu.memref_slice %arg14[%dma_wait3A_558, %dma_wait3A_559] : memref<10016x64xf32, #tpu.memory_space<vmem_shared>> -> memref<10016x64xf32, #tpu.memory_space<vmem_shared>>
      tpu.wait_indirect_dma semaphore(%arg17 : memref<!tpu.dma_semaphore, #tpu.memory_space<semaphore_mem>>) src(%arg11 : memref<128x64xf32, #tpu.memory_space<vmem>>) dst(%dma_wait3A_560 : memref<10016x64xf32, #tpu.memory_space<vmem_shared>>)
      %while3A_561 = arith.constant 0 : i32
      scf.yield %while3A_561 : i32
    }
    %while3A_58 = arith.constant 1 : i32
    %while3A_59 = scf.for %while3A_92 = %while3A_55 to %while3A_51 step %while3A_58 iter_args(%while3A_93 = %while3A_57) -> (i32)  : i32 {
      %mul3A_94 = arith.constant 2 : i32
      %mul3A_95 = arith.muli %while3A_92, %mul3A_94 : i32
      %mul3A_96 = arith.constant 128 : i32
      %mul3A_97 = arith.muli %mul3A_95, %mul3A_96 : i32
      %add3A_98 = arith.constant 0 : i32
      %add3A_99 = arith.addi %mul3A_97, %add3A_98 : i32
      %get3A = arith.index_cast %add3A_99 : i32 to index
      %get3A_100 = tpu.vector_load %arg8[%get3A] {strides = array<i32>} : memref<20736xi32, #tpu.memory_space<vmem>>, vector<16xi32>,
      %mul3A_101 = arith.constant 2 : i32
      %mul3A_102 = arith.muli %while3A_92, %mul3A_101 : i32
      %mul3A_103 = arith.constant 128 : i32
      %mul3A_104 = arith.muli %mul3A_102, %mul3A_103 : i32
      %add3A_105 = arith.constant 128 : i32
      %add3A_106 = arith.addi %mul3A_104, %add3A_105 : i32
      %add3A_107 = arith.constant 0 : i32
      %add3A_108 = arith.addi %add3A_106, %add3A_107 : i32
      %get3A_109 = arith.index_cast %add3A_108 : i32 to index
      %get3A_110 = tpu.vector_load %arg8[%get3A_109] {strides = array<i32>} : memref<20736xi32, #tpu.memory_space<vmem>>, vector<16xi32>,
      %and3A_111 = arith.constant 16383 : i32
      %and3A_112 = vector.broadcast %and3A_111 : i32 to vector<16xi32>
      %and3A_113 = arith.andi %get3A_100, %and3A_112 : vector<16xi32>
      %swap3A = arith.constant 0 : i32
      %swap3A_114 = arith.index_cast %swap3A : i32 to index
      %swap3A_115 = arith.constant 0 : index
      %swap3A_116 = tpu.vector_load %arg9[%swap3A_114, %swap3A_115] {strides = array<i32>} : memref<4x128xi32, #tpu.memory_space<vmem>>, vector<16xi32>,
      tpu.vector_store %arg9[%swap3A_114, %swap3A_115], %and3A_113 {strides = array<i32>} : memref<4x128xi32, #tpu.memory_space<vmem>>, vector<16xi32>,
      %and3A_117 = arith.constant 16383 : i32
      %and3A_118 = vector.broadcast %and3A_117 : i32 to vector<16xi32>
      %and3A_119 = arith.andi %get3A_110, %and3A_118 : vector<16xi32>
      %swap3A_120 = arith.constant 1 : i32
      %swap3A_121 = arith.index_cast %swap3A_120 : i32 to index
      %swap3A_122 = arith.constant 0 : index
      %swap3A_123 = tpu.vector_load %arg9[%swap3A_121, %swap3A_122] {strides = array<i32>} : memref<4x128xi32, #tpu.memory_space<vmem>>, vector<16xi32>,
      tpu.vector_store %arg9[%swap3A_121, %swap3A_122], %and3A_119 {strides = array<i32>} : memref<4x128xi32, #tpu.memory_space<vmem>>, vector<16xi32>,
      %shift_right_arithmetic3A = arith.constant 14 : i32
      %shift_right_arithmetic3A_124 = vector.broadcast %shift_right_arithmetic3A : i32 to vector<16xi32>
      %shift_right_arithmetic3A_125 = arith.shrsi %get3A_100, %shift_right_arithmetic3A_124 : vector<16xi32>
      %and3A_126 = arith.constant 16383 : i32
      %and3A_127 = vector.broadcast %and3A_126 : i32 to vector<16xi32>
      %and3A_128 = arith.andi %shift_right_arithmetic3A_125, %and3A_127 : vector<16xi32>
      %swap3A_129 = arith.constant 2 : i32
      %swap3A_130 = arith.index_cast %swap3A_129 : i32 to index
      %swap3A_131 = arith.constant 0 : index
      %swap3A_132 = tpu.vector_load %arg9[%swap3A_130, %swap3A_131] {strides = array<i32>} : memref<4x128xi32, #tpu.memory_space<vmem>>, vector<16xi32>,
      tpu.vector_store %arg9[%swap3A_130, %swap3A_131], %and3A_128 {strides = array<i32>} : memref<4x128xi32, #tpu.memory_space<vmem>>, vector<16xi32>,
      %shift_right_arithmetic3A_133 = arith.constant 14 : i32
      %shift_right_arithmetic3A_134 = vector.broadcast %shift_right_arithmetic3A_133 : i32 to vector<16xi32>
      %shift_right_arithmetic3A_135 = arith.shrsi %get3A_110, %shift_right_arithmetic3A_134 : vector<16xi32>
      %and3A_136 = arith.constant 16383 : i32
      %and3A_137 = vector.broadcast %and3A_136 : i32 to vector<16xi32>
      %and3A_138 = arith.andi %shift_right_arithmetic3A_135, %and3A_137 : vector<16xi32>
      %swap3A_139 = arith.constant 3 : i32
      %swap3A_140 = arith.index_cast %swap3A_139 : i32 to index
      %swap3A_141 = arith.constant 0 : index
      %swap3A_142 = tpu.vector_load %arg9[%swap3A_140, %swap3A_141] {strides = array<i32>} : memref<4x128xi32, #tpu.memory_space<vmem>>, vector<16xi32>,
      tpu.vector_store %arg9[%swap3A_140, %swap3A_141], %and3A_138 {strides = array<i32>} : memref<4x128xi32, #tpu.memory_space<vmem>>, vector<16xi32>,
      %mul3A_143 = arith.constant 2 : i32
      %mul3A_144 = arith.muli %while3A_92, %mul3A_143 : i32
      %mul3A_145 = arith.constant 128 : i32
      %mul3A_146 = arith.muli %mul3A_144, %mul3A_145 : i32
      %add3A_147 = arith.constant 16 : i32
      %add3A_148 = arith.addi %mul3A_146, %add3A_147 : i32
      %get3A_149 = arith.index_cast %add3A_148 : i32 to index
      %get3A_150 = tpu.vector_load %arg8[%get3A_149] {strides = array<i32>} : memref<20736xi32, #tpu.memory_space<vmem>>, vector<16xi32>,
      %mul3A_151 = arith.constant 2 : i32
      %mul3A_152 = arith.muli %while3A_92, %mul3A_151 : i32
      %mul3A_153 = arith.constant 128 : i32
      %mul3A_154 = arith.muli %mul3A_152, %mul3A_153 : i32
      %add3A_155 = arith.constant 128 : i32
      %add3A_156 = arith.addi %mul3A_154, %add3A_155 : i32
      %add3A_157 = arith.constant 16 : i32
      %add3A_158 = arith.addi %add3A_156, %add3A_157 : i32
      %get3A_159 = arith.index_cast %add3A_158 : i32 to index
      %get3A_160 = tpu.vector_load %arg8[%get3A_159] {strides = array<i32>} : memref<20736xi32, #tpu.memory_space<vmem>>, vector<16xi32>,
      %and3A_161 = arith.constant 16383 : i32
      %and3A_162 = vector.broadcast %and3A_161 : i32 to vector<16xi32>
      %and3A_163 = arith.andi %get3A_150, %and3A_162 : vector<16xi32>
      %swap3A_164 = arith.constant 0 : i32
      %swap3A_165 = arith.index_cast %swap3A_164 : i32 to index
      %swap3A_166 = arith.constant 16 : index
      %swap3A_167 = tpu.vector_load %arg9[%swap3A_165, %swap3A_166] {strides = array<i32>} : memref<4x128xi32, #tpu.memory_space<vmem>>, vector<16xi32>,
      tpu.vector_store %arg9[%swap3A_165, %swap3A_166], %and3A_163 {strides = array<i32>} : memref<4x128xi32, #tpu.memory_space<vmem>>, vector<16xi32>,
      %and3A_168 = arith.constant 16383 : i32
      %and3A_169 = vector.broadcast %and3A_168 : i32 to vector<16xi32>
      %and3A_170 = arith.andi %get3A_160, %and3A_169 : vector<16xi32>
      %swap3A_171 = arith.constant 1 : i32
      %swap3A_172 = arith.index_cast %swap3A_171 : i32 to index
      %swap3A_173 = arith.constant 16 : index
      %swap3A_174 = tpu.vector_load %arg9[%swap3A_172, %swap3A_173] {strides = array<i32>} : memref<4x128xi32, #tpu.memory_space<vmem>>, vector<16xi32>,
      tpu.vector_store %arg9[%swap3A_172, %swap3A_173], %and3A_170 {strides = array<i32>} : memref<4x128xi32, #tpu.memory_space<vmem>>, vector<16xi32>,
      %shift_right_arithmetic3A_175 = arith.constant 14 : i32
      %shift_right_arithmetic3A_176 = vector.broadcast %shift_right_arithmetic3A_175 : i32 to vector<16xi32>
      %shift_right_arithmetic3A_177 = arith.shrsi %get3A_150, %shift_right_arithmetic3A_176 : vector<16xi32>
      %and3A_178 = arith.constant 16383 : i32
      %and3A_179 = vector.broadcast %and3A_178 : i32 to vector<16xi32>
      %and3A_180 = arith.andi %shift_right_arithmetic3A_177, %and3A_179 : vector<16xi32>
      %swap3A_181 = arith.constant 2 : i32
      %swap3A_182 = arith.index_cast %swap3A_181 : i32 to index
      %swap3A_183 = arith.constant 16 : index
      %swap3A_184 = tpu.vector_load %arg9[%swap3A_182, %swap3A_183] {strides = array<i32>} : memref<4x128xi32, #tpu.memory_space<vmem>>, vector<16xi32>,
      tpu.vector_store %arg9[%swap3A_182, %swap3A_183], %and3A_180 {strides = array<i32>} : memref<4x128xi32, #tpu.memory_space<vmem>>, vector<16xi32>,
      %shift_right_arithmetic3A_185 = arith.constant 14 : i32
      %shift_right_arithmetic3A_186 = vector.broadcast %shift_right_arithmetic3A_185 : i32 to vector<16xi32>
      %shift_right_arithmetic3A_187 = arith.shrsi %get3A_160, %shift_right_arithmetic3A_186 : vector<16xi32>
      %and3A_188 = arith.constant 16383 : i32
      %and3A_189 = vector.broadcast %and3A_188 : i32 to vector<16xi32>
      %and3A_190 = arith.andi %shift_right_arithmetic3A_187, %and3A_189 : vector<16xi32>
      %swap3A_191 = arith.constant 3 : i32
      %swap3A_192 = arith.index_cast %swap3A_191 : i32 to index
      %swap3A_193 = arith.constant 16 : index
      %swap3A_194 = tpu.vector_load %arg9[%swap3A_192, %swap3A_193] {strides = array<i32>} : memref<4x128xi32, #tpu.memory_space<vmem>>, vector<16xi32>,
      tpu.vector_store %arg9[%swap3A_192, %swap3A_193], %and3A_190 {strides = array<i32>} : memref<4x128xi32, #tpu.memory_space<vmem>>, vector<16xi32>,
      %mul3A_195 = arith.constant 2 : i32
      %mul3A_196 = arith.muli %while3A_92, %mul3A_195 : i32
      %mul3A_197 = arith.constant 128 : i32
      %mul3A_198 = arith.muli %mul3A_196, %mul3A_197 : i32
      %add3A_199 = arith.constant 32 : i32
      %add3A_200 = arith.addi %mul3A_198, %add3A_199 : i32
      %get3A_201 = arith.index_cast %add3A_200 : i32 to index
      %get3A_202 = tpu.vector_load %arg8[%get3A_201] {strides = array<i32>} : memref<20736xi32, #tpu.memory_space<vmem>>, vector<16xi32>,
      %mul3A_203 = arith.constant 2 : i32
      %mul3A_204 = arith.muli %while3A_92, %mul3A_203 : i32
      %mul3A_205 = arith.constant 128 : i32
      %mul3A_206 = arith.muli %mul3A_204, %mul3A_205 : i32
      %add3A_207 = arith.constant 128 : i32
      %add3A_208 = arith.addi %mul3A_206, %add3A_207 : i32
      %add3A_209 = arith.constant 32 : i32
      %add3A_210 = arith.addi %add3A_208, %add3A_209 : i32
      %get3A_211 = arith.index_cast %add3A_210 : i32 to index
      %get3A_212 = tpu.vector_load %arg8[%get3A_211] {strides = array<i32>} : memref<20736xi32, #tpu.memory_space<vmem>>, vector<16xi32>,
      %and3A_213 = arith.constant 16383 : i32
      %and3A_214 = vector.broadcast %and3A_213 : i32 to vector<16xi32>
      %and3A_215 = arith.andi %get3A_202, %and3A_214 : vector<16xi32>
      %swap3A_216 = arith.constant 0 : i32
      %swap3A_217 = arith.index_cast %swap3A_216 : i32 to index
      %swap3A_218 = arith.constant 32 : index
      %swap3A_219 = tpu.vector_load %arg9[%swap3A_217, %swap3A_218] {strides = array<i32>} : memref<4x128xi32, #tpu.memory_space<vmem>>, vector<16xi32>,
      tpu.vector_store %arg9[%swap3A_217, %swap3A_218], %and3A_215 {strides = array<i32>} : memref<4x128xi32, #tpu.memory_space<vmem>>, vector<16xi32>,
      %and3A_220 = arith.constant 16383 : i32
      %and3A_221 = vector.broadcast %and3A_220 : i32 to vector<16xi32>
      %and3A_222 = arith.andi %get3A_212, %and3A_221 : vector<16xi32>
      %swap3A_223 = arith.constant 1 : i32
      %swap3A_224 = arith.index_cast %swap3A_223 : i32 to index
      %swap3A_225 = arith.constant 32 : index
      %swap3A_226 = tpu.vector_load %arg9[%swap3A_224, %swap3A_225] {strides = array<i32>} : memref<4x128xi32, #tpu.memory_space<vmem>>, vector<16xi32>,
      tpu.vector_store %arg9[%swap3A_224, %swap3A_225], %and3A_222 {strides = array<i32>} : memref<4x128xi32, #tpu.memory_space<vmem>>, vector<16xi32>,
      %shift_right_arithmetic3A_227 = arith.constant 14 : i32
      %shift_right_arithmetic3A_228 = vector.broadcast %shift_right_arithmetic3A_227 : i32 to vector<16xi32>
      %shift_right_arithmetic3A_229 = arith.shrsi %get3A_202, %shift_right_arithmetic3A_228 : vector<16xi32>
      %and3A_230 = arith.constant 16383 : i32
      %and3A_231 = vector.broadcast %and3A_230 : i32 to vector<16xi32>
      %and3A_232 = arith.andi %shift_right_arithmetic3A_229, %and3A_231 : vector<16xi32>
      %swap3A_233 = arith.constant 2 : i32
      %swap3A_234 = arith.index_cast %swap3A_233 : i32 to index
      %swap3A_235 = arith.constant 32 : index
      %swap3A_236 = tpu.vector_load %arg9[%swap3A_234, %swap3A_235] {strides = array<i32>} : memref<4x128xi32, #tpu.memory_space<vmem>>, vector<16xi32>,
      tpu.vector_store %arg9[%swap3A_234, %swap3A_235], %and3A_232 {strides = array<i32>} : memref<4x128xi32, #tpu.memory_space<vmem>>, vector<16xi32>,
      %shift_right_arithmetic3A_237 = arith.constant 14 : i32
      %shift_right_arithmetic3A_238 = vector.broadcast %shift_right_arithmetic3A_237 : i32 to vector<16xi32>
      %shift_right_arithmetic3A_239 = arith.shrsi %get3A_212, %shift_right_arithmetic3A_238 : vector<16xi32>
      %and3A_240 = arith.constant 16383 : i32
      %and3A_241 = vector.broadcast %and3A_240 : i32 to vector<16xi32>
      %and3A_242 = arith.andi %shift_right_arithmetic3A_239, %and3A_241 : vector<16xi32>
      %swap3A_243 = arith.constant 3 : i32
      %swap3A_244 = arith.index_cast %swap3A_243 : i32 to index
      %swap3A_245 = arith.constant 32 : index
      %swap3A_246 = tpu.vector_load %arg9[%swap3A_244, %swap3A_245] {strides = array<i32>} : memref<4x128xi32, #tpu.memory_space<vmem>>, vector<16xi32>,
      tpu.vector_store %arg9[%swap3A_244, %swap3A_245], %and3A_242 {strides = array<i32>} : memref<4x128xi32, #tpu.memory_space<vmem>>, vector<16xi32>,
      %mul3A_247 = arith.constant 2 : i32
      %mul3A_248 = arith.muli %while3A_92, %mul3A_247 : i32
      %mul3A_249 = arith.constant 128 : i32
      %mul3A_250 = arith.muli %mul3A_248, %mul3A_249 : i32
      %add3A_251 = arith.constant 48 : i32
      %add3A_252 = arith.addi %mul3A_250, %add3A_251 : i32
      %get3A_253 = arith.index_cast %add3A_252 : i32 to index
      %get3A_254 = tpu.vector_load %arg8[%get3A_253] {strides = array<i32>} : memref<20736xi32, #tpu.memory_space<vmem>>, vector<16xi32>,
      %mul3A_255 = arith.constant 2 : i32
      %mul3A_256 = arith.muli %while3A_92, %mul3A_255 : i32
      %mul3A_257 = arith.constant 128 : i32
      %mul3A_258 = arith.muli %mul3A_256, %mul3A_257 : i32
      %add3A_259 = arith.constant 128 : i32
      %add3A_260 = arith.addi %mul3A_258, %add3A_259 : i32
      %add3A_261 = arith.constant 48 : i32
      %add3A_262 = arith.addi %add3A_260, %add3A_261 : i32
      %get3A_263 = arith.index_cast %add3A_262 : i32 to index
      %get3A_264 = tpu.vector_load %arg8[%get3A_263] {strides = array<i32>} : memref<20736xi32, #tpu.memory_space<vmem>>, vector<16xi32>,
      %and3A_265 = arith.constant 16383 : i32
      %and3A_266 = vector.broadcast %and3A_265 : i32 to vector<16xi32>
      %and3A_267 = arith.andi %get3A_254, %and3A_266 : vector<16xi32>
      %swap3A_268 = arith.constant 0 : i32
      %swap3A_269 = arith.index_cast %swap3A_268 : i32 to index
      %swap3A_270 = arith.constant 48 : index
      %swap3A_271 = tpu.vector_load %arg9[%swap3A_269, %swap3A_270] {strides = array<i32>} : memref<4x128xi32, #tpu.memory_space<vmem>>, vector<16xi32>,
      tpu.vector_store %arg9[%swap3A_269, %swap3A_270], %and3A_267 {strides = array<i32>} : memref<4x128xi32, #tpu.memory_space<vmem>>, vector<16xi32>,
      %and3A_272 = arith.constant 16383 : i32
      %and3A_273 = vector.broadcast %and3A_272 : i32 to vector<16xi32>
      %and3A_274 = arith.andi %get3A_264, %and3A_273 : vector<16xi32>
      %swap3A_275 = arith.constant 1 : i32
      %swap3A_276 = arith.index_cast %swap3A_275 : i32 to index
      %swap3A_277 = arith.constant 48 : index
      %swap3A_278 = tpu.vector_load %arg9[%swap3A_276, %swap3A_277] {strides = array<i32>} : memref<4x128xi32, #tpu.memory_space<vmem>>, vector<16xi32>,
      tpu.vector_store %arg9[%swap3A_276, %swap3A_277], %and3A_274 {strides = array<i32>} : memref<4x128xi32, #tpu.memory_space<vmem>>, vector<16xi32>,
      %shift_right_arithmetic3A_279 = arith.constant 14 : i32
      %shift_right_arithmetic3A_280 = vector.broadcast %shift_right_arithmetic3A_279 : i32 to vector<16xi32>
      %shift_right_arithmetic3A_281 = arith.shrsi %get3A_254, %shift_right_arithmetic3A_280 : vector<16xi32>
      %and3A_282 = arith.constant 16383 : i32
      %and3A_283 = vector.broadcast %and3A_282 : i32 to vector<16xi32>
      %and3A_284 = arith.andi %shift_right_arithmetic3A_281, %and3A_283 : vector<16xi32>
      %swap3A_285 = arith.constant 2 : i32
      %swap3A_286 = arith.index_cast %swap3A_285 : i32 to index
      %swap3A_287 = arith.constant 48 : index
      %swap3A_288 = tpu.vector_load %arg9[%swap3A_286, %swap3A_287] {strides = array<i32>} : memref<4x128xi32, #tpu.memory_space<vmem>>, vector<16xi32>,
      tpu.vector_store %arg9[%swap3A_286, %swap3A_287], %and3A_284 {strides = array<i32>} : memref<4x128xi32, #tpu.memory_space<vmem>>, vector<16xi32>,
      %shift_right_arithmetic3A_289 = arith.constant 14 : i32
      %shift_right_arithmetic3A_290 = vector.broadcast %shift_right_arithmetic3A_289 : i32 to vector<16xi32>
      %shift_right_arithmetic3A_291 = arith.shrsi %get3A_264, %shift_right_arithmetic3A_290 : vector<16xi32>
      %and3A_292 = arith.constant 16383 : i32
      %and3A_293 = vector.broadcast %and3A_292 : i32 to vector<16xi32>
      %and3A_294 = arith.andi %shift_right_arithmetic3A_291, %and3A_293 : vector<16xi32>
      %swap3A_295 = arith.constant 3 : i32
      %swap3A_296 = arith.index_cast %swap3A_295 : i32 to index
      %swap3A_297 = arith.constant 48 : index
      %swap3A_298 = tpu.vector_load %arg9[%swap3A_296, %swap3A_297] {strides = array<i32>} : memref<4x128xi32, #tpu.memory_space<vmem>>, vector<16xi32>,
      tpu.vector_store %arg9[%swap3A_296, %swap3A_297], %and3A_294 {strides = array<i32>} : memref<4x128xi32, #tpu.memory_space<vmem>>, vector<16xi32>,
      %mul3A_299 = arith.constant 2 : i32
      %mul3A_300 = arith.muli %while3A_92, %mul3A_299 : i32
      %mul3A_301 = arith.constant 128 : i32
      %mul3A_302 = arith.muli %mul3A_300, %mul3A_301 : i32
      %add3A_303 = arith.constant 64 : i32
      %add3A_304 = arith.addi %mul3A_302, %add3A_303 : i32
      %get3A_305 = arith.index_cast %add3A_304 : i32 to index
      %get3A_306 = tpu.vector_load %arg8[%get3A_305] {strides = array<i32>} : memref<20736xi32, #tpu.memory_space<vmem>>, vector<16xi32>,
      %mul3A_307 = arith.constant 2 : i32
      %mul3A_308 = arith.muli %while3A_92, %mul3A_307 : i32
      %mul3A_309 = arith.constant 128 : i32
      %mul3A_310 = arith.muli %mul3A_308, %mul3A_309 : i32
      %add3A_311 = arith.constant 128 : i32
      %add3A_312 = arith.addi %mul3A_310, %add3A_311 : i32
      %add3A_313 = arith.constant 64 : i32
      %add3A_314 = arith.addi %add3A_312, %add3A_313 : i32
      %get3A_315 = arith.index_cast %add3A_314 : i32 to index
      %get3A_316 = tpu.vector_load %arg8[%get3A_315] {strides = array<i32>} : memref<20736xi32, #tpu.memory_space<vmem>>, vector<16xi32>,
      %and3A_317 = arith.constant 16383 : i32
      %and3A_318 = vector.broadcast %and3A_317 : i32 to vector<16xi32>
      %and3A_319 = arith.andi %get3A_306, %and3A_318 : vector<16xi32>
      %swap3A_320 = arith.constant 0 : i32
      %swap3A_321 = arith.index_cast %swap3A_320 : i32 to index
      %swap3A_322 = arith.constant 64 : index
      %swap3A_323 = tpu.vector_load %arg9[%swap3A_321, %swap3A_322] {strides = array<i32>} : memref<4x128xi32, #tpu.memory_space<vmem>>, vector<16xi32>,
      tpu.vector_store %arg9[%swap3A_321, %swap3A_322], %and3A_319 {strides = array<i32>} : memref<4x128xi32, #tpu.memory_space<vmem>>, vector<16xi32>,
      %and3A_324 = arith.constant 16383 : i32
      %and3A_325 = vector.broadcast %and3A_324 : i32 to vector<16xi32>
      %and3A_326 = arith.andi %get3A_316, %and3A_325 : vector<16xi32>
      %swap3A_327 = arith.constant 1 : i32
      %swap3A_328 = arith.index_cast %swap3A_327 : i32 to index
      %swap3A_329 = arith.constant 64 : index
      %swap3A_330 = tpu.vector_load %arg9[%swap3A_328, %swap3A_329] {strides = array<i32>} : memref<4x128xi32, #tpu.memory_space<vmem>>, vector<16xi32>,
      tpu.vector_store %arg9[%swap3A_328, %swap3A_329], %and3A_326 {strides = array<i32>} : memref<4x128xi32, #tpu.memory_space<vmem>>, vector<16xi32>,
      %shift_right_arithmetic3A_331 = arith.constant 14 : i32
      %shift_right_arithmetic3A_332 = vector.broadcast %shift_right_arithmetic3A_331 : i32 to vector<16xi32>
      %shift_right_arithmetic3A_333 = arith.shrsi %get3A_306, %shift_right_arithmetic3A_332 : vector<16xi32>
      %and3A_334 = arith.constant 16383 : i32
      %and3A_335 = vector.broadcast %and3A_334 : i32 to vector<16xi32>
      %and3A_336 = arith.andi %shift_right_arithmetic3A_333, %and3A_335 : vector<16xi32>
      %swap3A_337 = arith.constant 2 : i32
      %swap3A_338 = arith.index_cast %swap3A_337 : i32 to index
      %swap3A_339 = arith.constant 64 : index
      %swap3A_340 = tpu.vector_load %arg9[%swap3A_338, %swap3A_339] {strides = array<i32>} : memref<4x128xi32, #tpu.memory_space<vmem>>, vector<16xi32>,
      tpu.vector_store %arg9[%swap3A_338, %swap3A_339], %and3A_336 {strides = array<i32>} : memref<4x128xi32, #tpu.memory_space<vmem>>, vector<16xi32>,
      %shift_right_arithmetic3A_341 = arith.constant 14 : i32
      %shift_right_arithmetic3A_342 = vector.broadcast %shift_right_arithmetic3A_341 : i32 to vector<16xi32>
      %shift_right_arithmetic3A_343 = arith.shrsi %get3A_316, %shift_right_arithmetic3A_342 : vector<16xi32>
      %and3A_344 = arith.constant 16383 : i32
      %and3A_345 = vector.broadcast %and3A_344 : i32 to vector<16xi32>
      %and3A_346 = arith.andi %shift_right_arithmetic3A_343, %and3A_345 : vector<16xi32>
      %swap3A_347 = arith.constant 3 : i32
      %swap3A_348 = arith.index_cast %swap3A_347 : i32 to index
      %swap3A_349 = arith.constant 64 : index
      %swap3A_350 = tpu.vector_load %arg9[%swap3A_348, %swap3A_349] {strides = array<i32>} : memref<4x128xi32, #tpu.memory_space<vmem>>, vector<16xi32>,
      tpu.vector_store %arg9[%swap3A_348, %swap3A_349], %and3A_346 {strides = array<i32>} : memref<4x128xi32, #tpu.memory_space<vmem>>, vector<16xi32>,
      %mul3A_351 = arith.constant 2 : i32
      %mul3A_352 = arith.muli %while3A_92, %mul3A_351 : i32
      %mul3A_353 = arith.constant 128 : i32
      %mul3A_354 = arith.muli %mul3A_352, %mul3A_353 : i32
      %add3A_355 = arith.constant 80 : i32
      %add3A_356 = arith.addi %mul3A_354, %add3A_355 : i32
      %get3A_357 = arith.index_cast %add3A_356 : i32 to index
      %get3A_358 = tpu.vector_load %arg8[%get3A_357] {strides = array<i32>} : memref<20736xi32, #tpu.memory_space<vmem>>, vector<16xi32>,
      %mul3A_359 = arith.constant 2 : i32
      %mul3A_360 = arith.muli %while3A_92, %mul3A_359 : i32
      %mul3A_361 = arith.constant 128 : i32
      %mul3A_362 = arith.muli %mul3A_360, %mul3A_361 : i32
      %add3A_363 = arith.constant 128 : i32
      %add3A_364 = arith.addi %mul3A_362, %add3A_363 : i32
      %add3A_365 = arith.constant 80 : i32
      %add3A_366 = arith.addi %add3A_364, %add3A_365 : i32
      %get3A_367 = arith.index_cast %add3A_366 : i32 to index
      %get3A_368 = tpu.vector_load %arg8[%get3A_367] {strides = array<i32>} : memref<20736xi32, #tpu.memory_space<vmem>>, vector<16xi32>,
      %and3A_369 = arith.constant 16383 : i32
      %and3A_370 = vector.broadcast %and3A_369 : i32 to vector<16xi32>
      %and3A_371 = arith.andi %get3A_358, %and3A_370 : vector<16xi32>
      %swap3A_372 = arith.constant 0 : i32
      %swap3A_373 = arith.index_cast %swap3A_372 : i32 to index
      %swap3A_374 = arith.constant 80 : index
      %swap3A_375 = tpu.vector_load %arg9[%swap3A_373, %swap3A_374] {strides = array<i32>} : memref<4x128xi32, #tpu.memory_space<vmem>>, vector<16xi32>,
      tpu.vector_store %arg9[%swap3A_373, %swap3A_374], %and3A_371 {strides = array<i32>} : memref<4x128xi32, #tpu.memory_space<vmem>>, vector<16xi32>,
      %and3A_376 = arith.constant 16383 : i32
      %and3A_377 = vector.broadcast %and3A_376 : i32 to vector<16xi32>
      %and3A_378 = arith.andi %get3A_368, %and3A_377 : vector<16xi32>
      %swap3A_379 = arith.constant 1 : i32
      %swap3A_380 = arith.index_cast %swap3A_379 : i32 to index
      %swap3A_381 = arith.constant 80 : index
      %swap3A_382 = tpu.vector_load %arg9[%swap3A_380, %swap3A_381] {strides = array<i32>} : memref<4x128xi32, #tpu.memory_space<vmem>>, vector<16xi32>,
      tpu.vector_store %arg9[%swap3A_380, %swap3A_381], %and3A_378 {strides = array<i32>} : memref<4x128xi32, #tpu.memory_space<vmem>>, vector<16xi32>,
      %shift_right_arithmetic3A_383 = arith.constant 14 : i32
      %shift_right_arithmetic3A_384 = vector.broadcast %shift_right_arithmetic3A_383 : i32 to vector<16xi32>
      %shift_right_arithmetic3A_385 = arith.shrsi %get3A_358, %shift_right_arithmetic3A_384 : vector<16xi32>
      %and3A_386 = arith.constant 16383 : i32
      %and3A_387 = vector.broadcast %and3A_386 : i32 to vector<16xi32>
      %and3A_388 = arith.andi %shift_right_arithmetic3A_385, %and3A_387 : vector<16xi32>
      %swap3A_389 = arith.constant 2 : i32
      %swap3A_390 = arith.index_cast %swap3A_389 : i32 to index
      %swap3A_391 = arith.constant 80 : index
      %swap3A_392 = tpu.vector_load %arg9[%swap3A_390, %swap3A_391] {strides = array<i32>} : memref<4x128xi32, #tpu.memory_space<vmem>>, vector<16xi32>,
      tpu.vector_store %arg9[%swap3A_390, %swap3A_391], %and3A_388 {strides = array<i32>} : memref<4x128xi32, #tpu.memory_space<vmem>>, vector<16xi32>,
      %shift_right_arithmetic3A_393 = arith.constant 14 : i32
      %shift_right_arithmetic3A_394 = vector.broadcast %shift_right_arithmetic3A_393 : i32 to vector<16xi32>
      %shift_right_arithmetic3A_395 = arith.shrsi %get3A_368, %shift_right_arithmetic3A_394 : vector<16xi32>
      %and3A_396 = arith.constant 16383 : i32
      %and3A_397 = vector.broadcast %and3A_396 : i32 to vector<16xi32>
      %and3A_398 = arith.andi %shift_right_arithmetic3A_395, %and3A_397 : vector<16xi32>
      %swap3A_399 = arith.constant 3 : i32
      %swap3A_400 = arith.index_cast %swap3A_399 : i32 to index
      %swap3A_401 = arith.constant 80 : index
      %swap3A_402 = tpu.vector_load %arg9[%swap3A_400, %swap3A_401] {strides = array<i32>} : memref<4x128xi32, #tpu.memory_space<vmem>>, vector<16xi32>,
      tpu.vector_store %arg9[%swap3A_400, %swap3A_401], %and3A_398 {strides = array<i32>} : memref<4x128xi32, #tpu.memory_space<vmem>>, vector<16xi32>,
      %mul3A_403 = arith.constant 2 : i32
      %mul3A_404 = arith.muli %while3A_92, %mul3A_403 : i32
      %mul3A_405 = arith.constant 128 : i32
      %mul3A_406 = arith.muli %mul3A_404, %mul3A_405 : i32
      %add3A_407 = arith.constant 96 : i32
      %add3A_408 = arith.addi %mul3A_406, %add3A_407 : i32
      %get3A_409 = arith.index_cast %add3A_408 : i32 to index
      %get3A_410 = tpu.vector_load %arg8[%get3A_409] {strides = array<i32>} : memref<20736xi32, #tpu.memory_space<vmem>>, vector<16xi32>,
      %mul3A_411 = arith.constant 2 : i32
      %mul3A_412 = arith.muli %while3A_92, %mul3A_411 : i32
      %mul3A_413 = arith.constant 128 : i32
      %mul3A_414 = arith.muli %mul3A_412, %mul3A_413 : i32
      %add3A_415 = arith.constant 128 : i32
      %add3A_416 = arith.addi %mul3A_414, %add3A_415 : i32
      %add3A_417 = arith.constant 96 : i32
      %add3A_418 = arith.addi %add3A_416, %add3A_417 : i32
      %get3A_419 = arith.index_cast %add3A_418 : i32 to index
      %get3A_420 = tpu.vector_load %arg8[%get3A_419] {strides = array<i32>} : memref<20736xi32, #tpu.memory_space<vmem>>, vector<16xi32>,
      %and3A_421 = arith.constant 16383 : i32
      %and3A_422 = vector.broadcast %and3A_421 : i32 to vector<16xi32>
      %and3A_423 = arith.andi %get3A_410, %and3A_422 : vector<16xi32>
      %swap3A_424 = arith.constant 0 : i32
      %swap3A_425 = arith.index_cast %swap3A_424 : i32 to index
      %swap3A_426 = arith.constant 96 : index
      %swap3A_427 = tpu.vector_load %arg9[%swap3A_425, %swap3A_426] {strides = array<i32>} : memref<4x128xi32, #tpu.memory_space<vmem>>, vector<16xi32>,
      tpu.vector_store %arg9[%swap3A_425, %swap3A_426], %and3A_423 {strides = array<i32>} : memref<4x128xi32, #tpu.memory_space<vmem>>, vector<16xi32>,
      %and3A_428 = arith.constant 16383 : i32
      %and3A_429 = vector.broadcast %and3A_428 : i32 to vector<16xi32>
      %and3A_430 = arith.andi %get3A_420, %and3A_429 : vector<16xi32>
      %swap3A_431 = arith.constant 1 : i32
      %swap3A_432 = arith.index_cast %swap3A_431 : i32 to index
      %swap3A_433 = arith.constant 96 : index
      %swap3A_434 = tpu.vector_load %arg9[%swap3A_432, %swap3A_433] {strides = array<i32>} : memref<4x128xi32, #tpu.memory_space<vmem>>, vector<16xi32>,
      tpu.vector_store %arg9[%swap3A_432, %swap3A_433], %and3A_430 {strides = array<i32>} : memref<4x128xi32, #tpu.memory_space<vmem>>, vector<16xi32>,
      %shift_right_arithmetic3A_435 = arith.constant 14 : i32
      %shift_right_arithmetic3A_436 = vector.broadcast %shift_right_arithmetic3A_435 : i32 to vector<16xi32>
      %shift_right_arithmetic3A_437 = arith.shrsi %get3A_410, %shift_right_arithmetic3A_436 : vector<16xi32>
      %and3A_438 = arith.constant 16383 : i32
      %and3A_439 = vector.broadcast %and3A_438 : i32 to vector<16xi32>
      %and3A_440 = arith.andi %shift_right_arithmetic3A_437, %and3A_439 : vector<16xi32>
      %swap3A_441 = arith.constant 2 : i32
      %swap3A_442 = arith.index_cast %swap3A_441 : i32 to index
      %swap3A_443 = arith.constant 96 : index
      %swap3A_444 = tpu.vector_load %arg9[%swap3A_442, %swap3A_443] {strides = array<i32>} : memref<4x128xi32, #tpu.memory_space<vmem>>, vector<16xi32>,
      tpu.vector_store %arg9[%swap3A_442, %swap3A_443], %and3A_440 {strides = array<i32>} : memref<4x128xi32, #tpu.memory_space<vmem>>, vector<16xi32>,
      %shift_right_arithmetic3A_445 = arith.constant 14 : i32
      %shift_right_arithmetic3A_446 = vector.broadcast %shift_right_arithmetic3A_445 : i32 to vector<16xi32>
      %shift_right_arithmetic3A_447 = arith.shrsi %get3A_420, %shift_right_arithmetic3A_446 : vector<16xi32>
      %and3A_448 = arith.constant 16383 : i32
      %and3A_449 = vector.broadcast %and3A_448 : i32 to vector<16xi32>
      %and3A_450 = arith.andi %shift_right_arithmetic3A_447, %and3A_449 : vector<16xi32>
      %swap3A_451 = arith.constant 3 : i32
      %swap3A_452 = arith.index_cast %swap3A_451 : i32 to index
      %swap3A_453 = arith.constant 96 : index
      %swap3A_454 = tpu.vector_load %arg9[%swap3A_452, %swap3A_453] {strides = array<i32>} : memref<4x128xi32, #tpu.memory_space<vmem>>, vector<16xi32>,
      tpu.vector_store %arg9[%swap3A_452, %swap3A_453], %and3A_450 {strides = array<i32>} : memref<4x128xi32, #tpu.memory_space<vmem>>, vector<16xi32>,
      %mul3A_455 = arith.constant 2 : i32
      %mul3A_456 = arith.muli %while3A_92, %mul3A_455 : i32
      %mul3A_457 = arith.constant 128 : i32
      %mul3A_458 = arith.muli %mul3A_456, %mul3A_457 : i32
      %add3A_459 = arith.constant 112 : i32
      %add3A_460 = arith.addi %mul3A_458, %add3A_459 : i32
      %get3A_461 = arith.index_cast %add3A_460 : i32 to index
      %get3A_462 = tpu.vector_load %arg8[%get3A_461] {strides = array<i32>} : memref<20736xi32, #tpu.memory_space<vmem>>, vector<16xi32>,
      %mul3A_463 = arith.constant 2 : i32
      %mul3A_464 = arith.muli %while3A_92, %mul3A_463 : i32
      %mul3A_465 = arith.constant 128 : i32
      %mul3A_466 = arith.muli %mul3A_464, %mul3A_465 : i32
      %add3A_467 = arith.constant 128 : i32
      %add3A_468 = arith.addi %mul3A_466, %add3A_467 : i32
      %add3A_469 = arith.constant 112 : i32
      %add3A_470 = arith.addi %add3A_468, %add3A_469 : i32
      %get3A_471 = arith.index_cast %add3A_470 : i32 to index
      %get3A_472 = tpu.vector_load %arg8[%get3A_471] {strides = array<i32>} : memref<20736xi32, #tpu.memory_space<vmem>>, vector<16xi32>,
      %and3A_473 = arith.constant 16383 : i32
      %and3A_474 = vector.broadcast %and3A_473 : i32 to vector<16xi32>
      %and3A_475 = arith.andi %get3A_462, %and3A_474 : vector<16xi32>
      %swap3A_476 = arith.constant 0 : i32
      %swap3A_477 = arith.index_cast %swap3A_476 : i32 to index
      %swap3A_478 = arith.constant 112 : index
      %swap3A_479 = tpu.vector_load %arg9[%swap3A_477, %swap3A_478] {strides = array<i32>} : memref<4x128xi32, #tpu.memory_space<vmem>>, vector<16xi32>,
      tpu.vector_store %arg9[%swap3A_477, %swap3A_478], %and3A_475 {strides = array<i32>} : memref<4x128xi32, #tpu.memory_space<vmem>>, vector<16xi32>,
      %and3A_480 = arith.constant 16383 : i32
      %and3A_481 = vector.broadcast %and3A_480 : i32 to vector<16xi32>
      %and3A_482 = arith.andi %get3A_472, %and3A_481 : vector<16xi32>
      %swap3A_483 = arith.constant 1 : i32
      %swap3A_484 = arith.index_cast %swap3A_483 : i32 to index
      %swap3A_485 = arith.constant 112 : index
      %swap3A_486 = tpu.vector_load %arg9[%swap3A_484, %swap3A_485] {strides = array<i32>} : memref<4x128xi32, #tpu.memory_space<vmem>>, vector<16xi32>,
      tpu.vector_store %arg9[%swap3A_484, %swap3A_485], %and3A_482 {strides = array<i32>} : memref<4x128xi32, #tpu.memory_space<vmem>>, vector<16xi32>,
      %shift_right_arithmetic3A_487 = arith.constant 14 : i32
      %shift_right_arithmetic3A_488 = vector.broadcast %shift_right_arithmetic3A_487 : i32 to vector<16xi32>
      %shift_right_arithmetic3A_489 = arith.shrsi %get3A_462, %shift_right_arithmetic3A_488 : vector<16xi32>
      %and3A_490 = arith.constant 16383 : i32
      %and3A_491 = vector.broadcast %and3A_490 : i32 to vector<16xi32>
      %and3A_492 = arith.andi %shift_right_arithmetic3A_489, %and3A_491 : vector<16xi32>
      %swap3A_493 = arith.constant 2 : i32
      %swap3A_494 = arith.index_cast %swap3A_493 : i32 to index
      %swap3A_495 = arith.constant 112 : index
      %swap3A_496 = tpu.vector_load %arg9[%swap3A_494, %swap3A_495] {strides = array<i32>} : memref<4x128xi32, #tpu.memory_space<vmem>>, vector<16xi32>,
      tpu.vector_store %arg9[%swap3A_494, %swap3A_495], %and3A_492 {strides = array<i32>} : memref<4x128xi32, #tpu.memory_space<vmem>>, vector<16xi32>,
      %shift_right_arithmetic3A_497 = arith.constant 14 : i32
      %shift_right_arithmetic3A_498 = vector.broadcast %shift_right_arithmetic3A_497 : i32 to vector<16xi32>
      %shift_right_arithmetic3A_499 = arith.shrsi %get3A_472, %shift_right_arithmetic3A_498 : vector<16xi32>
      %and3A_500 = arith.constant 16383 : i32
      %and3A_501 = vector.broadcast %and3A_500 : i32 to vector<16xi32>
      %and3A_502 = arith.andi %shift_right_arithmetic3A_499, %and3A_501 : vector<16xi32>
      %swap3A_503 = arith.constant 3 : i32
      %swap3A_504 = arith.index_cast %swap3A_503 : i32 to index
      %swap3A_505 = arith.constant 112 : index
      %swap3A_506 = tpu.vector_load %arg9[%swap3A_504, %swap3A_505] {strides = array<i32>} : memref<4x128xi32, #tpu.memory_space<vmem>>, vector<16xi32>,
      tpu.vector_store %arg9[%swap3A_504, %swap3A_505], %and3A_502 {strides = array<i32>} : memref<4x128xi32, #tpu.memory_space<vmem>>, vector<16xi32>,
      %dma_start3A = arith.constant 2 : i32
      %dma_start3A_507 = arith.constant 0 : i32
      %dma_start3A_508 = tpu.memref_slice %arg9[%dma_start3A, %dma_start3A_507] : memref<4x128xi32, #tpu.memory_space<vmem>> -> memref<1x128xi32, #tpu.memory_space<vmem>>
      %dma_start3A_509 = tpu.memref_squeeze %dma_start3A_508 : memref<1x128xi32, #tpu.memory_space<vmem>> -> memref<128xi32, #tpu.memory_space<vmem>>
      %dma_start3A_510 = arith.constant 0 : i32
      %dma_start3A_511 = arith.constant 0 : i32
      %dma_start3A_512 = tpu.memref_slice %arg2[%dma_start3A_510, %dma_start3A_511] : memref<10000x64xf32, #tpu.memory_space<hbm>> -> memref<10000x64xf32, #tpu.memory_space<hbm>>
      tpu.enqueue_indirect_dma source(%dma_start3A_512 : memref<10000x64xf32, #tpu.memory_space<hbm>>) target(%arg10 : memref<128x64xf32, #tpu.memory_space<vmem>>) offsets(%dma_start3A_509 : memref<128xi32, #tpu.memory_space<vmem>>) semaphore(%arg15 : memref<!tpu.dma_semaphore, #tpu.memory_space<semaphore_mem>>)
      %dma_start3A_513 = arith.constant 3 : i32
      %dma_start3A_514 = arith.constant 0 : i32
      %dma_start3A_515 = tpu.memref_slice %arg9[%dma_start3A_513, %dma_start3A_514] : memref<4x128xi32, #tpu.memory_space<vmem>> -> memref<1x128xi32, #tpu.memory_space<vmem>>
      %dma_start3A_516 = tpu.memref_squeeze %dma_start3A_515 : memref<1x128xi32, #tpu.memory_space<vmem>> -> memref<128xi32, #tpu.memory_space<vmem>>
      %dma_start3A_517 = arith.constant 0 : i32
      %dma_start3A_518 = arith.constant 0 : i32
      %dma_start3A_519 = tpu.memref_slice %arg2[%dma_start3A_517, %dma_start3A_518] : memref<10000x64xf32, #tpu.memory_space<hbm>> -> memref<10000x64xf32, #tpu.memory_space<hbm>>
      tpu.enqueue_indirect_dma source(%dma_start3A_519 : memref<10000x64xf32, #tpu.memory_space<hbm>>) target(%arg11 : memref<128x64xf32, #tpu.memory_space<vmem>>) offsets(%dma_start3A_516 : memref<128xi32, #tpu.memory_space<vmem>>) semaphore(%arg16 : memref<!tpu.dma_semaphore, #tpu.memory_space<semaphore_mem>>)
      %dma_wait3A = arith.constant 2 : i32
      %dma_wait3A_520 = arith.constant 0 : i32
      %dma_wait3A_521 = tpu.memref_slice %arg9[%dma_wait3A, %dma_wait3A_520] : memref<4x128xi32, #tpu.memory_space<vmem>> -> memref<1x128xi32, #tpu.memory_space<vmem>>
      %dma_wait3A_522 = tpu.memref_squeeze %dma_wait3A_521 : memref<1x128xi32, #tpu.memory_space<vmem>> -> memref<128xi32, #tpu.memory_space<vmem>>
      %dma_wait3A_523 = arith.constant 0 : i32
      %dma_wait3A_524 = arith.constant 0 : i32
      %dma_wait3A_525 = tpu.memref_slice %arg2[%dma_wait3A_523, %dma_wait3A_524] : memref<10000x64xf32, #tpu.memory_space<hbm>> -> memref<10000x64xf32, #tpu.memory_space<hbm>>
      tpu.wait_indirect_dma semaphore(%arg15 : memref<!tpu.dma_semaphore, #tpu.memory_space<semaphore_mem>>) src(%dma_wait3A_525 : memref<10000x64xf32, #tpu.memory_space<hbm>>) dst(%arg10 : memref<128x64xf32, #tpu.memory_space<vmem>>)
      %dma_start3A_526 = arith.constant 0 : i32
      %dma_start3A_527 = arith.constant 0 : i32
      %dma_start3A_528 = tpu.memref_slice %arg9[%dma_start3A_526, %dma_start3A_527] : memref<4x128xi32, #tpu.memory_space<vmem>> -> memref<1x128xi32, #tpu.memory_space<vmem>>
      %dma_start3A_529 = tpu.memref_squeeze %dma_start3A_528 : memref<1x128xi32, #tpu.memory_space<vmem>> -> memref<128xi32, #tpu.memory_space<vmem>>
      %dma_start3A_530 = arith.constant 0 : i32
      %dma_start3A_531 = arith.constant 0 : i32
      %dma_start3A_532 = tpu.memref_slice %arg14[%dma_start3A_530, %dma_start3A_531] : memref<10016x64xf32, #tpu.memory_space<vmem_shared>> -> memref<10016x64xf32, #tpu.memory_space<vmem_shared>>
      tpu.enqueue_indirect_dma source(%arg10 : memref<128x64xf32, #tpu.memory_space<vmem>>) target(%dma_start3A_532 : memref<10016x64xf32, #tpu.memory_space<vmem_shared>>) offsets(%dma_start3A_529 : memref<128xi32, #tpu.memory_space<vmem>>) semaphore(%arg17 : memref<!tpu.dma_semaphore, #tpu.memory_space<semaphore_mem>>) {add = true}
      %dma_wait3A_533 = arith.constant 0 : i32
      %dma_wait3A_534 = arith.constant 0 : i32
      %dma_wait3A_535 = tpu.memref_slice %arg9[%dma_wait3A_533, %dma_wait3A_534] : memref<4x128xi32, #tpu.memory_space<vmem>> -> memref<1x128xi32, #tpu.memory_space<vmem>>
      %dma_wait3A_536 = tpu.memref_squeeze %dma_wait3A_535 : memref<1x128xi32, #tpu.memory_space<vmem>> -> memref<128xi32, #tpu.memory_space<vmem>>
      %dma_wait3A_537 = arith.constant 0 : i32
      %dma_wait3A_538 = arith.constant 0 : i32
      %dma_wait3A_539 = tpu.memref_slice %arg14[%dma_wait3A_537, %dma_wait3A_538] : memref<10016x64xf32, #tpu.memory_space<vmem_shared>> -> memref<10016x64xf32, #tpu.memory_space<vmem_shared>>
      tpu.wait_indirect_dma semaphore(%arg17 : memref<!tpu.dma_semaphore, #tpu.memory_space<semaphore_mem>>) src(%arg10 : memref<128x64xf32, #tpu.memory_space<vmem>>) dst(%dma_wait3A_539 : memref<10016x64xf32, #tpu.memory_space<vmem_shared>>)
      %dma_wait3A_540 = arith.constant 3 : i32
      %dma_wait3A_541 = arith.constant 0 : i32
      %dma_wait3A_542 = tpu.memref_slice %arg9[%dma_wait3A_540, %dma_wait3A_541] : memref<4x128xi32, #tpu.memory_space<vmem>> -> memref<1x128xi32, #tpu.memory_space<vmem>>
      %dma_wait3A_543 = tpu.memref_squeeze %dma_wait3A_542 : memref<1x128xi32, #tpu.memory_space<vmem>> -> memref<128xi32, #tpu.memory_space<vmem>>
      %dma_wait3A_544 = arith.constant 0 : i32
      %dma_wait3A_545 = arith.constant 0 : i32
      %dma_wait3A_546 = tpu.memref_slice %arg2[%dma_wait3A_544, %dma_wait3A_545] : memref<10000x64xf32, #tpu.memory_space<hbm>> -> memref<10000x64xf32, #tpu.memory_space<hbm>>
      tpu.wait_indirect_dma semaphore(%arg16 : memref<!tpu.dma_semaphore, #tpu.memory_space<semaphore_mem>>) src(%dma_wait3A_546 : memref<10000x64xf32, #tpu.memory_space<hbm>>) dst(%arg11 : memref<128x64xf32, #tpu.memory_space<vmem>>)
      %dma_start3A_547 = arith.constant 1 : i32
      %dma_start3A_548 = arith.constant 0 : i32
      %dma_start3A_549 = tpu.memref_slice %arg9[%dma_start3A_547, %dma_start3A_548] : memref<4x128xi32, #tpu.memory_space<vmem>> -> memref<1x128xi32, #tpu.memory_space<vmem>>
      %dma_start3A_550 = tpu.memref_squeeze %dma_start3A_549 : memref<1x128xi32, #tpu.memory_space<vmem>> -> memref<128xi32, #tpu.memory_space<vmem>>
      %dma_start3A_551 = arith.constant 0 : i32
      %dma_start3A_552 = arith.constant 0 : i32
      %dma_start3A_553 = tpu.memref_slice %arg14[%dma_start3A_551, %dma_start3A_552] : memref<10016x64xf32, #tpu.memory_space<vmem_shared>> -> memref<10016x64xf32, #tpu.memory_space<vmem_shared>>
      tpu.enqueue_indirect_dma source(%arg11 : memref<128x64xf32, #tpu.memory_space<vmem>>) target(%dma_start3A_553 : memref<10016x64xf32, #tpu.memory_space<vmem_shared>>) offsets(%dma_start3A_550 : memref<128xi32, #tpu.memory_space<vmem>>) semaphore(%arg17 : memref<!tpu.dma_semaphore, #tpu.memory_space<semaphore_mem>>) {add = true}
      %dma_wait3A_554 = arith.constant 1 : i32
      %dma_wait3A_555 = arith.constant 0 : i32
      %dma_wait3A_556 = tpu.memref_slice %arg9[%dma_wait3A_554, %dma_wait3A_555] : memref<4x128xi32, #tpu.memory_space<vmem>> -> memref<1x128xi32, #tpu.memory_space<vmem>>
      %dma_wait3A_557 = tpu.memref_squeeze %dma_wait3A_556 : memref<1x128xi32, #tpu.memory_space<vmem>> -> memref<128xi32, #tpu.memory_space<vmem>>
      %dma_wait3A_558 = arith.constant 0 : i32
      %dma_wait3A_559 = arith.constant 0 : i32
      %dma_wait3A_560 = tpu.memref_slice %arg14[%dma_wait3A_558, %dma_wait3A_559] : memref<10016x64xf32, #tpu.memory_space<vmem_shared>> -> memref<10016x64xf32, #tpu.memory_space<vmem_shared>>
      tpu.wait_indirect_dma semaphore(%arg17 : memref<!tpu.dma_semaphore, #tpu.memory_space<semaphore_mem>>) src(%arg11 : memref<128x64xf32, #tpu.memory_space<vmem>>) dst(%dma_wait3A_560 : memref<10016x64xf32, #tpu.memory_space<vmem_shared>>)
      %while3A_561 = arith.constant 0 : i32
      scf.yield %while3A_561 : i32
    }
    %barrier3A_60 = arith.constant 0 : index
    tpu.barrier barrier_id(%barrier3A_60)
    %mul3A_61 = arith.constant 626 : i32
    %mul3A_62 = arith.muli %arg1, %mul3A_61 : i32
    %mul3A_63 = arith.constant 626 : i32
    %mul3A_64 = arith.muli %arg1, %mul3A_63 : i32
    %run_scoped3A = arith.constant 0 : i32
    "tpu.region"() ({
      %run_scoped3A_92 = tpu.sem_alloc : memref<!tpu.dma_semaphore, #tpu.memory_space<semaphore_mem>>
      %dma_start3A = arith.constant 0 : i32
      %dma_start3A_93 = tpu.memref_slice %arg5[%arg0, %run_scoped3A, %mul3A_64, %dma_start3A] : memref<2x2x10016x64xf32, #tpu.memory_space<hbm>> -> memref<1x1x626x64xf32, #tpu.memory_space<hbm>>
      %dma_start3A_94 = tpu.memref_squeeze %dma_start3A_93 : memref<1x1x626x64xf32, #tpu.memory_space<hbm>> -> memref<626x64xf32, #tpu.memory_space<hbm>>
      %dma_start3A_95 = arith.constant 0 : i32
      %dma_start3A_96 = tpu.memref_slice %arg14[%mul3A_62, %dma_start3A_95] : memref<10016x64xf32, #tpu.memory_space<vmem_shared>> -> memref<626x64xf32, #tpu.memory_space<vmem_shared>>
      tpu.enqueue_dma source(%dma_start3A_96 : memref<626x64xf32, #tpu.memory_space<vmem_shared>>) target(%dma_start3A_94 : memref<626x64xf32, #tpu.memory_space<hbm>>) target_semaphore(%run_scoped3A_92 : memref<!tpu.dma_semaphore, #tpu.memory_space<semaphore_mem>>)
      %dma_wait3A = arith.constant 0 : i32
      %dma_wait3A_97 = tpu.memref_slice %arg5[%arg0, %run_scoped3A, %mul3A_64, %dma_wait3A] : memref<2x2x10016x64xf32, #tpu.memory_space<hbm>> -> memref<1x1x626x64xf32, #tpu.memory_space<hbm>>
      %dma_wait3A_98 = tpu.memref_squeeze %dma_wait3A_97 : memref<1x1x626x64xf32, #tpu.memory_space<hbm>> -> memref<626x64xf32, #tpu.memory_space<hbm>>
      %dma_wait3A_99 = arith.constant 0 : i32
      %dma_wait3A_100 = tpu.memref_slice %arg14[%mul3A_62, %dma_wait3A_99] : memref<10016x64xf32, #tpu.memory_space<vmem_shared>> -> memref<626x64xf32, #tpu.memory_space<vmem_shared>>
      tpu.wait_dma2 semaphore(%run_scoped3A_92 : memref<!tpu.dma_semaphore, #tpu.memory_space<semaphore_mem>>) src(%dma_wait3A_100 : memref<626x64xf32, #tpu.memory_space<vmem_shared>>) dst(%dma_wait3A_98 : memref<626x64xf32, #tpu.memory_space<hbm>>)
      tpu.yield
    }) : () -> ()
    %barrier3A_65 = arith.constant 0 : index
    tpu.barrier barrier_id(%barrier3A_65)
    %mul3A_66 = arith.constant 626 : i32
    %mul3A_67 = arith.muli %arg1, %mul3A_66 : i32
    "tpu.region"() ({
      %run_scoped3A_92 = tpu.sem_alloc : memref<!tpu.dma_semaphore, #tpu.memory_space<semaphore_mem>>
      %dma_start3A = arith.constant 0 : i32
      %dma_start3A_93 = tpu.memref_slice %arg14[%mul3A_67, %dma_start3A] : memref<10016x64xf32, #tpu.memory_space<vmem_shared>> -> memref<313x64xf32, #tpu.memory_space<vmem_shared>>
      %dma_start3A_94 = arith.constant 0 : i32
      %dma_start3A_95 = tpu.memref_slice %arg14[%mul3A_67, %dma_start3A_94] : memref<10016x64xf32, #tpu.memory_space<vmem_shared>> -> memref<313x64xf32, #tpu.memory_space<vmem_shared>>
      tpu.enqueue_dma source(%arg12 : memref<313x64xf32, #tpu.memory_space<vmem>>) target(%dma_start3A_95 : memref<313x64xf32, #tpu.memory_space<vmem_shared>>) target_semaphore(%run_scoped3A_92 : memref<!tpu.dma_semaphore, #tpu.memory_space<semaphore_mem>>)
      %dma_wait3A = arith.constant 0 : i32
      %dma_wait3A_96 = tpu.memref_slice %arg14[%mul3A_67, %dma_wait3A] : memref<10016x64xf32, #tpu.memory_space<vmem_shared>> -> memref<313x64xf32, #tpu.memory_space<vmem_shared>>
      %dma_wait3A_97 = arith.constant 0 : i32
      %dma_wait3A_98 = tpu.memref_slice %arg14[%mul3A_67, %dma_wait3A_97] : memref<10016x64xf32, #tpu.memory_space<vmem_shared>> -> memref<313x64xf32, #tpu.memory_space<vmem_shared>>
      tpu.wait_dma2 semaphore(%run_scoped3A_92 : memref<!tpu.dma_semaphore, #tpu.memory_space<semaphore_mem>>) src(%arg12 : memref<313x64xf32, #tpu.memory_space<vmem>>) dst(%dma_wait3A_98 : memref<313x64xf32, #tpu.memory_space<vmem_shared>>)
      tpu.yield
    }) : () -> ()
    %mul3A_68 = arith.constant 626 : i32
    %mul3A_69 = arith.muli %arg1, %mul3A_68 : i32
    %add3A_70 = arith.constant 313 : i32
    %add3A_71 = arith.addi %mul3A_69, %add3A_70 : i32
    "tpu.region"() ({
      %run_scoped3A_92 = tpu.sem_alloc : memref<!tpu.dma_semaphore, #tpu.memory_space<semaphore_mem>>
      %dma_start3A = arith.constant 0 : i32
      %dma_start3A_93 = tpu.memref_slice %arg14[%add3A_71, %dma_start3A] : memref<10016x64xf32, #tpu.memory_space<vmem_shared>> -> memref<313x64xf32, #tpu.memory_space<vmem_shared>>
      %dma_start3A_94 = arith.constant 0 : i32
      %dma_start3A_95 = tpu.memref_slice %arg14[%add3A_71, %dma_start3A_94] : memref<10016x64xf32, #tpu.memory_space<vmem_shared>> -> memref<313x64xf32, #tpu.memory_space<vmem_shared>>
      tpu.enqueue_dma source(%arg12 : memref<313x64xf32, #tpu.memory_space<vmem>>) target(%dma_start3A_95 : memref<313x64xf32, #tpu.memory_space<vmem_shared>>) target_semaphore(%run_scoped3A_92 : memref<!tpu.dma_semaphore, #tpu.memory_space<semaphore_mem>>)
      %dma_wait3A = arith.constant 0 : i32
      %dma_wait3A_96 = tpu.memref_slice %arg14[%add3A_71, %dma_wait3A] : memref<10016x64xf32, #tpu.memory_space<vmem_shared>> -> memref<313x64xf32, #tpu.memory_space<vmem_shared>>
      %dma_wait3A_97 = arith.constant 0 : i32
      %dma_wait3A_98 = tpu.memref_slice %arg14[%add3A_71, %dma_wait3A_97] : memref<10016x64xf32, #tpu.memory_space<vmem_shared>> -> memref<313x64xf32, #tpu.memory_space<vmem_shared>>
      tpu.wait_dma2 semaphore(%run_scoped3A_92 : memref<!tpu.dma_semaphore, #tpu.memory_space<semaphore_mem>>) src(%arg12 : memref<313x64xf32, #tpu.memory_space<vmem>>) dst(%dma_wait3A_98 : memref<313x64xf32, #tpu.memory_space<vmem_shared>>)
      tpu.yield
    }) : () -> ()
    %barrier3A_72 = arith.constant 0 : index
    tpu.barrier barrier_id(%barrier3A_72)
    %while3A_73 = arith.constant 0 : i32
    %while3A_74 = arith.constant 0 : i32
    %while3A_75 = arith.subi %select_n3A, %while3A_73 : i32
    %while3A_76 = arith.addi %while3A_73, %while3A_75 : i32
    %while3A_77 = arith.constant 1 : i32
    %while3A_78 = arith.divsi %while3A_75, %while3A_77 : i32
    %while3A_79 = arith.muli %while3A_78, %while3A_77 : i32
    %while3A_80 = arith.addi %while3A_73, %while3A_79 : i32
    %while3A_81 = arith.constant 1 : i32
    %while3A_82 = scf.for %while3A_92 = %while3A_73 to %while3A_80 step %while3A_81 iter_args(%while3A_93 = %while3A_74) -> (i32)  : i32 {
      %mul3A_94 = arith.constant 2 : i32
      %mul3A_95 = arith.muli %while3A_92, %mul3A_94 : i32
      %mul3A_96 = arith.constant 128 : i32
      %mul3A_97 = arith.muli %mul3A_95, %mul3A_96 : i32
      %add3A_98 = arith.constant 0 : i32
      %add3A_99 = arith.addi %mul3A_97, %add3A_98 : i32
      %get3A = arith.index_cast %add3A_99 : i32 to index
      %get3A_100 = tpu.vector_load %arg8[%get3A] {strides = array<i32>} : memref<20736xi32, #tpu.memory_space<vmem>>, vector<16xi32>,
      %mul3A_101 = arith.constant 2 : i32
      %mul3A_102 = arith.muli %while3A_92, %mul3A_101 : i32
      %mul3A_103 = arith.constant 128 : i32
      %mul3A_104 = arith.muli %mul3A_102, %mul3A_103 : i32
      %add3A_105 = arith.constant 128 : i32
      %add3A_106 = arith.addi %mul3A_104, %add3A_105 : i32
      %add3A_107 = arith.constant 0 : i32
      %add3A_108 = arith.addi %add3A_106, %add3A_107 : i32
      %get3A_109 = arith.index_cast %add3A_108 : i32 to index
      %get3A_110 = tpu.vector_load %arg8[%get3A_109] {strides = array<i32>} : memref<20736xi32, #tpu.memory_space<vmem>>, vector<16xi32>,
      %and3A_111 = arith.constant 16383 : i32
      %and3A_112 = vector.broadcast %and3A_111 : i32 to vector<16xi32>
      %and3A_113 = arith.andi %get3A_100, %and3A_112 : vector<16xi32>
      %swap3A = arith.constant 0 : i32
      %swap3A_114 = arith.index_cast %swap3A : i32 to index
      %swap3A_115 = arith.constant 0 : index
      %swap3A_116 = tpu.vector_load %arg9[%swap3A_114, %swap3A_115] {strides = array<i32>} : memref<4x128xi32, #tpu.memory_space<vmem>>, vector<16xi32>,
      tpu.vector_store %arg9[%swap3A_114, %swap3A_115], %and3A_113 {strides = array<i32>} : memref<4x128xi32, #tpu.memory_space<vmem>>, vector<16xi32>,
      %and3A_117 = arith.constant 16383 : i32
      %and3A_118 = vector.broadcast %and3A_117 : i32 to vector<16xi32>
      %and3A_119 = arith.andi %get3A_110, %and3A_118 : vector<16xi32>
      %swap3A_120 = arith.constant 1 : i32
      %swap3A_121 = arith.index_cast %swap3A_120 : i32 to index
      %swap3A_122 = arith.constant 0 : index
      %swap3A_123 = tpu.vector_load %arg9[%swap3A_121, %swap3A_122] {strides = array<i32>} : memref<4x128xi32, #tpu.memory_space<vmem>>, vector<16xi32>,
      tpu.vector_store %arg9[%swap3A_121, %swap3A_122], %and3A_119 {strides = array<i32>} : memref<4x128xi32, #tpu.memory_space<vmem>>, vector<16xi32>,
      %shift_right_arithmetic3A = arith.constant 14 : i32
      %shift_right_arithmetic3A_124 = vector.broadcast %shift_right_arithmetic3A : i32 to vector<16xi32>
      %shift_right_arithmetic3A_125 = arith.shrsi %get3A_100, %shift_right_arithmetic3A_124 : vector<16xi32>
      %and3A_126 = arith.constant 16383 : i32
      %and3A_127 = vector.broadcast %and3A_126 : i32 to vector<16xi32>
      %and3A_128 = arith.andi %shift_right_arithmetic3A_125, %and3A_127 : vector<16xi32>
      %swap3A_129 = arith.constant 2 : i32
      %swap3A_130 = arith.index_cast %swap3A_129 : i32 to index
      %swap3A_131 = arith.constant 0 : index
      %swap3A_132 = tpu.vector_load %arg9[%swap3A_130, %swap3A_131] {strides = array<i32>} : memref<4x128xi32, #tpu.memory_space<vmem>>, vector<16xi32>,
      tpu.vector_store %arg9[%swap3A_130, %swap3A_131], %and3A_128 {strides = array<i32>} : memref<4x128xi32, #tpu.memory_space<vmem>>, vector<16xi32>,
      %shift_right_arithmetic3A_133 = arith.constant 14 : i32
      %shift_right_arithmetic3A_134 = vector.broadcast %shift_right_arithmetic3A_133 : i32 to vector<16xi32>
      %shift_right_arithmetic3A_135 = arith.shrsi %get3A_110, %shift_right_arithmetic3A_134 : vector<16xi32>
      %and3A_136 = arith.constant 16383 : i32
      %and3A_137 = vector.broadcast %and3A_136 : i32 to vector<16xi32>
      %and3A_138 = arith.andi %shift_right_arithmetic3A_135, %and3A_137 : vector<16xi32>
      %swap3A_139 = arith.constant 3 : i32
      %swap3A_140 = arith.index_cast %swap3A_139 : i32 to index
      %swap3A_141 = arith.constant 0 : index
      %swap3A_142 = tpu.vector_load %arg9[%swap3A_140, %swap3A_141] {strides = array<i32>} : memref<4x128xi32, #tpu.memory_space<vmem>>, vector<16xi32>,
      tpu.vector_store %arg9[%swap3A_140, %swap3A_141], %and3A_138 {strides = array<i32>} : memref<4x128xi32, #tpu.memory_space<vmem>>, vector<16xi32>,
      %mul3A_143 = arith.constant 2 : i32
      %mul3A_144 = arith.muli %while3A_92, %mul3A_143 : i32
      %mul3A_145 = arith.constant 128 : i32
      %mul3A_146 = arith.muli %mul3A_144, %mul3A_145 : i32
      %add3A_147 = arith.constant 16 : i32
      %add3A_148 = arith.addi %mul3A_146, %add3A_147 : i32
      %get3A_149 = arith.index_cast %add3A_148 : i32 to index
      %get3A_150 = tpu.vector_load %arg8[%get3A_149] {strides = array<i32>} : memref<20736xi32, #tpu.memory_space<vmem>>, vector<16xi32>,
      %mul3A_151 = arith.constant 2 : i32
      %mul3A_152 = arith.muli %while3A_92, %mul3A_151 : i32
      %mul3A_153 = arith.constant 128 : i32
      %mul3A_154 = arith.muli %mul3A_152, %mul3A_153 : i32
      %add3A_155 = arith.constant 128 : i32
      %add3A_156 = arith.addi %mul3A_154, %add3A_155 : i32
      %add3A_157 = arith.constant 16 : i32
      %add3A_158 = arith.addi %add3A_156, %add3A_157 : i32
      %get3A_159 = arith.index_cast %add3A_158 : i32 to index
      %get3A_160 = tpu.vector_load %arg8[%get3A_159] {strides = array<i32>} : memref<20736xi32, #tpu.memory_space<vmem>>, vector<16xi32>,
      %and3A_161 = arith.constant 16383 : i32
      %and3A_162 = vector.broadcast %and3A_161 : i32 to vector<16xi32>
      %and3A_163 = arith.andi %get3A_150, %and3A_162 : vector<16xi32>
      %swap3A_164 = arith.constant 0 : i32
      %swap3A_165 = arith.index_cast %swap3A_164 : i32 to index
      %swap3A_166 = arith.constant 16 : index
      %swap3A_167 = tpu.vector_load %arg9[%swap3A_165, %swap3A_166] {strides = array<i32>} : memref<4x128xi32, #tpu.memory_space<vmem>>, vector<16xi32>,
      tpu.vector_store %arg9[%swap3A_165, %swap3A_166], %and3A_163 {strides = array<i32>} : memref<4x128xi32, #tpu.memory_space<vmem>>, vector<16xi32>,
      %and3A_168 = arith.constant 16383 : i32
      %and3A_169 = vector.broadcast %and3A_168 : i32 to vector<16xi32>
      %and3A_170 = arith.andi %get3A_160, %and3A_169 : vector<16xi32>
      %swap3A_171 = arith.constant 1 : i32
      %swap3A_172 = arith.index_cast %swap3A_171 : i32 to index
      %swap3A_173 = arith.constant 16 : index
      %swap3A_174 = tpu.vector_load %arg9[%swap3A_172, %swap3A_173] {strides = array<i32>} : memref<4x128xi32, #tpu.memory_space<vmem>>, vector<16xi32>,
      tpu.vector_store %arg9[%swap3A_172, %swap3A_173], %and3A_170 {strides = array<i32>} : memref<4x128xi32, #tpu.memory_space<vmem>>, vector<16xi32>,
      %shift_right_arithmetic3A_175 = arith.constant 14 : i32
      %shift_right_arithmetic3A_176 = vector.broadcast %shift_right_arithmetic3A_175 : i32 to vector<16xi32>
      %shift_right_arithmetic3A_177 = arith.shrsi %get3A_150, %shift_right_arithmetic3A_176 : vector<16xi32>
      %and3A_178 = arith.constant 16383 : i32
      %and3A_179 = vector.broadcast %and3A_178 : i32 to vector<16xi32>
      %and3A_180 = arith.andi %shift_right_arithmetic3A_177, %and3A_179 : vector<16xi32>
      %swap3A_181 = arith.constant 2 : i32
      %swap3A_182 = arith.index_cast %swap3A_181 : i32 to index
      %swap3A_183 = arith.constant 16 : index
      %swap3A_184 = tpu.vector_load %arg9[%swap3A_182, %swap3A_183] {strides = array<i32>} : memref<4x128xi32, #tpu.memory_space<vmem>>, vector<16xi32>,
      tpu.vector_store %arg9[%swap3A_182, %swap3A_183], %and3A_180 {strides = array<i32>} : memref<4x128xi32, #tpu.memory_space<vmem>>, vector<16xi32>,
      %shift_right_arithmetic3A_185 = arith.constant 14 : i32
      %shift_right_arithmetic3A_186 = vector.broadcast %shift_right_arithmetic3A_185 : i32 to vector<16xi32>
      %shift_right_arithmetic3A_187 = arith.shrsi %get3A_160, %shift_right_arithmetic3A_186 : vector<16xi32>
      %and3A_188 = arith.constant 16383 : i32
      %and3A_189 = vector.broadcast %and3A_188 : i32 to vector<16xi32>
      %and3A_190 = arith.andi %shift_right_arithmetic3A_187, %and3A_189 : vector<16xi32>
      %swap3A_191 = arith.constant 3 : i32
      %swap3A_192 = arith.index_cast %swap3A_191 : i32 to index
      %swap3A_193 = arith.constant 16 : index
      %swap3A_194 = tpu.vector_load %arg9[%swap3A_192, %swap3A_193] {strides = array<i32>} : memref<4x128xi32, #tpu.memory_space<vmem>>, vector<16xi32>,
      tpu.vector_store %arg9[%swap3A_192, %swap3A_193], %and3A_190 {strides = array<i32>} : memref<4x128xi32, #tpu.memory_space<vmem>>, vector<16xi32>,
      %mul3A_195 = arith.constant 2 : i32
      %mul3A_196 = arith.muli %while3A_92, %mul3A_195 : i32
      %mul3A_197 = arith.constant 128 : i32
      %mul3A_198 = arith.muli %mul3A_196, %mul3A_197 : i32
      %add3A_199 = arith.constant 32 : i32
      %add3A_200 = arith.addi %mul3A_198, %add3A_199 : i32
      %get3A_201 = arith.index_cast %add3A_200 : i32 to index
      %get3A_202 = tpu.vector_load %arg8[%get3A_201] {strides = array<i32>} : memref<20736xi32, #tpu.memory_space<vmem>>, vector<16xi32>,
      %mul3A_203 = arith.constant 2 : i32
      %mul3A_204 = arith.muli %while3A_92, %mul3A_203 : i32
      %mul3A_205 = arith.constant 128 : i32
      %mul3A_206 = arith.muli %mul3A_204, %mul3A_205 : i32
      %add3A_207 = arith.constant 128 : i32
      %add3A_208 = arith.addi %mul3A_206, %add3A_207 : i32
      %add3A_209 = arith.constant 32 : i32
      %add3A_210 = arith.addi %add3A_208, %add3A_209 : i32
      %get3A_211 = arith.index_cast %add3A_210 : i32 to index
      %get3A_212 = tpu.vector_load %arg8[%get3A_211] {strides = array<i32>} : memref<20736xi32, #tpu.memory_space<vmem>>, vector<16xi32>,
      %and3A_213 = arith.constant 16383 : i32
      %and3A_214 = vector.broadcast %and3A_213 : i32 to vector<16xi32>
      %and3A_215 = arith.andi %get3A_202, %and3A_214 : vector<16xi32>
      %swap3A_216 = arith.constant 0 : i32
      %swap3A_217 = arith.index_cast %swap3A_216 : i32 to index
      %swap3A_218 = arith.constant 32 : index
      %swap3A_219 = tpu.vector_load %arg9[%swap3A_217, %swap3A_218] {strides = array<i32>} : memref<4x128xi32, #tpu.memory_space<vmem>>, vector<16xi32>,
      tpu.vector_store %arg9[%swap3A_217, %swap3A_218], %and3A_215 {strides = array<i32>} : memref<4x128xi32, #tpu.memory_space<vmem>>, vector<16xi32>,
      %and3A_220 = arith.constant 16383 : i32
      %and3A_221 = vector.broadcast %and3A_220 : i32 to vector<16xi32>
      %and3A_222 = arith.andi %get3A_212, %and3A_221 : vector<16xi32>
      %swap3A_223 = arith.constant 1 : i32
      %swap3A_224 = arith.index_cast %swap3A_223 : i32 to index
      %swap3A_225 = arith.constant 32 : index
      %swap3A_226 = tpu.vector_load %arg9[%swap3A_224, %swap3A_225] {strides = array<i32>} : memref<4x128xi32, #tpu.memory_space<vmem>>, vector<16xi32>,
      tpu.vector_store %arg9[%swap3A_224, %swap3A_225], %and3A_222 {strides = array<i32>} : memref<4x128xi32, #tpu.memory_space<vmem>>, vector<16xi32>,
      %shift_right_arithmetic3A_227 = arith.constant 14 : i32
      %shift_right_arithmetic3A_228 = vector.broadcast %shift_right_arithmetic3A_227 : i32 to vector<16xi32>
      %shift_right_arithmetic3A_229 = arith.shrsi %get3A_202, %shift_right_arithmetic3A_228 : vector<16xi32>
      %and3A_230 = arith.constant 16383 : i32
      %and3A_231 = vector.broadcast %and3A_230 : i32 to vector<16xi32>
      %and3A_232 = arith.andi %shift_right_arithmetic3A_229, %and3A_231 : vector<16xi32>
      %swap3A_233 = arith.constant 2 : i32
      %swap3A_234 = arith.index_cast %swap3A_233 : i32 to index
      %swap3A_235 = arith.constant 32 : index
      %swap3A_236 = tpu.vector_load %arg9[%swap3A_234, %swap3A_235] {strides = array<i32>} : memref<4x128xi32, #tpu.memory_space<vmem>>, vector<16xi32>,
      tpu.vector_store %arg9[%swap3A_234, %swap3A_235], %and3A_232 {strides = array<i32>} : memref<4x128xi32, #tpu.memory_space<vmem>>, vector<16xi32>,
      %shift_right_arithmetic3A_237 = arith.constant 14 : i32
      %shift_right_arithmetic3A_238 = vector.broadcast %shift_right_arithmetic3A_237 : i32 to vector<16xi32>
      %shift_right_arithmetic3A_239 = arith.shrsi %get3A_212, %shift_right_arithmetic3A_238 : vector<16xi32>
      %and3A_240 = arith.constant 16383 : i32
      %and3A_241 = vector.broadcast %and3A_240 : i32 to vector<16xi32>
      %and3A_242 = arith.andi %shift_right_arithmetic3A_239, %and3A_241 : vector<16xi32>
      %swap3A_243 = arith.constant 3 : i32
      %swap3A_244 = arith.index_cast %swap3A_243 : i32 to index
      %swap3A_245 = arith.constant 32 : index
      %swap3A_246 = tpu.vector_load %arg9[%swap3A_244, %swap3A_245] {strides = array<i32>} : memref<4x128xi32, #tpu.memory_space<vmem>>, vector<16xi32>,
      tpu.vector_store %arg9[%swap3A_244, %swap3A_245], %and3A_242 {strides = array<i32>} : memref<4x128xi32, #tpu.memory_space<vmem>>, vector<16xi32>,
      %mul3A_247 = arith.constant 2 : i32
      %mul3A_248 = arith.muli %while3A_92, %mul3A_247 : i32
      %mul3A_249 = arith.constant 128 : i32
      %mul3A_250 = arith.muli %mul3A_248, %mul3A_249 : i32
      %add3A_251 = arith.constant 48 : i32
      %add3A_252 = arith.addi %mul3A_250, %add3A_251 : i32
      %get3A_253 = arith.index_cast %add3A_252 : i32 to index
      %get3A_254 = tpu.vector_load %arg8[%get3A_253] {strides = array<i32>} : memref<20736xi32, #tpu.memory_space<vmem>>, vector<16xi32>,
      %mul3A_255 = arith.constant 2 : i32
      %mul3A_256 = arith.muli %while3A_92, %mul3A_255 : i32
      %mul3A_257 = arith.constant 128 : i32
      %mul3A_258 = arith.muli %mul3A_256, %mul3A_257 : i32
      %add3A_259 = arith.constant 128 : i32
      %add3A_260 = arith.addi %mul3A_258, %add3A_259 : i32
      %add3A_261 = arith.constant 48 : i32
      %add3A_262 = arith.addi %add3A_260, %add3A_261 : i32
      %get3A_263 = arith.index_cast %add3A_262 : i32 to index
      %get3A_264 = tpu.vector_load %arg8[%get3A_263] {strides = array<i32>} : memref<20736xi32, #tpu.memory_space<vmem>>, vector<16xi32>,
      %and3A_265 = arith.constant 16383 : i32
      %and3A_266 = vector.broadcast %and3A_265 : i32 to vector<16xi32>
      %and3A_267 = arith.andi %get3A_254, %and3A_266 : vector<16xi32>
      %swap3A_268 = arith.constant 0 : i32
      %swap3A_269 = arith.index_cast %swap3A_268 : i32 to index
      %swap3A_270 = arith.constant 48 : index
      %swap3A_271 = tpu.vector_load %arg9[%swap3A_269, %swap3A_270] {strides = array<i32>} : memref<4x128xi32, #tpu.memory_space<vmem>>, vector<16xi32>,
      tpu.vector_store %arg9[%swap3A_269, %swap3A_270], %and3A_267 {strides = array<i32>} : memref<4x128xi32, #tpu.memory_space<vmem>>, vector<16xi32>,
      %and3A_272 = arith.constant 16383 : i32
      %and3A_273 = vector.broadcast %and3A_272 : i32 to vector<16xi32>
      %and3A_274 = arith.andi %get3A_264, %and3A_273 : vector<16xi32>
      %swap3A_275 = arith.constant 1 : i32
      %swap3A_276 = arith.index_cast %swap3A_275 : i32 to index
      %swap3A_277 = arith.constant 48 : index
      %swap3A_278 = tpu.vector_load %arg9[%swap3A_276, %swap3A_277] {strides = array<i32>} : memref<4x128xi32, #tpu.memory_space<vmem>>, vector<16xi32>,
      tpu.vector_store %arg9[%swap3A_276, %swap3A_277], %and3A_274 {strides = array<i32>} : memref<4x128xi32, #tpu.memory_space<vmem>>, vector<16xi32>,
      %shift_right_arithmetic3A_279 = arith.constant 14 : i32
      %shift_right_arithmetic3A_280 = vector.broadcast %shift_right_arithmetic3A_279 : i32 to vector<16xi32>
      %shift_right_arithmetic3A_281 = arith.shrsi %get3A_254, %shift_right_arithmetic3A_280 : vector<16xi32>
      %and3A_282 = arith.constant 16383 : i32
      %and3A_283 = vector.broadcast %and3A_282 : i32 to vector<16xi32>
      %and3A_284 = arith.andi %shift_right_arithmetic3A_281, %and3A_283 : vector<16xi32>
      %swap3A_285 = arith.constant 2 : i32
      %swap3A_286 = arith.index_cast %swap3A_285 : i32 to index
      %swap3A_287 = arith.constant 48 : index
      %swap3A_288 = tpu.vector_load %arg9[%swap3A_286, %swap3A_287] {strides = array<i32>} : memref<4x128xi32, #tpu.memory_space<vmem>>, vector<16xi32>,
      tpu.vector_store %arg9[%swap3A_286, %swap3A_287], %and3A_284 {strides = array<i32>} : memref<4x128xi32, #tpu.memory_space<vmem>>, vector<16xi32>,
      %shift_right_arithmetic3A_289 = arith.constant 14 : i32
      %shift_right_arithmetic3A_290 = vector.broadcast %shift_right_arithmetic3A_289 : i32 to vector<16xi32>
      %shift_right_arithmetic3A_291 = arith.shrsi %get3A_264, %shift_right_arithmetic3A_290 : vector<16xi32>
      %and3A_292 = arith.constant 16383 : i32
      %and3A_293 = vector.broadcast %and3A_292 : i32 to vector<16xi32>
      %and3A_294 = arith.andi %shift_right_arithmetic3A_291, %and3A_293 : vector<16xi32>
      %swap3A_295 = arith.constant 3 : i32
      %swap3A_296 = arith.index_cast %swap3A_295 : i32 to index
      %swap3A_297 = arith.constant 48 : index
      %swap3A_298 = tpu.vector_load %arg9[%swap3A_296, %swap3A_297] {strides = array<i32>} : memref<4x128xi32, #tpu.memory_space<vmem>>, vector<16xi32>,
      tpu.vector_store %arg9[%swap3A_296, %swap3A_297], %and3A_294 {strides = array<i32>} : memref<4x128xi32, #tpu.memory_space<vmem>>, vector<16xi32>,
      %mul3A_299 = arith.constant 2 : i32
      %mul3A_300 = arith.muli %while3A_92, %mul3A_299 : i32
      %mul3A_301 = arith.constant 128 : i32
      %mul3A_302 = arith.muli %mul3A_300, %mul3A_301 : i32
      %add3A_303 = arith.constant 64 : i32
      %add3A_304 = arith.addi %mul3A_302, %add3A_303 : i32
      %get3A_305 = arith.index_cast %add3A_304 : i32 to index
      %get3A_306 = tpu.vector_load %arg8[%get3A_305] {strides = array<i32>} : memref<20736xi32, #tpu.memory_space<vmem>>, vector<16xi32>,
      %mul3A_307 = arith.constant 2 : i32
      %mul3A_308 = arith.muli %while3A_92, %mul3A_307 : i32
      %mul3A_309 = arith.constant 128 : i32
      %mul3A_310 = arith.muli %mul3A_308, %mul3A_309 : i32
      %add3A_311 = arith.constant 128 : i32
      %add3A_312 = arith.addi %mul3A_310, %add3A_311 : i32
      %add3A_313 = arith.constant 64 : i32
      %add3A_314 = arith.addi %add3A_312, %add3A_313 : i32
      %get3A_315 = arith.index_cast %add3A_314 : i32 to index
      %get3A_316 = tpu.vector_load %arg8[%get3A_315] {strides = array<i32>} : memref<20736xi32, #tpu.memory_space<vmem>>, vector<16xi32>,
      %and3A_317 = arith.constant 16383 : i32
      %and3A_318 = vector.broadcast %and3A_317 : i32 to vector<16xi32>
      %and3A_319 = arith.andi %get3A_306, %and3A_318 : vector<16xi32>
      %swap3A_320 = arith.constant 0 : i32
      %swap3A_321 = arith.index_cast %swap3A_320 : i32 to index
      %swap3A_322 = arith.constant 64 : index
      %swap3A_323 = tpu.vector_load %arg9[%swap3A_321, %swap3A_322] {strides = array<i32>} : memref<4x128xi32, #tpu.memory_space<vmem>>, vector<16xi32>,
      tpu.vector_store %arg9[%swap3A_321, %swap3A_322], %and3A_319 {strides = array<i32>} : memref<4x128xi32, #tpu.memory_space<vmem>>, vector<16xi32>,
      %and3A_324 = arith.constant 16383 : i32
      %and3A_325 = vector.broadcast %and3A_324 : i32 to vector<16xi32>
      %and3A_326 = arith.andi %get3A_316, %and3A_325 : vector<16xi32>
      %swap3A_327 = arith.constant 1 : i32
      %swap3A_328 = arith.index_cast %swap3A_327 : i32 to index
      %swap3A_329 = arith.constant 64 : index
      %swap3A_330 = tpu.vector_load %arg9[%swap3A_328, %swap3A_329] {strides = array<i32>} : memref<4x128xi32, #tpu.memory_space<vmem>>, vector<16xi32>,
      tpu.vector_store %arg9[%swap3A_328, %swap3A_329], %and3A_326 {strides = array<i32>} : memref<4x128xi32, #tpu.memory_space<vmem>>, vector<16xi32>,
      %shift_right_arithmetic3A_331 = arith.constant 14 : i32
      %shift_right_arithmetic3A_332 = vector.broadcast %shift_right_arithmetic3A_331 : i32 to vector<16xi32>
      %shift_right_arithmetic3A_333 = arith.shrsi %get3A_306, %shift_right_arithmetic3A_332 : vector<16xi32>
      %and3A_334 = arith.constant 16383 : i32
      %and3A_335 = vector.broadcast %and3A_334 : i32 to vector<16xi32>
      %and3A_336 = arith.andi %shift_right_arithmetic3A_333, %and3A_335 : vector<16xi32>
      %swap3A_337 = arith.constant 2 : i32
      %swap3A_338 = arith.index_cast %swap3A_337 : i32 to index
      %swap3A_339 = arith.constant 64 : index
      %swap3A_340 = tpu.vector_load %arg9[%swap3A_338, %swap3A_339] {strides = array<i32>} : memref<4x128xi32, #tpu.memory_space<vmem>>, vector<16xi32>,
      tpu.vector_store %arg9[%swap3A_338, %swap3A_339], %and3A_336 {strides = array<i32>} : memref<4x128xi32, #tpu.memory_space<vmem>>, vector<16xi32>,
      %shift_right_arithmetic3A_341 = arith.constant 14 : i32
      %shift_right_arithmetic3A_342 = vector.broadcast %shift_right_arithmetic3A_341 : i32 to vector<16xi32>
      %shift_right_arithmetic3A_343 = arith.shrsi %get3A_316, %shift_right_arithmetic3A_342 : vector<16xi32>
      %and3A_344 = arith.constant 16383 : i32
      %and3A_345 = vector.broadcast %and3A_344 : i32 to vector<16xi32>
      %and3A_346 = arith.andi %shift_right_arithmetic3A_343, %and3A_345 : vector<16xi32>
      %swap3A_347 = arith.constant 3 : i32
      %swap3A_348 = arith.index_cast %swap3A_347 : i32 to index
      %swap3A_349 = arith.constant 64 : index
      %swap3A_350 = tpu.vector_load %arg9[%swap3A_348, %swap3A_349] {strides = array<i32>} : memref<4x128xi32, #tpu.memory_space<vmem>>, vector<16xi32>,
      tpu.vector_store %arg9[%swap3A_348, %swap3A_349], %and3A_346 {strides = array<i32>} : memref<4x128xi32, #tpu.memory_space<vmem>>, vector<16xi32>,
      %mul3A_351 = arith.constant 2 : i32
      %mul3A_352 = arith.muli %while3A_92, %mul3A_351 : i32
      %mul3A_353 = arith.constant 128 : i32
      %mul3A_354 = arith.muli %mul3A_352, %mul3A_353 : i32
      %add3A_355 = arith.constant 80 : i32
      %add3A_356 = arith.addi %mul3A_354, %add3A_355 : i32
      %get3A_357 = arith.index_cast %add3A_356 : i32 to index
      %get3A_358 = tpu.vector_load %arg8[%get3A_357] {strides = array<i32>} : memref<20736xi32, #tpu.memory_space<vmem>>, vector<16xi32>,
      %mul3A_359 = arith.constant 2 : i32
      %mul3A_360 = arith.muli %while3A_92, %mul3A_359 : i32
      %mul3A_361 = arith.constant 128 : i32
      %mul3A_362 = arith.muli %mul3A_360, %mul3A_361 : i32
      %add3A_363 = arith.constant 128 : i32
      %add3A_364 = arith.addi %mul3A_362, %add3A_363 : i32
      %add3A_365 = arith.constant 80 : i32
      %add3A_366 = arith.addi %add3A_364, %add3A_365 : i32
      %get3A_367 = arith.index_cast %add3A_366 : i32 to index
      %get3A_368 = tpu.vector_load %arg8[%get3A_367] {strides = array<i32>} : memref<20736xi32, #tpu.memory_space<vmem>>, vector<16xi32>,
      %and3A_369 = arith.constant 16383 : i32
      %and3A_370 = vector.broadcast %and3A_369 : i32 to vector<16xi32>
      %and3A_371 = arith.andi %get3A_358, %and3A_370 : vector<16xi32>
      %swap3A_372 = arith.constant 0 : i32
      %swap3A_373 = arith.index_cast %swap3A_372 : i32 to index
      %swap3A_374 = arith.constant 80 : index
      %swap3A_375 = tpu.vector_load %arg9[%swap3A_373, %swap3A_374] {strides = array<i32>} : memref<4x128xi32, #tpu.memory_space<vmem>>, vector<16xi32>,
      tpu.vector_store %arg9[%swap3A_373, %swap3A_374], %and3A_371 {strides = array<i32>} : memref<4x128xi32, #tpu.memory_space<vmem>>, vector<16xi32>,
      %and3A_376 = arith.constant 16383 : i32
      %and3A_377 = vector.broadcast %and3A_376 : i32 to vector<16xi32>
      %and3A_378 = arith.andi %get3A_368, %and3A_377 : vector<16xi32>
      %swap3A_379 = arith.constant 1 : i32
      %swap3A_380 = arith.index_cast %swap3A_379 : i32 to index
      %swap3A_381 = arith.constant 80 : index
      %swap3A_382 = tpu.vector_load %arg9[%swap3A_380, %swap3A_381] {strides = array<i32>} : memref<4x128xi32, #tpu.memory_space<vmem>>, vector<16xi32>,
      tpu.vector_store %arg9[%swap3A_380, %swap3A_381], %and3A_378 {strides = array<i32>} : memref<4x128xi32, #tpu.memory_space<vmem>>, vector<16xi32>,
      %shift_right_arithmetic3A_383 = arith.constant 14 : i32
      %shift_right_arithmetic3A_384 = vector.broadcast %shift_right_arithmetic3A_383 : i32 to vector<16xi32>
      %shift_right_arithmetic3A_385 = arith.shrsi %get3A_358, %shift_right_arithmetic3A_384 : vector<16xi32>
      %and3A_386 = arith.constant 16383 : i32
      %and3A_387 = vector.broadcast %and3A_386 : i32 to vector<16xi32>
      %and3A_388 = arith.andi %shift_right_arithmetic3A_385, %and3A_387 : vector<16xi32>
      %swap3A_389 = arith.constant 2 : i32
      %swap3A_390 = arith.index_cast %swap3A_389 : i32 to index
      %swap3A_391 = arith.constant 80 : index
      %swap3A_392 = tpu.vector_load %arg9[%swap3A_390, %swap3A_391] {strides = array<i32>} : memref<4x128xi32, #tpu.memory_space<vmem>>, vector<16xi32>,
      tpu.vector_store %arg9[%swap3A_390, %swap3A_391], %and3A_388 {strides = array<i32>} : memref<4x128xi32, #tpu.memory_space<vmem>>, vector<16xi32>,
      %shift_right_arithmetic3A_393 = arith.constant 14 : i32
      %shift_right_arithmetic3A_394 = vector.broadcast %shift_right_arithmetic3A_393 : i32 to vector<16xi32>
      %shift_right_arithmetic3A_395 = arith.shrsi %get3A_368, %shift_right_arithmetic3A_394 : vector<16xi32>
      %and3A_396 = arith.constant 16383 : i32
      %and3A_397 = vector.broadcast %and3A_396 : i32 to vector<16xi32>
      %and3A_398 = arith.andi %shift_right_arithmetic3A_395, %and3A_397 : vector<16xi32>
      %swap3A_399 = arith.constant 3 : i32
      %swap3A_400 = arith.index_cast %swap3A_399 : i32 to index
      %swap3A_401 = arith.constant 80 : index
      %swap3A_402 = tpu.vector_load %arg9[%swap3A_400, %swap3A_401] {strides = array<i32>} : memref<4x128xi32, #tpu.memory_space<vmem>>, vector<16xi32>,
      tpu.vector_store %arg9[%swap3A_400, %swap3A_401], %and3A_398 {strides = array<i32>} : memref<4x128xi32, #tpu.memory_space<vmem>>, vector<16xi32>,
      %mul3A_403 = arith.constant 2 : i32
      %mul3A_404 = arith.muli %while3A_92, %mul3A_403 : i32
      %mul3A_405 = arith.constant 128 : i32
      %mul3A_406 = arith.muli %mul3A_404, %mul3A_405 : i32
      %add3A_407 = arith.constant 96 : i32
      %add3A_408 = arith.addi %mul3A_406, %add3A_407 : i32
      %get3A_409 = arith.index_cast %add3A_408 : i32 to index
      %get3A_410 = tpu.vector_load %arg8[%get3A_409] {strides = array<i32>} : memref<20736xi32, #tpu.memory_space<vmem>>, vector<16xi32>,
      %mul3A_411 = arith.constant 2 : i32
      %mul3A_412 = arith.muli %while3A_92, %mul3A_411 : i32
      %mul3A_413 = arith.constant 128 : i32
      %mul3A_414 = arith.muli %mul3A_412, %mul3A_413 : i32
      %add3A_415 = arith.constant 128 : i32
      %add3A_416 = arith.addi %mul3A_414, %add3A_415 : i32
      %add3A_417 = arith.constant 96 : i32
      %add3A_418 = arith.addi %add3A_416, %add3A_417 : i32
      %get3A_419 = arith.index_cast %add3A_418 : i32 to index
      %get3A_420 = tpu.vector_load %arg8[%get3A_419] {strides = array<i32>} : memref<20736xi32, #tpu.memory_space<vmem>>, vector<16xi32>,
      %and3A_421 = arith.constant 16383 : i32
      %and3A_422 = vector.broadcast %and3A_421 : i32 to vector<16xi32>
      %and3A_423 = arith.andi %get3A_410, %and3A_422 : vector<16xi32>
      %swap3A_424 = arith.constant 0 : i32
      %swap3A_425 = arith.index_cast %swap3A_424 : i32 to index
      %swap3A_426 = arith.constant 96 : index
      %swap3A_427 = tpu.vector_load %arg9[%swap3A_425, %swap3A_426] {strides = array<i32>} : memref<4x128xi32, #tpu.memory_space<vmem>>, vector<16xi32>,
      tpu.vector_store %arg9[%swap3A_425, %swap3A_426], %and3A_423 {strides = array<i32>} : memref<4x128xi32, #tpu.memory_space<vmem>>, vector<16xi32>,
      %and3A_428 = arith.constant 16383 : i32
      %and3A_429 = vector.broadcast %and3A_428 : i32 to vector<16xi32>
      %and3A_430 = arith.andi %get3A_420, %and3A_429 : vector<16xi32>
      %swap3A_431 = arith.constant 1 : i32
      %swap3A_432 = arith.index_cast %swap3A_431 : i32 to index
      %swap3A_433 = arith.constant 96 : index
      %swap3A_434 = tpu.vector_load %arg9[%swap3A_432, %swap3A_433] {strides = array<i32>} : memref<4x128xi32, #tpu.memory_space<vmem>>, vector<16xi32>,
      tpu.vector_store %arg9[%swap3A_432, %swap3A_433], %and3A_430 {strides = array<i32>} : memref<4x128xi32, #tpu.memory_space<vmem>>, vector<16xi32>,
      %shift_right_arithmetic3A_435 = arith.constant 14 : i32
      %shift_right_arithmetic3A_436 = vector.broadcast %shift_right_arithmetic3A_435 : i32 to vector<16xi32>
      %shift_right_arithmetic3A_437 = arith.shrsi %get3A_410, %shift_right_arithmetic3A_436 : vector<16xi32>
      %and3A_438 = arith.constant 16383 : i32
      %and3A_439 = vector.broadcast %and3A_438 : i32 to vector<16xi32>
      %and3A_440 = arith.andi %shift_right_arithmetic3A_437, %and3A_439 : vector<16xi32>
      %swap3A_441 = arith.constant 2 : i32
      %swap3A_442 = arith.index_cast %swap3A_441 : i32 to index
      %swap3A_443 = arith.constant 96 : index
      %swap3A_444 = tpu.vector_load %arg9[%swap3A_442, %swap3A_443] {strides = array<i32>} : memref<4x128xi32, #tpu.memory_space<vmem>>, vector<16xi32>,
      tpu.vector_store %arg9[%swap3A_442, %swap3A_443], %and3A_440 {strides = array<i32>} : memref<4x128xi32, #tpu.memory_space<vmem>>, vector<16xi32>,
      %shift_right_arithmetic3A_445 = arith.constant 14 : i32
      %shift_right_arithmetic3A_446 = vector.broadcast %shift_right_arithmetic3A_445 : i32 to vector<16xi32>
      %shift_right_arithmetic3A_447 = arith.shrsi %get3A_420, %shift_right_arithmetic3A_446 : vector<16xi32>
      %and3A_448 = arith.constant 16383 : i32
      %and3A_449 = vector.broadcast %and3A_448 : i32 to vector<16xi32>
      %and3A_450 = arith.andi %shift_right_arithmetic3A_447, %and3A_449 : vector<16xi32>
      %swap3A_451 = arith.constant 3 : i32
      %swap3A_452 = arith.index_cast %swap3A_451 : i32 to index
      %swap3A_453 = arith.constant 96 : index
      %swap3A_454 = tpu.vector_load %arg9[%swap3A_452, %swap3A_453] {strides = array<i32>} : memref<4x128xi32, #tpu.memory_space<vmem>>, vector<16xi32>,
      tpu.vector_store %arg9[%swap3A_452, %swap3A_453], %and3A_450 {strides = array<i32>} : memref<4x128xi32, #tpu.memory_space<vmem>>, vector<16xi32>,
      %mul3A_455 = arith.constant 2 : i32
      %mul3A_456 = arith.muli %while3A_92, %mul3A_455 : i32
      %mul3A_457 = arith.constant 128 : i32
      %mul3A_458 = arith.muli %mul3A_456, %mul3A_457 : i32
      %add3A_459 = arith.constant 112 : i32
      %add3A_460 = arith.addi %mul3A_458, %add3A_459 : i32
      %get3A_461 = arith.index_cast %add3A_460 : i32 to index
      %get3A_462 = tpu.vector_load %arg8[%get3A_461] {strides = array<i32>} : memref<20736xi32, #tpu.memory_space<vmem>>, vector<16xi32>,
      %mul3A_463 = arith.constant 2 : i32
      %mul3A_464 = arith.muli %while3A_92, %mul3A_463 : i32
      %mul3A_465 = arith.constant 128 : i32
      %mul3A_466 = arith.muli %mul3A_464, %mul3A_465 : i32
      %add3A_467 = arith.constant 128 : i32
      %add3A_468 = arith.addi %mul3A_466, %add3A_467 : i32
      %add3A_469 = arith.constant 112 : i32
      %add3A_470 = arith.addi %add3A_468, %add3A_469 : i32
      %get3A_471 = arith.index_cast %add3A_470 : i32 to index
      %get3A_472 = tpu.vector_load %arg8[%get3A_471] {strides = array<i32>} : memref<20736xi32, #tpu.memory_space<vmem>>, vector<16xi32>,
      %and3A_473 = arith.constant 16383 : i32
      %and3A_474 = vector.broadcast %and3A_473 : i32 to vector<16xi32>
      %and3A_475 = arith.andi %get3A_462, %and3A_474 : vector<16xi32>
      %swap3A_476 = arith.constant 0 : i32
      %swap3A_477 = arith.index_cast %swap3A_476 : i32 to index
      %swap3A_478 = arith.constant 112 : index
      %swap3A_479 = tpu.vector_load %arg9[%swap3A_477, %swap3A_478] {strides = array<i32>} : memref<4x128xi32, #tpu.memory_space<vmem>>, vector<16xi32>,
      tpu.vector_store %arg9[%swap3A_477, %swap3A_478], %and3A_475 {strides = array<i32>} : memref<4x128xi32, #tpu.memory_space<vmem>>, vector<16xi32>,
      %and3A_480 = arith.constant 16383 : i32
      %and3A_481 = vector.broadcast %and3A_480 : i32 to vector<16xi32>
      %and3A_482 = arith.andi %get3A_472, %and3A_481 : vector<16xi32>
      %swap3A_483 = arith.constant 1 : i32
      %swap3A_484 = arith.index_cast %swap3A_483 : i32 to index
      %swap3A_485 = arith.constant 112 : index
      %swap3A_486 = tpu.vector_load %arg9[%swap3A_484, %swap3A_485] {strides = array<i32>} : memref<4x128xi32, #tpu.memory_space<vmem>>, vector<16xi32>,
      tpu.vector_store %arg9[%swap3A_484, %swap3A_485], %and3A_482 {strides = array<i32>} : memref<4x128xi32, #tpu.memory_space<vmem>>, vector<16xi32>,
      %shift_right_arithmetic3A_487 = arith.constant 14 : i32
      %shift_right_arithmetic3A_488 = vector.broadcast %shift_right_arithmetic3A_487 : i32 to vector<16xi32>
      %shift_right_arithmetic3A_489 = arith.shrsi %get3A_462, %shift_right_arithmetic3A_488 : vector<16xi32>
      %and3A_490 = arith.constant 16383 : i32
      %and3A_491 = vector.broadcast %and3A_490 : i32 to vector<16xi32>
      %and3A_492 = arith.andi %shift_right_arithmetic3A_489, %and3A_491 : vector<16xi32>
      %swap3A_493 = arith.constant 2 : i32
      %swap3A_494 = arith.index_cast %swap3A_493 : i32 to index
      %swap3A_495 = arith.constant 112 : index
      %swap3A_496 = tpu.vector_load %arg9[%swap3A_494, %swap3A_495] {strides = array<i32>} : memref<4x128xi32, #tpu.memory_space<vmem>>, vector<16xi32>,
      tpu.vector_store %arg9[%swap3A_494, %swap3A_495], %and3A_492 {strides = array<i32>} : memref<4x128xi32, #tpu.memory_space<vmem>>, vector<16xi32>,
      %shift_right_arithmetic3A_497 = arith.constant 14 : i32
      %shift_right_arithmetic3A_498 = vector.broadcast %shift_right_arithmetic3A_497 : i32 to vector<16xi32>
      %shift_right_arithmetic3A_499 = arith.shrsi %get3A_472, %shift_right_arithmetic3A_498 : vector<16xi32>
      %and3A_500 = arith.constant 16383 : i32
      %and3A_501 = vector.broadcast %and3A_500 : i32 to vector<16xi32>
      %and3A_502 = arith.andi %shift_right_arithmetic3A_499, %and3A_501 : vector<16xi32>
      %swap3A_503 = arith.constant 3 : i32
      %swap3A_504 = arith.index_cast %swap3A_503 : i32 to index
      %swap3A_505 = arith.constant 112 : index
      %swap3A_506 = tpu.vector_load %arg9[%swap3A_504, %swap3A_505] {strides = array<i32>} : memref<4x128xi32, #tpu.memory_space<vmem>>, vector<16xi32>,
      tpu.vector_store %arg9[%swap3A_504, %swap3A_505], %and3A_502 {strides = array<i32>} : memref<4x128xi32, #tpu.memory_space<vmem>>, vector<16xi32>,
      %dma_start3A = arith.constant 2 : i32
      %dma_start3A_507 = arith.constant 0 : i32
      %dma_start3A_508 = tpu.memref_slice %arg9[%dma_start3A, %dma_start3A_507] : memref<4x128xi32, #tpu.memory_space<vmem>> -> memref<1x128xi32, #tpu.memory_space<vmem>>
      %dma_start3A_509 = tpu.memref_squeeze %dma_start3A_508 : memref<1x128xi32, #tpu.memory_space<vmem>> -> memref<128xi32, #tpu.memory_space<vmem>>
      %dma_start3A_510 = arith.constant 0 : i32
      %dma_start3A_511 = arith.constant 0 : i32
      %dma_start3A_512 = tpu.memref_slice %arg3[%dma_start3A_510, %dma_start3A_511] : memref<10000x64xf32, #tpu.memory_space<hbm>> -> memref<10000x64xf32, #tpu.memory_space<hbm>>
      tpu.enqueue_indirect_dma source(%dma_start3A_512 : memref<10000x64xf32, #tpu.memory_space<hbm>>) target(%arg10 : memref<128x64xf32, #tpu.memory_space<vmem>>) offsets(%dma_start3A_509 : memref<128xi32, #tpu.memory_space<vmem>>) semaphore(%arg15 : memref<!tpu.dma_semaphore, #tpu.memory_space<semaphore_mem>>)
      %dma_start3A_513 = arith.constant 3 : i32
      %dma_start3A_514 = arith.constant 0 : i32
      %dma_start3A_515 = tpu.memref_slice %arg9[%dma_start3A_513, %dma_start3A_514] : memref<4x128xi32, #tpu.memory_space<vmem>> -> memref<1x128xi32, #tpu.memory_space<vmem>>
      %dma_start3A_516 = tpu.memref_squeeze %dma_start3A_515 : memref<1x128xi32, #tpu.memory_space<vmem>> -> memref<128xi32, #tpu.memory_space<vmem>>
      %dma_start3A_517 = arith.constant 0 : i32
      %dma_start3A_518 = arith.constant 0 : i32
      %dma_start3A_519 = tpu.memref_slice %arg3[%dma_start3A_517, %dma_start3A_518] : memref<10000x64xf32, #tpu.memory_space<hbm>> -> memref<10000x64xf32, #tpu.memory_space<hbm>>
      tpu.enqueue_indirect_dma source(%dma_start3A_519 : memref<10000x64xf32, #tpu.memory_space<hbm>>) target(%arg11 : memref<128x64xf32, #tpu.memory_space<vmem>>) offsets(%dma_start3A_516 : memref<128xi32, #tpu.memory_space<vmem>>) semaphore(%arg16 : memref<!tpu.dma_semaphore, #tpu.memory_space<semaphore_mem>>)
      %dma_wait3A = arith.constant 2 : i32
      %dma_wait3A_520 = arith.constant 0 : i32
      %dma_wait3A_521 = tpu.memref_slice %arg9[%dma_wait3A, %dma_wait3A_520] : memref<4x128xi32, #tpu.memory_space<vmem>> -> memref<1x128xi32, #tpu.memory_space<vmem>>
      %dma_wait3A_522 = tpu.memref_squeeze %dma_wait3A_521 : memref<1x128xi32, #tpu.memory_space<vmem>> -> memref<128xi32, #tpu.memory_space<vmem>>
      %dma_wait3A_523 = arith.constant 0 : i32
      %dma_wait3A_524 = arith.constant 0 : i32
      %dma_wait3A_525 = tpu.memref_slice %arg3[%dma_wait3A_523, %dma_wait3A_524] : memref<10000x64xf32, #tpu.memory_space<hbm>> -> memref<10000x64xf32, #tpu.memory_space<hbm>>
      tpu.wait_indirect_dma semaphore(%arg15 : memref<!tpu.dma_semaphore, #tpu.memory_space<semaphore_mem>>) src(%dma_wait3A_525 : memref<10000x64xf32, #tpu.memory_space<hbm>>) dst(%arg10 : memref<128x64xf32, #tpu.memory_space<vmem>>)
      %dma_start3A_526 = arith.constant 0 : i32
      %dma_start3A_527 = arith.constant 0 : i32
      %dma_start3A_528 = tpu.memref_slice %arg9[%dma_start3A_526, %dma_start3A_527] : memref<4x128xi32, #tpu.memory_space<vmem>> -> memref<1x128xi32, #tpu.memory_space<vmem>>
      %dma_start3A_529 = tpu.memref_squeeze %dma_start3A_528 : memref<1x128xi32, #tpu.memory_space<vmem>> -> memref<128xi32, #tpu.memory_space<vmem>>
      %dma_start3A_530 = arith.constant 0 : i32
      %dma_start3A_531 = arith.constant 0 : i32
      %dma_start3A_532 = tpu.memref_slice %arg14[%dma_start3A_530, %dma_start3A_531] : memref<10016x64xf32, #tpu.memory_space<vmem_shared>> -> memref<10016x64xf32, #tpu.memory_space<vmem_shared>>
      tpu.enqueue_indirect_dma source(%arg10 : memref<128x64xf32, #tpu.memory_space<vmem>>) target(%dma_start3A_532 : memref<10016x64xf32, #tpu.memory_space<vmem_shared>>) offsets(%dma_start3A_529 : memref<128xi32, #tpu.memory_space<vmem>>) semaphore(%arg17 : memref<!tpu.dma_semaphore, #tpu.memory_space<semaphore_mem>>) {add = true}
      %dma_wait3A_533 = arith.constant 0 : i32
      %dma_wait3A_534 = arith.constant 0 : i32
      %dma_wait3A_535 = tpu.memref_slice %arg9[%dma_wait3A_533, %dma_wait3A_534] : memref<4x128xi32, #tpu.memory_space<vmem>> -> memref<1x128xi32, #tpu.memory_space<vmem>>
      %dma_wait3A_536 = tpu.memref_squeeze %dma_wait3A_535 : memref<1x128xi32, #tpu.memory_space<vmem>> -> memref<128xi32, #tpu.memory_space<vmem>>
      %dma_wait3A_537 = arith.constant 0 : i32
      %dma_wait3A_538 = arith.constant 0 : i32
      %dma_wait3A_539 = tpu.memref_slice %arg14[%dma_wait3A_537, %dma_wait3A_538] : memref<10016x64xf32, #tpu.memory_space<vmem_shared>> -> memref<10016x64xf32, #tpu.memory_space<vmem_shared>>
      tpu.wait_indirect_dma semaphore(%arg17 : memref<!tpu.dma_semaphore, #tpu.memory_space<semaphore_mem>>) src(%arg10 : memref<128x64xf32, #tpu.memory_space<vmem>>) dst(%dma_wait3A_539 : memref<10016x64xf32, #tpu.memory_space<vmem_shared>>)
      %dma_wait3A_540 = arith.constant 3 : i32
      %dma_wait3A_541 = arith.constant 0 : i32
      %dma_wait3A_542 = tpu.memref_slice %arg9[%dma_wait3A_540, %dma_wait3A_541] : memref<4x128xi32, #tpu.memory_space<vmem>> -> memref<1x128xi32, #tpu.memory_space<vmem>>
      %dma_wait3A_543 = tpu.memref_squeeze %dma_wait3A_542 : memref<1x128xi32, #tpu.memory_space<vmem>> -> memref<128xi32, #tpu.memory_space<vmem>>
      %dma_wait3A_544 = arith.constant 0 : i32
      %dma_wait3A_545 = arith.constant 0 : i32
      %dma_wait3A_546 = tpu.memref_slice %arg3[%dma_wait3A_544, %dma_wait3A_545] : memref<10000x64xf32, #tpu.memory_space<hbm>> -> memref<10000x64xf32, #tpu.memory_space<hbm>>
      tpu.wait_indirect_dma semaphore(%arg16 : memref<!tpu.dma_semaphore, #tpu.memory_space<semaphore_mem>>) src(%dma_wait3A_546 : memref<10000x64xf32, #tpu.memory_space<hbm>>) dst(%arg11 : memref<128x64xf32, #tpu.memory_space<vmem>>)
      %dma_start3A_547 = arith.constant 1 : i32
      %dma_start3A_548 = arith.constant 0 : i32
      %dma_start3A_549 = tpu.memref_slice %arg9[%dma_start3A_547, %dma_start3A_548] : memref<4x128xi32, #tpu.memory_space<vmem>> -> memref<1x128xi32, #tpu.memory_space<vmem>>
      %dma_start3A_550 = tpu.memref_squeeze %dma_start3A_549 : memref<1x128xi32, #tpu.memory_space<vmem>> -> memref<128xi32, #tpu.memory_space<vmem>>
      %dma_start3A_551 = arith.constant 0 : i32
      %dma_start3A_552 = arith.constant 0 : i32
      %dma_start3A_553 = tpu.memref_slice %arg14[%dma_start3A_551, %dma_start3A_552] : memref<10016x64xf32, #tpu.memory_space<vmem_shared>> -> memref<10016x64xf32, #tpu.memory_space<vmem_shared>>
      tpu.enqueue_indirect_dma source(%arg11 : memref<128x64xf32, #tpu.memory_space<vmem>>) target(%dma_start3A_553 : memref<10016x64xf32, #tpu.memory_space<vmem_shared>>) offsets(%dma_start3A_550 : memref<128xi32, #tpu.memory_space<vmem>>) semaphore(%arg17 : memref<!tpu.dma_semaphore, #tpu.memory_space<semaphore_mem>>) {add = true}
      %dma_wait3A_554 = arith.constant 1 : i32
      %dma_wait3A_555 = arith.constant 0 : i32
      %dma_wait3A_556 = tpu.memref_slice %arg9[%dma_wait3A_554, %dma_wait3A_555] : memref<4x128xi32, #tpu.memory_space<vmem>> -> memref<1x128xi32, #tpu.memory_space<vmem>>
      %dma_wait3A_557 = tpu.memref_squeeze %dma_wait3A_556 : memref<1x128xi32, #tpu.memory_space<vmem>> -> memref<128xi32, #tpu.memory_space<vmem>>
      %dma_wait3A_558 = arith.constant 0 : i32
      %dma_wait3A_559 = arith.constant 0 : i32
      %dma_wait3A_560 = tpu.memref_slice %arg14[%dma_wait3A_558, %dma_wait3A_559] : memref<10016x64xf32, #tpu.memory_space<vmem_shared>> -> memref<10016x64xf32, #tpu.memory_space<vmem_shared>>
      tpu.wait_indirect_dma semaphore(%arg17 : memref<!tpu.dma_semaphore, #tpu.memory_space<semaphore_mem>>) src(%arg11 : memref<128x64xf32, #tpu.memory_space<vmem>>) dst(%dma_wait3A_560 : memref<10016x64xf32, #tpu.memory_space<vmem_shared>>)
      %while3A_561 = arith.constant 0 : i32
      scf.yield %while3A_561 : i32
    }
    %while3A_83 = arith.constant 1 : i32
    %while3A_84 = scf.for %while3A_92 = %while3A_80 to %while3A_76 step %while3A_83 iter_args(%while3A_93 = %while3A_82) -> (i32)  : i32 {
      %mul3A_94 = arith.constant 2 : i32
      %mul3A_95 = arith.muli %while3A_92, %mul3A_94 : i32
      %mul3A_96 = arith.constant 128 : i32
      %mul3A_97 = arith.muli %mul3A_95, %mul3A_96 : i32
      %add3A_98 = arith.constant 0 : i32
      %add3A_99 = arith.addi %mul3A_97, %add3A_98 : i32
      %get3A = arith.index_cast %add3A_99 : i32 to index
      %get3A_100 = tpu.vector_load %arg8[%get3A] {strides = array<i32>} : memref<20736xi32, #tpu.memory_space<vmem>>, vector<16xi32>,
      %mul3A_101 = arith.constant 2 : i32
      %mul3A_102 = arith.muli %while3A_92, %mul3A_101 : i32
      %mul3A_103 = arith.constant 128 : i32
      %mul3A_104 = arith.muli %mul3A_102, %mul3A_103 : i32
      %add3A_105 = arith.constant 128 : i32
      %add3A_106 = arith.addi %mul3A_104, %add3A_105 : i32
      %add3A_107 = arith.constant 0 : i32
      %add3A_108 = arith.addi %add3A_106, %add3A_107 : i32
      %get3A_109 = arith.index_cast %add3A_108 : i32 to index
      %get3A_110 = tpu.vector_load %arg8[%get3A_109] {strides = array<i32>} : memref<20736xi32, #tpu.memory_space<vmem>>, vector<16xi32>,
      %and3A_111 = arith.constant 16383 : i32
      %and3A_112 = vector.broadcast %and3A_111 : i32 to vector<16xi32>
      %and3A_113 = arith.andi %get3A_100, %and3A_112 : vector<16xi32>
      %swap3A = arith.constant 0 : i32
      %swap3A_114 = arith.index_cast %swap3A : i32 to index
      %swap3A_115 = arith.constant 0 : index
      %swap3A_116 = tpu.vector_load %arg9[%swap3A_114, %swap3A_115] {strides = array<i32>} : memref<4x128xi32, #tpu.memory_space<vmem>>, vector<16xi32>,
      tpu.vector_store %arg9[%swap3A_114, %swap3A_115], %and3A_113 {strides = array<i32>} : memref<4x128xi32, #tpu.memory_space<vmem>>, vector<16xi32>,
      %and3A_117 = arith.constant 16383 : i32
      %and3A_118 = vector.broadcast %and3A_117 : i32 to vector<16xi32>
      %and3A_119 = arith.andi %get3A_110, %and3A_118 : vector<16xi32>
      %swap3A_120 = arith.constant 1 : i32
      %swap3A_121 = arith.index_cast %swap3A_120 : i32 to index
      %swap3A_122 = arith.constant 0 : index
      %swap3A_123 = tpu.vector_load %arg9[%swap3A_121, %swap3A_122] {strides = array<i32>} : memref<4x128xi32, #tpu.memory_space<vmem>>, vector<16xi32>,
      tpu.vector_store %arg9[%swap3A_121, %swap3A_122], %and3A_119 {strides = array<i32>} : memref<4x128xi32, #tpu.memory_space<vmem>>, vector<16xi32>,
      %shift_right_arithmetic3A = arith.constant 14 : i32
      %shift_right_arithmetic3A_124 = vector.broadcast %shift_right_arithmetic3A : i32 to vector<16xi32>
      %shift_right_arithmetic3A_125 = arith.shrsi %get3A_100, %shift_right_arithmetic3A_124 : vector<16xi32>
      %and3A_126 = arith.constant 16383 : i32
      %and3A_127 = vector.broadcast %and3A_126 : i32 to vector<16xi32>
      %and3A_128 = arith.andi %shift_right_arithmetic3A_125, %and3A_127 : vector<16xi32>
      %swap3A_129 = arith.constant 2 : i32
      %swap3A_130 = arith.index_cast %swap3A_129 : i32 to index
      %swap3A_131 = arith.constant 0 : index
      %swap3A_132 = tpu.vector_load %arg9[%swap3A_130, %swap3A_131] {strides = array<i32>} : memref<4x128xi32, #tpu.memory_space<vmem>>, vector<16xi32>,
      tpu.vector_store %arg9[%swap3A_130, %swap3A_131], %and3A_128 {strides = array<i32>} : memref<4x128xi32, #tpu.memory_space<vmem>>, vector<16xi32>,
      %shift_right_arithmetic3A_133 = arith.constant 14 : i32
      %shift_right_arithmetic3A_134 = vector.broadcast %shift_right_arithmetic3A_133 : i32 to vector<16xi32>
      %shift_right_arithmetic3A_135 = arith.shrsi %get3A_110, %shift_right_arithmetic3A_134 : vector<16xi32>
      %and3A_136 = arith.constant 16383 : i32
      %and3A_137 = vector.broadcast %and3A_136 : i32 to vector<16xi32>
      %and3A_138 = arith.andi %shift_right_arithmetic3A_135, %and3A_137 : vector<16xi32>
      %swap3A_139 = arith.constant 3 : i32
      %swap3A_140 = arith.index_cast %swap3A_139 : i32 to index
      %swap3A_141 = arith.constant 0 : index
      %swap3A_142 = tpu.vector_load %arg9[%swap3A_140, %swap3A_141] {strides = array<i32>} : memref<4x128xi32, #tpu.memory_space<vmem>>, vector<16xi32>,
      tpu.vector_store %arg9[%swap3A_140, %swap3A_141], %and3A_138 {strides = array<i32>} : memref<4x128xi32, #tpu.memory_space<vmem>>, vector<16xi32>,
      %mul3A_143 = arith.constant 2 : i32
      %mul3A_144 = arith.muli %while3A_92, %mul3A_143 : i32
      %mul3A_145 = arith.constant 128 : i32
      %mul3A_146 = arith.muli %mul3A_144, %mul3A_145 : i32
      %add3A_147 = arith.constant 16 : i32
      %add3A_148 = arith.addi %mul3A_146, %add3A_147 : i32
      %get3A_149 = arith.index_cast %add3A_148 : i32 to index
      %get3A_150 = tpu.vector_load %arg8[%get3A_149] {strides = array<i32>} : memref<20736xi32, #tpu.memory_space<vmem>>, vector<16xi32>,
      %mul3A_151 = arith.constant 2 : i32
      %mul3A_152 = arith.muli %while3A_92, %mul3A_151 : i32
      %mul3A_153 = arith.constant 128 : i32
      %mul3A_154 = arith.muli %mul3A_152, %mul3A_153 : i32
      %add3A_155 = arith.constant 128 : i32
      %add3A_156 = arith.addi %mul3A_154, %add3A_155 : i32
      %add3A_157 = arith.constant 16 : i32
      %add3A_158 = arith.addi %add3A_156, %add3A_157 : i32
      %get3A_159 = arith.index_cast %add3A_158 : i32 to index
      %get3A_160 = tpu.vector_load %arg8[%get3A_159] {strides = array<i32>} : memref<20736xi32, #tpu.memory_space<vmem>>, vector<16xi32>,
      %and3A_161 = arith.constant 16383 : i32
      %and3A_162 = vector.broadcast %and3A_161 : i32 to vector<16xi32>
      %and3A_163 = arith.andi %get3A_150, %and3A_162 : vector<16xi32>
      %swap3A_164 = arith.constant 0 : i32
      %swap3A_165 = arith.index_cast %swap3A_164 : i32 to index
      %swap3A_166 = arith.constant 16 : index
      %swap3A_167 = tpu.vector_load %arg9[%swap3A_165, %swap3A_166] {strides = array<i32>} : memref<4x128xi32, #tpu.memory_space<vmem>>, vector<16xi32>,
      tpu.vector_store %arg9[%swap3A_165, %swap3A_166], %and3A_163 {strides = array<i32>} : memref<4x128xi32, #tpu.memory_space<vmem>>, vector<16xi32>,
      %and3A_168 = arith.constant 16383 : i32
      %and3A_169 = vector.broadcast %and3A_168 : i32 to vector<16xi32>
      %and3A_170 = arith.andi %get3A_160, %and3A_169 : vector<16xi32>
      %swap3A_171 = arith.constant 1 : i32
      %swap3A_172 = arith.index_cast %swap3A_171 : i32 to index
      %swap3A_173 = arith.constant 16 : index
      %swap3A_174 = tpu.vector_load %arg9[%swap3A_172, %swap3A_173] {strides = array<i32>} : memref<4x128xi32, #tpu.memory_space<vmem>>, vector<16xi32>,
      tpu.vector_store %arg9[%swap3A_172, %swap3A_173], %and3A_170 {strides = array<i32>} : memref<4x128xi32, #tpu.memory_space<vmem>>, vector<16xi32>,
      %shift_right_arithmetic3A_175 = arith.constant 14 : i32
      %shift_right_arithmetic3A_176 = vector.broadcast %shift_right_arithmetic3A_175 : i32 to vector<16xi32>
      %shift_right_arithmetic3A_177 = arith.shrsi %get3A_150, %shift_right_arithmetic3A_176 : vector<16xi32>
      %and3A_178 = arith.constant 16383 : i32
      %and3A_179 = vector.broadcast %and3A_178 : i32 to vector<16xi32>
      %and3A_180 = arith.andi %shift_right_arithmetic3A_177, %and3A_179 : vector<16xi32>
      %swap3A_181 = arith.constant 2 : i32
      %swap3A_182 = arith.index_cast %swap3A_181 : i32 to index
      %swap3A_183 = arith.constant 16 : index
      %swap3A_184 = tpu.vector_load %arg9[%swap3A_182, %swap3A_183] {strides = array<i32>} : memref<4x128xi32, #tpu.memory_space<vmem>>, vector<16xi32>,
      tpu.vector_store %arg9[%swap3A_182, %swap3A_183], %and3A_180 {strides = array<i32>} : memref<4x128xi32, #tpu.memory_space<vmem>>, vector<16xi32>,
      %shift_right_arithmetic3A_185 = arith.constant 14 : i32
      %shift_right_arithmetic3A_186 = vector.broadcast %shift_right_arithmetic3A_185 : i32 to vector<16xi32>
      %shift_right_arithmetic3A_187 = arith.shrsi %get3A_160, %shift_right_arithmetic3A_186 : vector<16xi32>
      %and3A_188 = arith.constant 16383 : i32
      %and3A_189 = vector.broadcast %and3A_188 : i32 to vector<16xi32>
      %and3A_190 = arith.andi %shift_right_arithmetic3A_187, %and3A_189 : vector<16xi32>
      %swap3A_191 = arith.constant 3 : i32
      %swap3A_192 = arith.index_cast %swap3A_191 : i32 to index
      %swap3A_193 = arith.constant 16 : index
      %swap3A_194 = tpu.vector_load %arg9[%swap3A_192, %swap3A_193] {strides = array<i32>} : memref<4x128xi32, #tpu.memory_space<vmem>>, vector<16xi32>,
      tpu.vector_store %arg9[%swap3A_192, %swap3A_193], %and3A_190 {strides = array<i32>} : memref<4x128xi32, #tpu.memory_space<vmem>>, vector<16xi32>,
      %mul3A_195 = arith.constant 2 : i32
      %mul3A_196 = arith.muli %while3A_92, %mul3A_195 : i32
      %mul3A_197 = arith.constant 128 : i32
      %mul3A_198 = arith.muli %mul3A_196, %mul3A_197 : i32
      %add3A_199 = arith.constant 32 : i32
      %add3A_200 = arith.addi %mul3A_198, %add3A_199 : i32
      %get3A_201 = arith.index_cast %add3A_200 : i32 to index
      %get3A_202 = tpu.vector_load %arg8[%get3A_201] {strides = array<i32>} : memref<20736xi32, #tpu.memory_space<vmem>>, vector<16xi32>,
      %mul3A_203 = arith.constant 2 : i32
      %mul3A_204 = arith.muli %while3A_92, %mul3A_203 : i32
      %mul3A_205 = arith.constant 128 : i32
      %mul3A_206 = arith.muli %mul3A_204, %mul3A_205 : i32
      %add3A_207 = arith.constant 128 : i32
      %add3A_208 = arith.addi %mul3A_206, %add3A_207 : i32
      %add3A_209 = arith.constant 32 : i32
      %add3A_210 = arith.addi %add3A_208, %add3A_209 : i32
      %get3A_211 = arith.index_cast %add3A_210 : i32 to index
      %get3A_212 = tpu.vector_load %arg8[%get3A_211] {strides = array<i32>} : memref<20736xi32, #tpu.memory_space<vmem>>, vector<16xi32>,
      %and3A_213 = arith.constant 16383 : i32
      %and3A_214 = vector.broadcast %and3A_213 : i32 to vector<16xi32>
      %and3A_215 = arith.andi %get3A_202, %and3A_214 : vector<16xi32>
      %swap3A_216 = arith.constant 0 : i32
      %swap3A_217 = arith.index_cast %swap3A_216 : i32 to index
      %swap3A_218 = arith.constant 32 : index
      %swap3A_219 = tpu.vector_load %arg9[%swap3A_217, %swap3A_218] {strides = array<i32>} : memref<4x128xi32, #tpu.memory_space<vmem>>, vector<16xi32>,
      tpu.vector_store %arg9[%swap3A_217, %swap3A_218], %and3A_215 {strides = array<i32>} : memref<4x128xi32, #tpu.memory_space<vmem>>, vector<16xi32>,
      %and3A_220 = arith.constant 16383 : i32
      %and3A_221 = vector.broadcast %and3A_220 : i32 to vector<16xi32>
      %and3A_222 = arith.andi %get3A_212, %and3A_221 : vector<16xi32>
      %swap3A_223 = arith.constant 1 : i32
      %swap3A_224 = arith.index_cast %swap3A_223 : i32 to index
      %swap3A_225 = arith.constant 32 : index
      %swap3A_226 = tpu.vector_load %arg9[%swap3A_224, %swap3A_225] {strides = array<i32>} : memref<4x128xi32, #tpu.memory_space<vmem>>, vector<16xi32>,
      tpu.vector_store %arg9[%swap3A_224, %swap3A_225], %and3A_222 {strides = array<i32>} : memref<4x128xi32, #tpu.memory_space<vmem>>, vector<16xi32>,
      %shift_right_arithmetic3A_227 = arith.constant 14 : i32
      %shift_right_arithmetic3A_228 = vector.broadcast %shift_right_arithmetic3A_227 : i32 to vector<16xi32>
      %shift_right_arithmetic3A_229 = arith.shrsi %get3A_202, %shift_right_arithmetic3A_228 : vector<16xi32>
      %and3A_230 = arith.constant 16383 : i32
      %and3A_231 = vector.broadcast %and3A_230 : i32 to vector<16xi32>
      %and3A_232 = arith.andi %shift_right_arithmetic3A_229, %and3A_231 : vector<16xi32>
      %swap3A_233 = arith.constant 2 : i32
      %swap3A_234 = arith.index_cast %swap3A_233 : i32 to index
      %swap3A_235 = arith.constant 32 : index
      %swap3A_236 = tpu.vector_load %arg9[%swap3A_234, %swap3A_235] {strides = array<i32>} : memref<4x128xi32, #tpu.memory_space<vmem>>, vector<16xi32>,
      tpu.vector_store %arg9[%swap3A_234, %swap3A_235], %and3A_232 {strides = array<i32>} : memref<4x128xi32, #tpu.memory_space<vmem>>, vector<16xi32>,
      %shift_right_arithmetic3A_237 = arith.constant 14 : i32
      %shift_right_arithmetic3A_238 = vector.broadcast %shift_right_arithmetic3A_237 : i32 to vector<16xi32>
      %shift_right_arithmetic3A_239 = arith.shrsi %get3A_212, %shift_right_arithmetic3A_238 : vector<16xi32>
      %and3A_240 = arith.constant 16383 : i32
      %and3A_241 = vector.broadcast %and3A_240 : i32 to vector<16xi32>
      %and3A_242 = arith.andi %shift_right_arithmetic3A_239, %and3A_241 : vector<16xi32>
      %swap3A_243 = arith.constant 3 : i32
      %swap3A_244 = arith.index_cast %swap3A_243 : i32 to index
      %swap3A_245 = arith.constant 32 : index
      %swap3A_246 = tpu.vector_load %arg9[%swap3A_244, %swap3A_245] {strides = array<i32>} : memref<4x128xi32, #tpu.memory_space<vmem>>, vector<16xi32>,
      tpu.vector_store %arg9[%swap3A_244, %swap3A_245], %and3A_242 {strides = array<i32>} : memref<4x128xi32, #tpu.memory_space<vmem>>, vector<16xi32>,
      %mul3A_247 = arith.constant 2 : i32
      %mul3A_248 = arith.muli %while3A_92, %mul3A_247 : i32
      %mul3A_249 = arith.constant 128 : i32
      %mul3A_250 = arith.muli %mul3A_248, %mul3A_249 : i32
      %add3A_251 = arith.constant 48 : i32
      %add3A_252 = arith.addi %mul3A_250, %add3A_251 : i32
      %get3A_253 = arith.index_cast %add3A_252 : i32 to index
      %get3A_254 = tpu.vector_load %arg8[%get3A_253] {strides = array<i32>} : memref<20736xi32, #tpu.memory_space<vmem>>, vector<16xi32>,
      %mul3A_255 = arith.constant 2 : i32
      %mul3A_256 = arith.muli %while3A_92, %mul3A_255 : i32
      %mul3A_257 = arith.constant 128 : i32
      %mul3A_258 = arith.muli %mul3A_256, %mul3A_257 : i32
      %add3A_259 = arith.constant 128 : i32
      %add3A_260 = arith.addi %mul3A_258, %add3A_259 : i32
      %add3A_261 = arith.constant 48 : i32
      %add3A_262 = arith.addi %add3A_260, %add3A_261 : i32
      %get3A_263 = arith.index_cast %add3A_262 : i32 to index
      %get3A_264 = tpu.vector_load %arg8[%get3A_263] {strides = array<i32>} : memref<20736xi32, #tpu.memory_space<vmem>>, vector<16xi32>,
      %and3A_265 = arith.constant 16383 : i32
      %and3A_266 = vector.broadcast %and3A_265 : i32 to vector<16xi32>
      %and3A_267 = arith.andi %get3A_254, %and3A_266 : vector<16xi32>
      %swap3A_268 = arith.constant 0 : i32
      %swap3A_269 = arith.index_cast %swap3A_268 : i32 to index
      %swap3A_270 = arith.constant 48 : index
      %swap3A_271 = tpu.vector_load %arg9[%swap3A_269, %swap3A_270] {strides = array<i32>} : memref<4x128xi32, #tpu.memory_space<vmem>>, vector<16xi32>,
      tpu.vector_store %arg9[%swap3A_269, %swap3A_270], %and3A_267 {strides = array<i32>} : memref<4x128xi32, #tpu.memory_space<vmem>>, vector<16xi32>,
      %and3A_272 = arith.constant 16383 : i32
      %and3A_273 = vector.broadcast %and3A_272 : i32 to vector<16xi32>
      %and3A_274 = arith.andi %get3A_264, %and3A_273 : vector<16xi32>
      %swap3A_275 = arith.constant 1 : i32
      %swap3A_276 = arith.index_cast %swap3A_275 : i32 to index
      %swap3A_277 = arith.constant 48 : index
      %swap3A_278 = tpu.vector_load %arg9[%swap3A_276, %swap3A_277] {strides = array<i32>} : memref<4x128xi32, #tpu.memory_space<vmem>>, vector<16xi32>,
      tpu.vector_store %arg9[%swap3A_276, %swap3A_277], %and3A_274 {strides = array<i32>} : memref<4x128xi32, #tpu.memory_space<vmem>>, vector<16xi32>,
      %shift_right_arithmetic3A_279 = arith.constant 14 : i32
      %shift_right_arithmetic3A_280 = vector.broadcast %shift_right_arithmetic3A_279 : i32 to vector<16xi32>
      %shift_right_arithmetic3A_281 = arith.shrsi %get3A_254, %shift_right_arithmetic3A_280 : vector<16xi32>
      %and3A_282 = arith.constant 16383 : i32
      %and3A_283 = vector.broadcast %and3A_282 : i32 to vector<16xi32>
      %and3A_284 = arith.andi %shift_right_arithmetic3A_281, %and3A_283 : vector<16xi32>
      %swap3A_285 = arith.constant 2 : i32
      %swap3A_286 = arith.index_cast %swap3A_285 : i32 to index
      %swap3A_287 = arith.constant 48 : index
      %swap3A_288 = tpu.vector_load %arg9[%swap3A_286, %swap3A_287] {strides = array<i32>} : memref<4x128xi32, #tpu.memory_space<vmem>>, vector<16xi32>,
      tpu.vector_store %arg9[%swap3A_286, %swap3A_287], %and3A_284 {strides = array<i32>} : memref<4x128xi32, #tpu.memory_space<vmem>>, vector<16xi32>,
      %shift_right_arithmetic3A_289 = arith.constant 14 : i32
      %shift_right_arithmetic3A_290 = vector.broadcast %shift_right_arithmetic3A_289 : i32 to vector<16xi32>
      %shift_right_arithmetic3A_291 = arith.shrsi %get3A_264, %shift_right_arithmetic3A_290 : vector<16xi32>
      %and3A_292 = arith.constant 16383 : i32
      %and3A_293 = vector.broadcast %and3A_292 : i32 to vector<16xi32>
      %and3A_294 = arith.andi %shift_right_arithmetic3A_291, %and3A_293 : vector<16xi32>
      %swap3A_295 = arith.constant 3 : i32
      %swap3A_296 = arith.index_cast %swap3A_295 : i32 to index
      %swap3A_297 = arith.constant 48 : index
      %swap3A_298 = tpu.vector_load %arg9[%swap3A_296, %swap3A_297] {strides = array<i32>} : memref<4x128xi32, #tpu.memory_space<vmem>>, vector<16xi32>,
      tpu.vector_store %arg9[%swap3A_296, %swap3A_297], %and3A_294 {strides = array<i32>} : memref<4x128xi32, #tpu.memory_space<vmem>>, vector<16xi32>,
      %mul3A_299 = arith.constant 2 : i32
      %mul3A_300 = arith.muli %while3A_92, %mul3A_299 : i32
      %mul3A_301 = arith.constant 128 : i32
      %mul3A_302 = arith.muli %mul3A_300, %mul3A_301 : i32
      %add3A_303 = arith.constant 64 : i32
      %add3A_304 = arith.addi %mul3A_302, %add3A_303 : i32
      %get3A_305 = arith.index_cast %add3A_304 : i32 to index
      %get3A_306 = tpu.vector_load %arg8[%get3A_305] {strides = array<i32>} : memref<20736xi32, #tpu.memory_space<vmem>>, vector<16xi32>,
      %mul3A_307 = arith.constant 2 : i32
      %mul3A_308 = arith.muli %while3A_92, %mul3A_307 : i32
      %mul3A_309 = arith.constant 128 : i32
      %mul3A_310 = arith.muli %mul3A_308, %mul3A_309 : i32
      %add3A_311 = arith.constant 128 : i32
      %add3A_312 = arith.addi %mul3A_310, %add3A_311 : i32
      %add3A_313 = arith.constant 64 : i32
      %add3A_314 = arith.addi %add3A_312, %add3A_313 : i32
      %get3A_315 = arith.index_cast %add3A_314 : i32 to index
      %get3A_316 = tpu.vector_load %arg8[%get3A_315] {strides = array<i32>} : memref<20736xi32, #tpu.memory_space<vmem>>, vector<16xi32>,
      %and3A_317 = arith.constant 16383 : i32
      %and3A_318 = vector.broadcast %and3A_317 : i32 to vector<16xi32>
      %and3A_319 = arith.andi %get3A_306, %and3A_318 : vector<16xi32>
      %swap3A_320 = arith.constant 0 : i32
      %swap3A_321 = arith.index_cast %swap3A_320 : i32 to index
      %swap3A_322 = arith.constant 64 : index
      %swap3A_323 = tpu.vector_load %arg9[%swap3A_321, %swap3A_322] {strides = array<i32>} : memref<4x128xi32, #tpu.memory_space<vmem>>, vector<16xi32>,
      tpu.vector_store %arg9[%swap3A_321, %swap3A_322], %and3A_319 {strides = array<i32>} : memref<4x128xi32, #tpu.memory_space<vmem>>, vector<16xi32>,
      %and3A_324 = arith.constant 16383 : i32
      %and3A_325 = vector.broadcast %and3A_324 : i32 to vector<16xi32>
      %and3A_326 = arith.andi %get3A_316, %and3A_325 : vector<16xi32>
      %swap3A_327 = arith.constant 1 : i32
      %swap3A_328 = arith.index_cast %swap3A_327 : i32 to index
      %swap3A_329 = arith.constant 64 : index
      %swap3A_330 = tpu.vector_load %arg9[%swap3A_328, %swap3A_329] {strides = array<i32>} : memref<4x128xi32, #tpu.memory_space<vmem>>, vector<16xi32>,
      tpu.vector_store %arg9[%swap3A_328, %swap3A_329], %and3A_326 {strides = array<i32>} : memref<4x128xi32, #tpu.memory_space<vmem>>, vector<16xi32>,
      %shift_right_arithmetic3A_331 = arith.constant 14 : i32
      %shift_right_arithmetic3A_332 = vector.broadcast %shift_right_arithmetic3A_331 : i32 to vector<16xi32>
      %shift_right_arithmetic3A_333 = arith.shrsi %get3A_306, %shift_right_arithmetic3A_332 : vector<16xi32>
      %and3A_334 = arith.constant 16383 : i32
      %and3A_335 = vector.broadcast %and3A_334 : i32 to vector<16xi32>
      %and3A_336 = arith.andi %shift_right_arithmetic3A_333, %and3A_335 : vector<16xi32>
      %swap3A_337 = arith.constant 2 : i32
      %swap3A_338 = arith.index_cast %swap3A_337 : i32 to index
      %swap3A_339 = arith.constant 64 : index
      %swap3A_340 = tpu.vector_load %arg9[%swap3A_338, %swap3A_339] {strides = array<i32>} : memref<4x128xi32, #tpu.memory_space<vmem>>, vector<16xi32>,
      tpu.vector_store %arg9[%swap3A_338, %swap3A_339], %and3A_336 {strides = array<i32>} : memref<4x128xi32, #tpu.memory_space<vmem>>, vector<16xi32>,
      %shift_right_arithmetic3A_341 = arith.constant 14 : i32
      %shift_right_arithmetic3A_342 = vector.broadcast %shift_right_arithmetic3A_341 : i32 to vector<16xi32>
      %shift_right_arithmetic3A_343 = arith.shrsi %get3A_316, %shift_right_arithmetic3A_342 : vector<16xi32>
      %and3A_344 = arith.constant 16383 : i32
      %and3A_345 = vector.broadcast %and3A_344 : i32 to vector<16xi32>
      %and3A_346 = arith.andi %shift_right_arithmetic3A_343, %and3A_345 : vector<16xi32>
      %swap3A_347 = arith.constant 3 : i32
      %swap3A_348 = arith.index_cast %swap3A_347 : i32 to index
      %swap3A_349 = arith.constant 64 : index
      %swap3A_350 = tpu.vector_load %arg9[%swap3A_348, %swap3A_349] {strides = array<i32>} : memref<4x128xi32, #tpu.memory_space<vmem>>, vector<16xi32>,
      tpu.vector_store %arg9[%swap3A_348, %swap3A_349], %and3A_346 {strides = array<i32>} : memref<4x128xi32, #tpu.memory_space<vmem>>, vector<16xi32>,
      %mul3A_351 = arith.constant 2 : i32
      %mul3A_352 = arith.muli %while3A_92, %mul3A_351 : i32
      %mul3A_353 = arith.constant 128 : i32
      %mul3A_354 = arith.muli %mul3A_352, %mul3A_353 : i32
      %add3A_355 = arith.constant 80 : i32
      %add3A_356 = arith.addi %mul3A_354, %add3A_355 : i32
      %get3A_357 = arith.index_cast %add3A_356 : i32 to index
      %get3A_358 = tpu.vector_load %arg8[%get3A_357] {strides = array<i32>} : memref<20736xi32, #tpu.memory_space<vmem>>, vector<16xi32>,
      %mul3A_359 = arith.constant 2 : i32
      %mul3A_360 = arith.muli %while3A_92, %mul3A_359 : i32
      %mul3A_361 = arith.constant 128 : i32
      %mul3A_362 = arith.muli %mul3A_360, %mul3A_361 : i32
      %add3A_363 = arith.constant 128 : i32
      %add3A_364 = arith.addi %mul3A_362, %add3A_363 : i32
      %add3A_365 = arith.constant 80 : i32
      %add3A_366 = arith.addi %add3A_364, %add3A_365 : i32
      %get3A_367 = arith.index_cast %add3A_366 : i32 to index
      %get3A_368 = tpu.vector_load %arg8[%get3A_367] {strides = array<i32>} : memref<20736xi32, #tpu.memory_space<vmem>>, vector<16xi32>,
      %and3A_369 = arith.constant 16383 : i32
      %and3A_370 = vector.broadcast %and3A_369 : i32 to vector<16xi32>
      %and3A_371 = arith.andi %get3A_358, %and3A_370 : vector<16xi32>
      %swap3A_372 = arith.constant 0 : i32
      %swap3A_373 = arith.index_cast %swap3A_372 : i32 to index
      %swap3A_374 = arith.constant 80 : index
      %swap3A_375 = tpu.vector_load %arg9[%swap3A_373, %swap3A_374] {strides = array<i32>} : memref<4x128xi32, #tpu.memory_space<vmem>>, vector<16xi32>,
      tpu.vector_store %arg9[%swap3A_373, %swap3A_374], %and3A_371 {strides = array<i32>} : memref<4x128xi32, #tpu.memory_space<vmem>>, vector<16xi32>,
      %and3A_376 = arith.constant 16383 : i32
      %and3A_377 = vector.broadcast %and3A_376 : i32 to vector<16xi32>
      %and3A_378 = arith.andi %get3A_368, %and3A_377 : vector<16xi32>
      %swap3A_379 = arith.constant 1 : i32
      %swap3A_380 = arith.index_cast %swap3A_379 : i32 to index
      %swap3A_381 = arith.constant 80 : index
      %swap3A_382 = tpu.vector_load %arg9[%swap3A_380, %swap3A_381] {strides = array<i32>} : memref<4x128xi32, #tpu.memory_space<vmem>>, vector<16xi32>,
      tpu.vector_store %arg9[%swap3A_380, %swap3A_381], %and3A_378 {strides = array<i32>} : memref<4x128xi32, #tpu.memory_space<vmem>>, vector<16xi32>,
      %shift_right_arithmetic3A_383 = arith.constant 14 : i32
      %shift_right_arithmetic3A_384 = vector.broadcast %shift_right_arithmetic3A_383 : i32 to vector<16xi32>
      %shift_right_arithmetic3A_385 = arith.shrsi %get3A_358, %shift_right_arithmetic3A_384 : vector<16xi32>
      %and3A_386 = arith.constant 16383 : i32
      %and3A_387 = vector.broadcast %and3A_386 : i32 to vector<16xi32>
      %and3A_388 = arith.andi %shift_right_arithmetic3A_385, %and3A_387 : vector<16xi32>
      %swap3A_389 = arith.constant 2 : i32
      %swap3A_390 = arith.index_cast %swap3A_389 : i32 to index
      %swap3A_391 = arith.constant 80 : index
      %swap3A_392 = tpu.vector_load %arg9[%swap3A_390, %swap3A_391] {strides = array<i32>} : memref<4x128xi32, #tpu.memory_space<vmem>>, vector<16xi32>,
      tpu.vector_store %arg9[%swap3A_390, %swap3A_391], %and3A_388 {strides = array<i32>} : memref<4x128xi32, #tpu.memory_space<vmem>>, vector<16xi32>,
      %shift_right_arithmetic3A_393 = arith.constant 14 : i32
      %shift_right_arithmetic3A_394 = vector.broadcast %shift_right_arithmetic3A_393 : i32 to vector<16xi32>
      %shift_right_arithmetic3A_395 = arith.shrsi %get3A_368, %shift_right_arithmetic3A_394 : vector<16xi32>
      %and3A_396 = arith.constant 16383 : i32
      %and3A_397 = vector.broadcast %and3A_396 : i32 to vector<16xi32>
      %and3A_398 = arith.andi %shift_right_arithmetic3A_395, %and3A_397 : vector<16xi32>
      %swap3A_399 = arith.constant 3 : i32
      %swap3A_400 = arith.index_cast %swap3A_399 : i32 to index
      %swap3A_401 = arith.constant 80 : index
      %swap3A_402 = tpu.vector_load %arg9[%swap3A_400, %swap3A_401] {strides = array<i32>} : memref<4x128xi32, #tpu.memory_space<vmem>>, vector<16xi32>,
      tpu.vector_store %arg9[%swap3A_400, %swap3A_401], %and3A_398 {strides = array<i32>} : memref<4x128xi32, #tpu.memory_space<vmem>>, vector<16xi32>,
      %mul3A_403 = arith.constant 2 : i32
      %mul3A_404 = arith.muli %while3A_92, %mul3A_403 : i32
      %mul3A_405 = arith.constant 128 : i32
      %mul3A_406 = arith.muli %mul3A_404, %mul3A_405 : i32
      %add3A_407 = arith.constant 96 : i32
      %add3A_408 = arith.addi %mul3A_406, %add3A_407 : i32
      %get3A_409 = arith.index_cast %add3A_408 : i32 to index
      %get3A_410 = tpu.vector_load %arg8[%get3A_409] {strides = array<i32>} : memref<20736xi32, #tpu.memory_space<vmem>>, vector<16xi32>,
      %mul3A_411 = arith.constant 2 : i32
      %mul3A_412 = arith.muli %while3A_92, %mul3A_411 : i32
      %mul3A_413 = arith.constant 128 : i32
      %mul3A_414 = arith.muli %mul3A_412, %mul3A_413 : i32
      %add3A_415 = arith.constant 128 : i32
      %add3A_416 = arith.addi %mul3A_414, %add3A_415 : i32
      %add3A_417 = arith.constant 96 : i32
      %add3A_418 = arith.addi %add3A_416, %add3A_417 : i32
      %get3A_419 = arith.index_cast %add3A_418 : i32 to index
      %get3A_420 = tpu.vector_load %arg8[%get3A_419] {strides = array<i32>} : memref<20736xi32, #tpu.memory_space<vmem>>, vector<16xi32>,
      %and3A_421 = arith.constant 16383 : i32
      %and3A_422 = vector.broadcast %and3A_421 : i32 to vector<16xi32>
      %and3A_423 = arith.andi %get3A_410, %and3A_422 : vector<16xi32>
      %swap3A_424 = arith.constant 0 : i32
      %swap3A_425 = arith.index_cast %swap3A_424 : i32 to index
      %swap3A_426 = arith.constant 96 : index
      %swap3A_427 = tpu.vector_load %arg9[%swap3A_425, %swap3A_426] {strides = array<i32>} : memref<4x128xi32, #tpu.memory_space<vmem>>, vector<16xi32>,
      tpu.vector_store %arg9[%swap3A_425, %swap3A_426], %and3A_423 {strides = array<i32>} : memref<4x128xi32, #tpu.memory_space<vmem>>, vector<16xi32>,
      %and3A_428 = arith.constant 16383 : i32
      %and3A_429 = vector.broadcast %and3A_428 : i32 to vector<16xi32>
      %and3A_430 = arith.andi %get3A_420, %and3A_429 : vector<16xi32>
      %swap3A_431 = arith.constant 1 : i32
      %swap3A_432 = arith.index_cast %swap3A_431 : i32 to index
      %swap3A_433 = arith.constant 96 : index
      %swap3A_434 = tpu.vector_load %arg9[%swap3A_432, %swap3A_433] {strides = array<i32>} : memref<4x128xi32, #tpu.memory_space<vmem>>, vector<16xi32>,
      tpu.vector_store %arg9[%swap3A_432, %swap3A_433], %and3A_430 {strides = array<i32>} : memref<4x128xi32, #tpu.memory_space<vmem>>, vector<16xi32>,
      %shift_right_arithmetic3A_435 = arith.constant 14 : i32
      %shift_right_arithmetic3A_436 = vector.broadcast %shift_right_arithmetic3A_435 : i32 to vector<16xi32>
      %shift_right_arithmetic3A_437 = arith.shrsi %get3A_410, %shift_right_arithmetic3A_436 : vector<16xi32>
      %and3A_438 = arith.constant 16383 : i32
      %and3A_439 = vector.broadcast %and3A_438 : i32 to vector<16xi32>
      %and3A_440 = arith.andi %shift_right_arithmetic3A_437, %and3A_439 : vector<16xi32>
      %swap3A_441 = arith.constant 2 : i32
      %swap3A_442 = arith.index_cast %swap3A_441 : i32 to index
      %swap3A_443 = arith.constant 96 : index
      %swap3A_444 = tpu.vector_load %arg9[%swap3A_442, %swap3A_443] {strides = array<i32>} : memref<4x128xi32, #tpu.memory_space<vmem>>, vector<16xi32>,
      tpu.vector_store %arg9[%swap3A_442, %swap3A_443], %and3A_440 {strides = array<i32>} : memref<4x128xi32, #tpu.memory_space<vmem>>, vector<16xi32>,
      %shift_right_arithmetic3A_445 = arith.constant 14 : i32
      %shift_right_arithmetic3A_446 = vector.broadcast %shift_right_arithmetic3A_445 : i32 to vector<16xi32>
      %shift_right_arithmetic3A_447 = arith.shrsi %get3A_420, %shift_right_arithmetic3A_446 : vector<16xi32>
      %and3A_448 = arith.constant 16383 : i32
      %and3A_449 = vector.broadcast %and3A_448 : i32 to vector<16xi32>
      %and3A_450 = arith.andi %shift_right_arithmetic3A_447, %and3A_449 : vector<16xi32>
      %swap3A_451 = arith.constant 3 : i32
      %swap3A_452 = arith.index_cast %swap3A_451 : i32 to index
      %swap3A_453 = arith.constant 96 : index
      %swap3A_454 = tpu.vector_load %arg9[%swap3A_452, %swap3A_453] {strides = array<i32>} : memref<4x128xi32, #tpu.memory_space<vmem>>, vector<16xi32>,
      tpu.vector_store %arg9[%swap3A_452, %swap3A_453], %and3A_450 {strides = array<i32>} : memref<4x128xi32, #tpu.memory_space<vmem>>, vector<16xi32>,
      %mul3A_455 = arith.constant 2 : i32
      %mul3A_456 = arith.muli %while3A_92, %mul3A_455 : i32
      %mul3A_457 = arith.constant 128 : i32
      %mul3A_458 = arith.muli %mul3A_456, %mul3A_457 : i32
      %add3A_459 = arith.constant 112 : i32
      %add3A_460 = arith.addi %mul3A_458, %add3A_459 : i32
      %get3A_461 = arith.index_cast %add3A_460 : i32 to index
      %get3A_462 = tpu.vector_load %arg8[%get3A_461] {strides = array<i32>} : memref<20736xi32, #tpu.memory_space<vmem>>, vector<16xi32>,
      %mul3A_463 = arith.constant 2 : i32
      %mul3A_464 = arith.muli %while3A_92, %mul3A_463 : i32
      %mul3A_465 = arith.constant 128 : i32
      %mul3A_466 = arith.muli %mul3A_464, %mul3A_465 : i32
      %add3A_467 = arith.constant 128 : i32
      %add3A_468 = arith.addi %mul3A_466, %add3A_467 : i32
      %add3A_469 = arith.constant 112 : i32
      %add3A_470 = arith.addi %add3A_468, %add3A_469 : i32
      %get3A_471 = arith.index_cast %add3A_470 : i32 to index
      %get3A_472 = tpu.vector_load %arg8[%get3A_471] {strides = array<i32>} : memref<20736xi32, #tpu.memory_space<vmem>>, vector<16xi32>,
      %and3A_473 = arith.constant 16383 : i32
      %and3A_474 = vector.broadcast %and3A_473 : i32 to vector<16xi32>
      %and3A_475 = arith.andi %get3A_462, %and3A_474 : vector<16xi32>
      %swap3A_476 = arith.constant 0 : i32
      %swap3A_477 = arith.index_cast %swap3A_476 : i32 to index
      %swap3A_478 = arith.constant 112 : index
      %swap3A_479 = tpu.vector_load %arg9[%swap3A_477, %swap3A_478] {strides = array<i32>} : memref<4x128xi32, #tpu.memory_space<vmem>>, vector<16xi32>,
      tpu.vector_store %arg9[%swap3A_477, %swap3A_478], %and3A_475 {strides = array<i32>} : memref<4x128xi32, #tpu.memory_space<vmem>>, vector<16xi32>,
      %and3A_480 = arith.constant 16383 : i32
      %and3A_481 = vector.broadcast %and3A_480 : i32 to vector<16xi32>
      %and3A_482 = arith.andi %get3A_472, %and3A_481 : vector<16xi32>
      %swap3A_483 = arith.constant 1 : i32
      %swap3A_484 = arith.index_cast %swap3A_483 : i32 to index
      %swap3A_485 = arith.constant 112 : index
      %swap3A_486 = tpu.vector_load %arg9[%swap3A_484, %swap3A_485] {strides = array<i32>} : memref<4x128xi32, #tpu.memory_space<vmem>>, vector<16xi32>,
      tpu.vector_store %arg9[%swap3A_484, %swap3A_485], %and3A_482 {strides = array<i32>} : memref<4x128xi32, #tpu.memory_space<vmem>>, vector<16xi32>,
      %shift_right_arithmetic3A_487 = arith.constant 14 : i32
      %shift_right_arithmetic3A_488 = vector.broadcast %shift_right_arithmetic3A_487 : i32 to vector<16xi32>
      %shift_right_arithmetic3A_489 = arith.shrsi %get3A_462, %shift_right_arithmetic3A_488 : vector<16xi32>
      %and3A_490 = arith.constant 16383 : i32
      %and3A_491 = vector.broadcast %and3A_490 : i32 to vector<16xi32>
      %and3A_492 = arith.andi %shift_right_arithmetic3A_489, %and3A_491 : vector<16xi32>
      %swap3A_493 = arith.constant 2 : i32
      %swap3A_494 = arith.index_cast %swap3A_493 : i32 to index
      %swap3A_495 = arith.constant 112 : index
      %swap3A_496 = tpu.vector_load %arg9[%swap3A_494, %swap3A_495] {strides = array<i32>} : memref<4x128xi32, #tpu.memory_space<vmem>>, vector<16xi32>,
      tpu.vector_store %arg9[%swap3A_494, %swap3A_495], %and3A_492 {strides = array<i32>} : memref<4x128xi32, #tpu.memory_space<vmem>>, vector<16xi32>,
      %shift_right_arithmetic3A_497 = arith.constant 14 : i32
      %shift_right_arithmetic3A_498 = vector.broadcast %shift_right_arithmetic3A_497 : i32 to vector<16xi32>
      %shift_right_arithmetic3A_499 = arith.shrsi %get3A_472, %shift_right_arithmetic3A_498 : vector<16xi32>
      %and3A_500 = arith.constant 16383 : i32
      %and3A_501 = vector.broadcast %and3A_500 : i32 to vector<16xi32>
      %and3A_502 = arith.andi %shift_right_arithmetic3A_499, %and3A_501 : vector<16xi32>
      %swap3A_503 = arith.constant 3 : i32
      %swap3A_504 = arith.index_cast %swap3A_503 : i32 to index
      %swap3A_505 = arith.constant 112 : index
      %swap3A_506 = tpu.vector_load %arg9[%swap3A_504, %swap3A_505] {strides = array<i32>} : memref<4x128xi32, #tpu.memory_space<vmem>>, vector<16xi32>,
      tpu.vector_store %arg9[%swap3A_504, %swap3A_505], %and3A_502 {strides = array<i32>} : memref<4x128xi32, #tpu.memory_space<vmem>>, vector<16xi32>,
      %dma_start3A = arith.constant 2 : i32
      %dma_start3A_507 = arith.constant 0 : i32
      %dma_start3A_508 = tpu.memref_slice %arg9[%dma_start3A, %dma_start3A_507] : memref<4x128xi32, #tpu.memory_space<vmem>> -> memref<1x128xi32, #tpu.memory_space<vmem>>
      %dma_start3A_509 = tpu.memref_squeeze %dma_start3A_508 : memref<1x128xi32, #tpu.memory_space<vmem>> -> memref<128xi32, #tpu.memory_space<vmem>>
      %dma_start3A_510 = arith.constant 0 : i32
      %dma_start3A_511 = arith.constant 0 : i32
      %dma_start3A_512 = tpu.memref_slice %arg3[%dma_start3A_510, %dma_start3A_511] : memref<10000x64xf32, #tpu.memory_space<hbm>> -> memref<10000x64xf32, #tpu.memory_space<hbm>>
      tpu.enqueue_indirect_dma source(%dma_start3A_512 : memref<10000x64xf32, #tpu.memory_space<hbm>>) target(%arg10 : memref<128x64xf32, #tpu.memory_space<vmem>>) offsets(%dma_start3A_509 : memref<128xi32, #tpu.memory_space<vmem>>) semaphore(%arg15 : memref<!tpu.dma_semaphore, #tpu.memory_space<semaphore_mem>>)
      %dma_start3A_513 = arith.constant 3 : i32
      %dma_start3A_514 = arith.constant 0 : i32
      %dma_start3A_515 = tpu.memref_slice %arg9[%dma_start3A_513, %dma_start3A_514] : memref<4x128xi32, #tpu.memory_space<vmem>> -> memref<1x128xi32, #tpu.memory_space<vmem>>
      %dma_start3A_516 = tpu.memref_squeeze %dma_start3A_515 : memref<1x128xi32, #tpu.memory_space<vmem>> -> memref<128xi32, #tpu.memory_space<vmem>>
      %dma_start3A_517 = arith.constant 0 : i32
      %dma_start3A_518 = arith.constant 0 : i32
      %dma_start3A_519 = tpu.memref_slice %arg3[%dma_start3A_517, %dma_start3A_518] : memref<10000x64xf32, #tpu.memory_space<hbm>> -> memref<10000x64xf32, #tpu.memory_space<hbm>>
      tpu.enqueue_indirect_dma source(%dma_start3A_519 : memref<10000x64xf32, #tpu.memory_space<hbm>>) target(%arg11 : memref<128x64xf32, #tpu.memory_space<vmem>>) offsets(%dma_start3A_516 : memref<128xi32, #tpu.memory_space<vmem>>) semaphore(%arg16 : memref<!tpu.dma_semaphore, #tpu.memory_space<semaphore_mem>>)
      %dma_wait3A = arith.constant 2 : i32
      %dma_wait3A_520 = arith.constant 0 : i32
      %dma_wait3A_521 = tpu.memref_slice %arg9[%dma_wait3A, %dma_wait3A_520] : memref<4x128xi32, #tpu.memory_space<vmem>> -> memref<1x128xi32, #tpu.memory_space<vmem>>
      %dma_wait3A_522 = tpu.memref_squeeze %dma_wait3A_521 : memref<1x128xi32, #tpu.memory_space<vmem>> -> memref<128xi32, #tpu.memory_space<vmem>>
      %dma_wait3A_523 = arith.constant 0 : i32
      %dma_wait3A_524 = arith.constant 0 : i32
      %dma_wait3A_525 = tpu.memref_slice %arg3[%dma_wait3A_523, %dma_wait3A_524] : memref<10000x64xf32, #tpu.memory_space<hbm>> -> memref<10000x64xf32, #tpu.memory_space<hbm>>
      tpu.wait_indirect_dma semaphore(%arg15 : memref<!tpu.dma_semaphore, #tpu.memory_space<semaphore_mem>>) src(%dma_wait3A_525 : memref<10000x64xf32, #tpu.memory_space<hbm>>) dst(%arg10 : memref<128x64xf32, #tpu.memory_space<vmem>>)
      %dma_start3A_526 = arith.constant 0 : i32
      %dma_start3A_527 = arith.constant 0 : i32
      %dma_start3A_528 = tpu.memref_slice %arg9[%dma_start3A_526, %dma_start3A_527] : memref<4x128xi32, #tpu.memory_space<vmem>> -> memref<1x128xi32, #tpu.memory_space<vmem>>
      %dma_start3A_529 = tpu.memref_squeeze %dma_start3A_528 : memref<1x128xi32, #tpu.memory_space<vmem>> -> memref<128xi32, #tpu.memory_space<vmem>>
      %dma_start3A_530 = arith.constant 0 : i32
      %dma_start3A_531 = arith.constant 0 : i32
      %dma_start3A_532 = tpu.memref_slice %arg14[%dma_start3A_530, %dma_start3A_531] : memref<10016x64xf32, #tpu.memory_space<vmem_shared>> -> memref<10016x64xf32, #tpu.memory_space<vmem_shared>>
      tpu.enqueue_indirect_dma source(%arg10 : memref<128x64xf32, #tpu.memory_space<vmem>>) target(%dma_start3A_532 : memref<10016x64xf32, #tpu.memory_space<vmem_shared>>) offsets(%dma_start3A_529 : memref<128xi32, #tpu.memory_space<vmem>>) semaphore(%arg17 : memref<!tpu.dma_semaphore, #tpu.memory_space<semaphore_mem>>) {add = true}
      %dma_wait3A_533 = arith.constant 0 : i32
      %dma_wait3A_534 = arith.constant 0 : i32
      %dma_wait3A_535 = tpu.memref_slice %arg9[%dma_wait3A_533, %dma_wait3A_534] : memref<4x128xi32, #tpu.memory_space<vmem>> -> memref<1x128xi32, #tpu.memory_space<vmem>>
      %dma_wait3A_536 = tpu.memref_squeeze %dma_wait3A_535 : memref<1x128xi32, #tpu.memory_space<vmem>> -> memref<128xi32, #tpu.memory_space<vmem>>
      %dma_wait3A_537 = arith.constant 0 : i32
      %dma_wait3A_538 = arith.constant 0 : i32
      %dma_wait3A_539 = tpu.memref_slice %arg14[%dma_wait3A_537, %dma_wait3A_538] : memref<10016x64xf32, #tpu.memory_space<vmem_shared>> -> memref<10016x64xf32, #tpu.memory_space<vmem_shared>>
      tpu.wait_indirect_dma semaphore(%arg17 : memref<!tpu.dma_semaphore, #tpu.memory_space<semaphore_mem>>) src(%arg10 : memref<128x64xf32, #tpu.memory_space<vmem>>) dst(%dma_wait3A_539 : memref<10016x64xf32, #tpu.memory_space<vmem_shared>>)
      %dma_wait3A_540 = arith.constant 3 : i32
      %dma_wait3A_541 = arith.constant 0 : i32
      %dma_wait3A_542 = tpu.memref_slice %arg9[%dma_wait3A_540, %dma_wait3A_541] : memref<4x128xi32, #tpu.memory_space<vmem>> -> memref<1x128xi32, #tpu.memory_space<vmem>>
      %dma_wait3A_543 = tpu.memref_squeeze %dma_wait3A_542 : memref<1x128xi32, #tpu.memory_space<vmem>> -> memref<128xi32, #tpu.memory_space<vmem>>
      %dma_wait3A_544 = arith.constant 0 : i32
      %dma_wait3A_545 = arith.constant 0 : i32
      %dma_wait3A_546 = tpu.memref_slice %arg3[%dma_wait3A_544, %dma_wait3A_545] : memref<10000x64xf32, #tpu.memory_space<hbm>> -> memref<10000x64xf32, #tpu.memory_space<hbm>>
      tpu.wait_indirect_dma semaphore(%arg16 : memref<!tpu.dma_semaphore, #tpu.memory_space<semaphore_mem>>) src(%dma_wait3A_546 : memref<10000x64xf32, #tpu.memory_space<hbm>>) dst(%arg11 : memref<128x64xf32, #tpu.memory_space<vmem>>)
      %dma_start3A_547 = arith.constant 1 : i32
      %dma_start3A_548 = arith.constant 0 : i32
      %dma_start3A_549 = tpu.memref_slice %arg9[%dma_start3A_547, %dma_start3A_548] : memref<4x128xi32, #tpu.memory_space<vmem>> -> memref<1x128xi32, #tpu.memory_space<vmem>>
      %dma_start3A_550 = tpu.memref_squeeze %dma_start3A_549 : memref<1x128xi32, #tpu.memory_space<vmem>> -> memref<128xi32, #tpu.memory_space<vmem>>
      %dma_start3A_551 = arith.constant 0 : i32
      %dma_start3A_552 = arith.constant 0 : i32
      %dma_start3A_553 = tpu.memref_slice %arg14[%dma_start3A_551, %dma_start3A_552] : memref<10016x64xf32, #tpu.memory_space<vmem_shared>> -> memref<10016x64xf32, #tpu.memory_space<vmem_shared>>
      tpu.enqueue_indirect_dma source(%arg11 : memref<128x64xf32, #tpu.memory_space<vmem>>) target(%dma_start3A_553 : memref<10016x64xf32, #tpu.memory_space<vmem_shared>>) offsets(%dma_start3A_550 : memref<128xi32, #tpu.memory_space<vmem>>) semaphore(%arg17 : memref<!tpu.dma_semaphore, #tpu.memory_space<semaphore_mem>>) {add = true}
      %dma_wait3A_554 = arith.constant 1 : i32
      %dma_wait3A_555 = arith.constant 0 : i32
      %dma_wait3A_556 = tpu.memref_slice %arg9[%dma_wait3A_554, %dma_wait3A_555] : memref<4x128xi32, #tpu.memory_space<vmem>> -> memref<1x128xi32, #tpu.memory_space<vmem>>
      %dma_wait3A_557 = tpu.memref_squeeze %dma_wait3A_556 : memref<1x128xi32, #tpu.memory_space<vmem>> -> memref<128xi32, #tpu.memory_space<vmem>>
      %dma_wait3A_558 = arith.constant 0 : i32
      %dma_wait3A_559 = arith.constant 0 : i32
      %dma_wait3A_560 = tpu.memref_slice %arg14[%dma_wait3A_558, %dma_wait3A_559] : memref<10016x64xf32, #tpu.memory_space<vmem_shared>> -> memref<10016x64xf32, #tpu.memory_space<vmem_shared>>
      tpu.wait_indirect_dma semaphore(%arg17 : memref<!tpu.dma_semaphore, #tpu.memory_space<semaphore_mem>>) src(%arg11 : memref<128x64xf32, #tpu.memory_space<vmem>>) dst(%dma_wait3A_560 : memref<10016x64xf32, #tpu.memory_space<vmem_shared>>)
      %while3A_561 = arith.constant 0 : i32
      scf.yield %while3A_561 : i32
    }
    %barrier3A_85 = arith.constant 0 : index
    tpu.barrier barrier_id(%barrier3A_85)
    %mul3A_86 = arith.constant 626 : i32
    %mul3A_87 = arith.muli %arg1, %mul3A_86 : i32
    %mul3A_88 = arith.constant 626 : i32
    %mul3A_89 = arith.muli %arg1, %mul3A_88 : i32
    %run_scoped3A_90 = arith.constant 1 : i32
    "tpu.region"() ({
      %run_scoped3A_92 = tpu.sem_alloc : memref<!tpu.dma_semaphore, #tpu.memory_space<semaphore_mem>>
      %dma_start3A = arith.constant 0 : i32
      %dma_start3A_93 = tpu.memref_slice %arg5[%arg0, %run_scoped3A_90, %mul3A_89, %dma_start3A] : memref<2x2x10016x64xf32, #tpu.memory_space<hbm>> -> memref<1x1x626x64xf32, #tpu.memory_space<hbm>>
      %dma_start3A_94 = tpu.memref_squeeze %dma_start3A_93 : memref<1x1x626x64xf32, #tpu.memory_space<hbm>> -> memref<626x64xf32, #tpu.memory_space<hbm>>
      %dma_start3A_95 = arith.constant 0 : i32
      %dma_start3A_96 = tpu.memref_slice %arg14[%mul3A_87, %dma_start3A_95] : memref<10016x64xf32, #tpu.memory_space<vmem_shared>> -> memref<626x64xf32, #tpu.memory_space<vmem_shared>>
      tpu.enqueue_dma source(%dma_start3A_96 : memref<626x64xf32, #tpu.memory_space<vmem_shared>>) target(%dma_start3A_94 : memref<626x64xf32, #tpu.memory_space<hbm>>) target_semaphore(%run_scoped3A_92 : memref<!tpu.dma_semaphore, #tpu.memory_space<semaphore_mem>>)
      %dma_wait3A = arith.constant 0 : i32
      %dma_wait3A_97 = tpu.memref_slice %arg5[%arg0, %run_scoped3A_90, %mul3A_89, %dma_wait3A] : memref<2x2x10016x64xf32, #tpu.memory_space<hbm>> -> memref<1x1x626x64xf32, #tpu.memory_space<hbm>>
      %dma_wait3A_98 = tpu.memref_squeeze %dma_wait3A_97 : memref<1x1x626x64xf32, #tpu.memory_space<hbm>> -> memref<626x64xf32, #tpu.memory_space<hbm>>
      %dma_wait3A_99 = arith.constant 0 : i32
      %dma_wait3A_100 = tpu.memref_slice %arg14[%mul3A_87, %dma_wait3A_99] : memref<10016x64xf32, #tpu.memory_space<vmem_shared>> -> memref<626x64xf32, #tpu.memory_space<vmem_shared>>
      tpu.wait_dma2 semaphore(%run_scoped3A_92 : memref<!tpu.dma_semaphore, #tpu.memory_space<semaphore_mem>>) src(%dma_wait3A_100 : memref<626x64xf32, #tpu.memory_space<vmem_shared>>) dst(%dma_wait3A_98 : memref<626x64xf32, #tpu.memory_space<hbm>>)
      tpu.yield
    }) : () -> ()
    %barrier3A_91 = arith.constant 0 : index
    tpu.barrier barrier_id(%barrier3A_91)
    return
  }
}

</mosaic_0001>

<sc_bundles>
// kernel: _seg_sum.3.cloned.1.call-start
scs
__scs_entry_jumppad:
0x0: {  	(pc) =	sbr.rel $0x88, $3  }
0x1: {  	(tag) =	ssettag $0x0;
	lr =	simm.s32 $0x1  }
0x2: {  	[smem:$0x3F9E] =	sst lr;
	_ =	strace $0xD0000000  }
0x3: {  	_ = 	snop  }
0x4: {  	_ = 	snop  }
0x5: {  	_ = 	snop  }
0x6: {  	_ = 	snop  }
0x7: {  	_ = 	snop  }
__scs_overlays_trampoline_lowered:
0x8: {  	[smem:$0x3FAD] =	sst s0  }
0x9: {  	[smem:$0x3FAE] =	sst s1  }
0xa: {  	[smem:$0x3FAF] =	sst s2  }
0xb: {  	[smem:$0x3FB0] =	sst s3  }
0xc: {  	[smem:$0x3FB1] =	sst s4  }
0xd: {  	[smem:$0x3FB2] =	sst s5  }
0xe: {  	[smem:$0x3FB3] =	sst s6  }
0xf: {  	[smem:$0x3FB4] =	sst s7  }
0x10: {  	[smem:$0x3FB5] =	sst s8  }
0x11: {  	[smem:$0x3FB6] =	sst s9;
	s0 =	simm.s32 @!p0 $0x0  }
0x12: {  	s1 =	sld [smem:$0x3F9C];
	s0 =	simm.s32 @p0 $0x1  }
0x13: {  	[smem:$0x3FB7] =	sst s0;
	s0 =	simm.s32 @!p1 $0x0  }
0x14: {  	s2 =	sld [smem:$0x3F9B];
	s0 =	simm.s32 @p1 $0x1  }
0x15: {  	[smem:$0x3FB8] =	sst s0;
	s0 =	simm.s32 @!p2 $0x0  }
0x16: {  	s3 =	sld [smem:$0x3FDB];
	s0 =	simm.s32 @p2 $0x1  }
0x17: {  	s4 =	simm.s32 $0x1BF5;
	[smem:$0x3FBA] =	sst s0  }
0x18: {  	s0 =	sld [smem:$0x3F9D];
	_ =	swait.ge [sflag:s4], $0x0  }
0x19: {  	s7 =	sld [smem:$0x3F9E]  }
0x1a: {  	s8 =	sadd.s32 $0xFFFFE003, lr  }
0x1b: {  	s9 =	sadd.s32 $0xFFFFFEF7, lr;
	s5 =	simm.s32 $0xFFFFFFFF;
	p2 =	slt.u32 s8, $0xFFFFF086  }
0x1c: {  	p1 =	slt.u32 s9, $0xF7A;
	s5 =	simm.s32 @!p2 $0x0  }
0x1d: {  	s5 =	simm.s32 @p1 $0x1;
	p0 =	seq.s32 s7, s2  }
0x1e: {  	s7 =	smul.u32 @!p0 $0xF7A, s2;
	p2 =	seq.s32 @!p0 s5, $0x0  }
0x1f: {  	s9 =	smul.u32 $0xF7A, s1;
	s8 =	simm.s32 @!p0 $0x1BF5;
	p2 =	por !p2, p0  }
0x20: {  	[sflag:s8] =	ssyncset.s32 @!p0 $0xFFFFF086;
	s6 =	sadd.s32 @!p0 s3, s7;
	s7 =	simm.s32 @!p0 $0x108  }
0x21: {  	s3 =	sadd.s32 s3, s9;
	s6 =	sadd.s32 @!p0 $0x88, s6;
	s7 =	simm.s32 @p2 $0x1082  }
0x22: {  	[simem:s7], [sflag:s8] =	dma.local @!p0 [hbm:s6], $0xF7A  }
0x23: {  	s9 =	sor.u32 $0xD0000000, s2;
	s6 =	simm.s32 $0x108;
	_ =	swait.ge @!p0 [sflag:s8], $0x0  }
0x24: {  	s3 =	sadd.s32 $0x88, s3;
	s6 =	simm.s32 @!p1 $0x1082;
	[sflag:s4] =	ssyncset.s32 $0xFFFFF086  }
0x25: {  	[simem:s6], [sflag:s4] =	dma.local [hbm:s3], $0xF7A  }
0x26: {  	[smem:$0x3F9E] =	sst s1;
	(tag) =	ssettag s2;
	_ =	strace s9  }
0x27: {  	s1 =	sld [smem:$0x3FAE]  }
0x28: {  	s2 =	sld [smem:$0x3FAF]  }
0x29: {  	s4 =	sld [smem:$0x3FB1]  }
0x2a: {  	p0 =	seq.s32 s5, $0x0;
	s5 =	sld [smem:$0x3FB2]  }
0x2b: {  	s6 =	sld [smem:$0x3FB3]  }
0x2c: {  	s7 =	sld [smem:$0x3FB4]  }
0x2d: {  	s3 =	simm.s32 $0x108;
	s8 =	sld [smem:$0x3FB5]  }
0x2e: {  	s3 =	simm.s32 @!p0 $0x1082;
	s9 =	sld [smem:$0x3FB6]  }
0x2f: {  	lr =	sadd.s32 s0, s3;
	s0 =	sld [smem:$0x3FAD]  }
0x30: {  	s3 =	sld [smem:$0x3FB0]  }
0x31: {  	[smem:$0x3FB9] =	sst s10  }
0x32: {  	s10 =	sld [smem:$0x3FB7];
	_ =	sdelay $0x3  }
0x33: {  	p0 =	seq.s32 s10, $0x1;
	s10 =	sld [smem:$0x3FB9];
	_ =	sdelay $0x3  }
0x34: {  	[smem:$0x3FB9] =	sst s10  }
0x35: {  	s10 =	sld [smem:$0x3FB8];
	_ =	sdelay $0x3  }
0x36: {  	p1 =	seq.s32 s10, $0x1;
	s10 =	sld [smem:$0x3FB9];
	_ =	sdelay $0x3  }
0x37: {  	[smem:$0x3FB9] =	sst s10  }
0x38: {  	s10 =	sld [smem:$0x3FBA]  }
0x39: {  	_ = 	snop;
	(pc) =	sbr.ind lr, $3  }
0x3a: {  	_ = 	snop  }
0x3b: {  	_ = 	snop  }
0x3c: {  	p2 =	seq.s32 s10, $0x1;
	s10 =	sld [smem:$0x3FB9]  }
0x3d: {  	_ =	shalt  }
0x3e: {  	_ =	shalt  }
0x3f: {  	_ =	shalt  }
0x40: {  	_ =	shalt  }
0x41: {  	_ =	shalt  }
0x42: {  	_ =	shalt  }
0x43: {  	_ =	shalt  }
0x44: {  	_ =	shalt  }
0x45: {  	_ =	shalt  }
0x46: {  	_ =	shalt  }
0x47: {  	_ =	shalt  }
0x48: {  	_ =	shalt  }
0x49: {  	_ =	shalt  }
0x4a: {  	_ =	shalt  }
0x4b: {  	_ =	shalt  }
0x4c: {  	_ =	shalt  }
0x4d: {  	_ =	shalt  }
0x4e: {  	_ =	shalt  }
0x4f: {  	_ =	shalt  }
0x50: {  	_ =	shalt  }
0x51: {  	_ =	shalt  }
0x52: {  	_ =	shalt  }
0x53: {  	_ =	shalt  }
0x54: {  	_ =	shalt  }
0x55: {  	_ =	shalt  }
0x56: {  	_ =	shalt  }
0x57: {  	_ =	shalt  }
0x58: {  	_ =	shalt  }
0x59: {  	_ =	shalt  }
0x5a: {  	_ =	shalt  }
0x5b: {  	_ =	shalt  }
0x5c: {  	_ =	shalt  }
0x5d: {  	_ =	shalt  }
0x5e: {  	_ =	shalt  }
0x5f: {  	_ =	shalt  }
0x60: {  	_ =	shalt  }
0x61: {  	_ =	shalt  }
0x62: {  	_ =	shalt  }
0x63: {  	_ =	shalt  }
0x64: {  	_ =	shalt  }
0x65: {  	_ =	shalt  }
0x66: {  	_ =	shalt  }
0x67: {  	_ =	shalt  }
0x68: {  	_ =	shalt  }
0x69: {  	_ =	shalt  }
0x6a: {  	_ =	shalt  }
0x6b: {  	_ =	shalt  }
0x6c: {  	_ =	shalt  }
0x6d: {  	_ =	shalt  }
0x6e: {  	_ =	shalt  }
0x6f: {  	_ =	shalt  }
0x70: {  	_ =	shalt  }
0x71: {  	_ =	shalt  }
0x72: {  	_ =	shalt  }
0x73: {  	_ =	shalt  }
0x74: {  	_ =	shalt  }
0x75: {  	_ =	shalt  }
0x76: {  	_ =	shalt  }
0x77: {  	_ =	shalt  }
0x78: {  	_ =	shalt  }
0x79: {  	_ =	shalt  }
0x7a: {  	_ =	shalt  }
0x7b: {  	_ =	shalt  }
0x7c: {  	_ =	shalt  }
0x7d: {  	_ =	shalt  }
0x7e: {  	_ =	shalt  }
0x7f: {  	_ =	shalt  }
0x80: {  	_ =	shalt  }
0x81: {  	_ =	shalt  }
0x82: {  	_ =	shalt  }
0x83: {  	_ =	shalt  }
0x84: {  	_ =	shalt  }
0x85: {  	_ =	shalt  }
0x86: {  	_ =	shalt  }
0x87: {  	_ =	shalt  }
.Lfunc_end0:
.L_simem_size_0:
called_computation_lowered:
.L_overlay_start_0:
0x88: {  	s2 =	sld [smem:$0x3FD9]  }
0x89: {  	s3 =	sld [smem:$0x3FFE];
	_ =	sdelay $0x1  }
0x8a: {  	s1 =	srdreg.scid  }
0x8b: {  	s0 =	sand.u32 $0x1, s1  }
0x8c: {  	s14 =	sshll.u32 s0, $0xA;
	s2 =	sadd.s32 s3, s2  }
0x8d: {  	s2 =	sadd.s32 s2, s14  }
0x8e: {  	[smem:$0x3FC5] =	sst s2  }
0x8f: {  	_ = 	snop  }
0x90: {  	s2 =	sld [smem:$0x3FD0];
	_ =	sdelay $0x2  }
0x91: {  	s4 =	simm.s32 $0xA;
	s5 =	simm.s32 $0x10;
	s15 =	sld [smem:$0x3FC7]  }
0x92: {  	[smem:s5], [sflag:s4] =	dma.local [hbm:s2], $0x1  }
0x93: {  	_ =	swait.eq [sflag:s4], $0x1  }
0x94: {  	[sflag:s4] =	ssyncset.done $0x0  }
0x95: {  	s16 =	sld [smem:$0x10];
	[sflag:s4] =	ssyncadd.s32 $0xFFFFFFFF  }
0x96: {  	s17 =	sld [smem:$0x11];
	(tm) =	ssettm $0x1  }
0x97: {  	s18 =	sld [smem:$0x3FFB];
	_ =	sdelay $0x3  }
0x98: {  	_ =	strace s18  }
0x99: {  	s5 =	sld [smem:$0x3FFC];
	_ =	sdelay $0x3  }
0x9a: {  	_ =	strace s5  }
0x9b: {  	s5 =	sld [smem:$0x3FFD];
	_ =	sdelay $0x3  }
0x9c: {  	_ =	strace s5  }
0x9d: {  	_ =	strace $0x8FFFFFFF  }
0x9e: {  	s19 =	sld [smem:$0x3FDB];
	_ =	sdelay $0x1  }
0x9f: {  	s6 =	simm.s32 $_scs_section_size  }
0xa0: {  	s7 =	simm.s32 $_size__tile_overlayer_lowered;
	s8 =	simm.s32 $_tile_overlayer_lowered  }
0xa1: {  	s22 =	simm.s32 $0x1BFF;
	s21 =	sshll.u32 s8, $0x1;
	s5 =	sadd.s32 s6, s19  }
0xa2: {  	s9 =	simm.s32 $0x0;
	s20 =	sshll.u32 s7, $0x1;
	s7 =	sadd.s32 s21, s5  }
0xa3: {  	[timem:s9], [sflag:s22] =	dma.local [hbm:s7], s20  }
0xa4: {  	_ =	swait.ge [sflag:s22], s20  }
0xa5: {  	s6 =	ssub.s32 $0x0, s20;
	[sflag:s22] =	ssyncset.done $0x0  }
0xa6: {  	[sflag:s22] =	ssyncadd.s32 s6;
	_ =	sdelay $0x1  }
0xa7: {  	s23 =	simm.s32 $0x1B8B  }
0xa8: {  	_ =	swait.ge [sflag:s23], $0x1  }
0xa9: {  	[sflag:s23] =	ssyncset.done $0x0  }
0xaa: {  	s25 =	simm.s32 $0x1B8E;
	s24 =	sld [smem:$0x3FFE];
	[sflag:s23] =	ssyncadd.s32 $0xFFFFFFFF  }
0xab: {  	s26 =	simm.s32 $execute0_lowered;
	[smem:$0x3FD2] =	sst s25  }
0xac: {  	s7 =	sshll.u32 s26, $0x1;
	_ =	strace $0x80000046;
	[dreg:$0x1] =	wrdreg $0xFFFFFFFF  }
0xad: {  	s28 =	simm.s32 $_size_execute0_lowered;
	s5 =	sadd.s32 s5, s7;
	[dreg:$0x0] =	wrdreg $0x0  }
0xae: {  	s7 =	sshll.u32 s28, $0x1;
	[dreg:$0x2] =	wrdreg s5  }
0xaf: {  	[dreg:$0x3] =	wrdreg s7  }
0xb0: {  	[dreg:$0x4] =	wrdreg $0xC0  }
0xb1: {  	_ =	task [dreg:s9], $0x5FFFF  }
0xb2: {  	[dreg:$0x1] =	wrdreg $0xFFFFFFFF  }
0xb3: {  	[dreg:$0x0] =	wrdreg $0x60  }
0xb4: {  	[dreg:$0x2] =	wrdreg s24  }
0xb5: {  	[dreg:$0x3] =	wrdreg s15  }
0xb6: {  	[dreg:$0x4] =	wrdreg s16  }
0xb7: {  	[dreg:$0x5] =	wrdreg s17  }
0xb8: {  	[dreg:$0x6] =	wrdreg $0x110600  }
0xb9: {  	[dreg:$0x7] =	wrdreg $0x9  }
0xba: {  	_ =	task.clear_ibuf [dreg:s9], $0x8FFFF;
	_ =	strace $0x90000046  }
0xbb: {  	s29 =	simm.s32 $0x9;
	_ =	strace $0x80000048  }
0xbc: {  	_ =	swait.ge [sflag:s29], $0x1  }
0xbd: {  	[sflag:s29] =	ssyncadd.s32 $0xFFFFFFFF  }
0xbe: {  	_ =	strace $0x90000048  }
0xbf: {  	_ =	sfence  }
0xc0: {  	s30 =	sld [smem:$0x0];
	_ =	sdelay $0x2  }
0xc1: {  	s31 =	sshll.u32 s1, $0xD;
	s1 =	sshrl.u32 s1, $0x2  }
0xc2: {  	s3 =	sand.u32 $0x4000, s31;
	s1 =	sadd.s32 s1, s30  }
0xc3: {  	s0 =	sor.u32 s3, s0;
	s1 =	sshll.u32 s1, $0x11  }
0xc4: {  	s0 =	sor.u32 s1, s0  }
0xc5: {  	s0 =	sadd.s32 $0x8F2B, s0  }
0xc6: {  	[sflag:s0] =	ssyncadd.remote.s32 $0x1  }
0xc7: {  	_ =	sfence.sel $0xFFFF  }
0xc8: {  	[dreg:$0x0] =	wrdreg $0xFFFFFFFF;
	(pc) =	sbr.abs _section_cstart, $3  }
0xc9: {  	[dreg:$0x1] =	wrdreg $0xFFFFFFFF  }
0xca: {  	_ =	task.clear_ibuf [dreg:s9], $0x2FFFF;
	_ =	strace $0x9FFFFFFF  }
0xcb: {  	(tm) =	ssettm $0x7FFFFFFF  }
tec
execute0_lowered:
.L_overlay_start_1:
0x0: {  	(tag) =	ssettag $0x1  }
0x1: {  	s0 =	rddreg [dreg:$0x0]  }
0x2: {  	s1 =	rddreg [dreg:$0x1]  }
0x3: {  	s4 =	rddreg [dreg:$0x2]  }
0x4: {  	s8 =	rddreg [dreg:$0x3]  }
0x5: {  	s2 =	rddreg [dreg:$0x4];
	s3 =	srdreg.scid  }
0x6: {  	s5 =	simm.s32 $0x0;
	s21 =	stileid.u32;
	s14 =	simm.s32 $0x4  }
0x7: {  	s15 =	simm.s32 $0xE940;
	s16 =	simm.s32 $0x1;
	s18 =	simm.s32 $0x80  }
0x8: {  	s19 =	simm.s32 $0x5A00;
	s20 =	simm.s32 $0x5B00;
	s10 =	smul.u32 $0x2720, s21  }
0x9: {  	s28 =	simm.s32 $0x0;
	s22 =	sand.u32 $0x1, s3;
	s11 =	smul.u32 $0x9C80, s21  }
0xa: {  	[smem:$0x7FF] =	sst s5;
	s5 =	sadd.s32 $0x14600, s0;
	s24 =	smul.u32 $0x27200, s21  }
0xb: {  	s6 =	sadd.s32 $0xC00, s0;
	s9 =	smul.u32 $0x27200, s22;
	s7 =	ssub.s32 $0x2, s22  }
0xc: {  	_ =	strace $0x80000047;
	s13 =	smul.u32 $0x139000, s22;
	s12 =	sshrl.u32 s7, $0x1  }
0xd: {  	v0 =	vmov s22;
	s22 =	simm.s32 $0x7B00;
	s30 =	sadd.s32 s11, s2;
	s23 =	ssub.s32 s7, s12  }
0xe: {  	s7 =	smul.u32 $0xA, s21;
	s9 =	sadd.s32 s10, s9;
	s25 =	sadd.s32 s11, s13  }
0xf: {  	s12 =	sshrl.u32 s24, $0x2;
	s21 =	simm.s32 $0x5A80;
	[dreg:$0x8] =	wrdreg s30  }
0x10: {  	s9 =	sshrl.u32 s9, $0x3;
	s10 =	sshrl.u32 s25, $0x3;
	s0 =	smax.u32 s23, $0x1  }
.Ltmp0:
0x11: {  	s26 =	sadd.s32 s8, s9;
	[dreg:$0xb] =	wrdreg s0;
	(pc) =	sbr.rel .LBB2_1-.Ltmp0, $4  }
0x12: {  	s12 =	sadd.s32 s12, s2;
	s29 =	sadd.s32 s4, s10;
	[dreg:$0x6] =	wrdreg s26  }
0x13: {  	s24 =	simm.s32 $0x3;
	s31 =	sadd.s32 $0x4E40, s12;
	[dreg:$0x7] =	wrdreg s29  }
0x14: {  	s23 =	simm.s32 $0x5900;
	s3 =	sadd.s32 $0x13900, s29;
	[dreg:$0x9] =	wrdreg s31  }
0x15: {  	v1 =	vimm.f32 $0.0e+00;
	v2 =	vimm.f32 $1.000000000e+00;
	v3 =	vimm.s32 $0x2710;
	s25 =	simm.s32 $0x2;
	s26 =	simm.s32 $0x5980;
	[dreg:$0xa] =	wrdreg s3  }
.LBB2_16:
0x16: {  	[tilespmem:$0x5AC0] =	vst v5  }
0x17: {  	[tilespmem:$0x59C0] =	vst v4  }
0x18: {  	v4 =	vld [tilespmem:s0+$0xFFFFFFD0]  }
0x19: {  	v5 =	vld [tilespmem:s0+$0x50];
	_ =	sdelay $0x3  }
0x1a: {  	v6 =	vand.u32 $0x3FFF, v4  }
0x1b: {  	v4 =	vshrl.u32 v4, $0xE;
	v59 =	vshrl.u32 v5, $0xE;
	v5 =	vand.u32 $0x3FFF, v5;
	[tilespmem:$0x5950] =	vst v6  }
0x1c: {  	v4 =	vand.u32 $0x3FFF, v4;
	[tilespmem:$0x59D0] =	vst v5  }
0x1d: {  	[tilespmem:$0x5A50] =	vst v4;
	v4 =	vand.u32 $0x3FFF, v59  }
0x1e: {  	[tilespmem:$0x5AD0] =	vst v4  }
0x1f: {  	v4 =	vld [tilespmem:s0+$0xFFFFFFE0]  }
0x20: {  	v5 =	vld [tilespmem:s0+$0x60];
	_ =	sdelay $0x3  }
0x21: {  	v60 =	vand.u32 $0x3FFF, v4  }
0x22: {  	v61 =	vand.u32 $0x3FFF, v5;
	v5 =	vshrl.u32 v5, $0xE;
	[tilespmem:$0x5960] =	vst v60  }
0x23: {  	v4 =	vshrl.u32 v4, $0xE;
	[tilespmem:$0x59E0] =	vst v61;
	v5 =	vand.u32 $0x3FFF, v5  }
0x24: {  	v4 =	vand.u32 $0x3FFF, v4;
	[tilespmem:$0x5AE0] =	vst v5  }
0x25: {  	[tilespmem:$0x5A60] =	vst v4  }
0x26: {  	v4 =	vld [tilespmem:s0+$0xFFFFFFF0]  }
0x27: {  	v5 =	vld [tilespmem:s0+$0x70];
	_ =	sdelay $0x3  }
0x28: {  	v62 =	vand.u32 $0x3FFF, v4  }
0x29: {  	v63 =	vand.u32 $0x3FFF, v5;
	v5 =	vshrl.u32 v5, $0xE;
	[tilespmem:$0x5970] =	vst v62  }
0x2a: {  	v4 =	vshrl.u32 v4, $0xE;
	[tilespmem:$0x59F0] =	vst v63;
	v5 =	vand.u32 $0x3FFF, v5  }
0x2b: {  	v4 =	vand.u32 $0x3FFF, v4;
	[tilespmem:$0x5AF0] =	vst v5  }
0x2c: {  	[tilespmem:$0x5A70] =	vst v4  }
0x2d: {  	[tilespmem:s20], [sflag:$0x1] =	stream.indirect.gather [hbm4b:s6+s18], $0x40, s19, s18, $0xb8;
	[tilespmem:$0x1ACE0] =	vst v63  }
0x2e: {  	_ = 	snop  }
0x2f: {  	[tilespmem:s22], [sflag:$0x2] =	stream.indirect.gather [hbm4b:s6+s18], $0x40, s21, s18, $0xb8;
	[tilespmem:$0x1ACE0] =	vst v63  }
0x30: {  	_ =	swait.ge [sflag:s16], $0x2000  }
0x31: {  	[sflag:s16] =	ssyncset.done $0x0  }
0x32: {  	[sflag:s16] =	ssyncadd.s32 $0xFFFFE000  }
0x33: {  	[spmem:s2] =	stream.indirect.scatter.add.f32 [tilespmem:s20], [sflag:$0x3], $0x40, s23, s18, $0xb8;
	[tilespmem:$0x1ACE0] =	vst v63  }
0x34: {  	_ =	swait.ge [sflag:s24], $0x2000  }
0x35: {  	[sflag:s24] =	ssyncset.done $0x0  }
0x36: {  	[sflag:s24] =	ssyncadd.s32 $0xFFFFE000  }
0x37: {  	_ =	swait.ge [sflag:s25], $0x2000  }
0x38: {  	[sflag:s25] =	ssyncset.done $0x0  }
0x39: {  	[sflag:s25] =	ssyncadd.s32 $0xFFFFE000  }
0x3a: {  	[spmem:s2] =	stream.indirect.scatter.add.f32 [tilespmem:s22], [sflag:$0x3], $0x40, s26, s18, $0xb8;
	[tilespmem:$0x1ACE0] =	vst v63  }
0x3b: {  	_ =	swait.ge [sflag:s24], $0x2000  }
0x3c: {  	[sflag:s24] =	ssyncset.done $0x0  }
0x3d: {  	[sflag:s24] =	ssyncadd.s32 $0xFFFFE000  }
.LBB2_17:
0x3e: {  	[bflag:$0x0] =	sbarrier.arrive $0xFFFF  }
0x3f: {  	s0 =	rddreg [dreg:$0xa]  }
0x40: {  	[hbm:s0], [sflag:s30] =	dma.local [spmem:s31], $0x1390  }
0x41: {  	_ =	swait.ge [sflag:s14], $0x1390  }
0x42: {  	s28 =	sadd.s32 $0x1, s28;
	s31 =	rddreg [dreg:$0xb]  }
0x43: {  	p0 =	sne.s32 s28, s31  }
.Ltmp1:
0x44: {  	_ = 	snop;
	(pc) =	sbr.rel @!p0 .LBB2_18-.Ltmp1, $3  }
0x45: {  	[sflag:s14] =	ssyncset.done $0x0  }
0x46: {  	[sflag:s14] =	ssyncadd.s32 $0xFFFFEC70  }
0x47: {  	[bflag:$0x0] =	sbarrier.arrive $0xFFFF;
	_ =	sdelay $0x1  }
.LBB2_1:
0x48: {  	s0 =	simm.s32 $0x100;
	s4 =	simm.s32 $0x0  }
.LBB2_2:
0x49: {  	p0 =	sne.s32 s0, $0x13800;
	[tilespmem:s4+$0x9B30] =	vst v1;
	s29 =	smov.u32 s0;
	s0 =	sadd.s32 $0x100, s0  }
.Ltmp2:
0x4a: {  	[tilespmem:s4+$0x9B20] =	vst v1;
	(pc) =	sbr.rel @p0 .LBB2_2-.Ltmp2, $3  }
0x4b: {  	[tilespmem:s4+$0x9B00] =	vst v1  }
0x4c: {  	[tilespmem:s4+$0x9B10] =	vst v1;
	_ =	sdelay $0x1  }
0x4d: {  	s4 =	sshra.s32 s29, $0x2  }
0x4e: {  	[tilespmem:s4+$0x9B30] =	vst v1  }
0x4f: {  	[tilespmem:s4+$0x9B20] =	vst v1  }
0x50: {  	[tilespmem:s4+$0x9B00] =	vst v1  }
0x51: {  	s0 =	simm.s32 $0x0;
	[tilespmem:s4+$0x9B10] =	vst v1;
	s4 =	simm.s32 $0x40;
	s29 =	simm.s32 $0x0  }
.LBB2_4:
0x52: {  	p0 =	sne.s32 s4, $0x9C40;
	[tilespmem:s29+$0xE940] =	vst v1;
	s29 =	smov.u32 s4;
	s4 =	sadd.s32 $0x40, s4  }
.Ltmp3:
0x53: {  	(pc) =	sbr.rel @p0 .LBB2_4-.Ltmp3, $2  }
0x54: {  	_ =	sdelay $0x2  }
0x55: {  	s29 =	sshra.s32 s29, $0x2  }
0x56: {  	[tilespmem:s29+$0xE940] =	vst v1;
	s29 =	simm.s32 $0x0  }
.LBB2_6:
0x57: {  	s4 =	sadd.s32 s7, s29  }
0x58: {  	s4 =	sshll.u32 s4, $0x8  }
0x59: {  	s30 =	simm.s32 $0x0;
	s4 =	sadd.s32 s1, s4  }
0x5a: {  	[tilespmem:s30], [sflag:$0x4] =	stream.linear.gather [hbm4b:s4+s30], $0x800, $0x38;
	[tilespmem:$0x1ACE0] =	vst v63  }
0x5b: {  	_ =	swait.ge [sflag:s14], $0x800  }
0x5c: {  	[sflag:s14] =	ssyncset.done $0x0  }
0x5d: {  	s13 =	simm.s32 $0x0;
	[sflag:s14] =	ssyncadd.s32 $0xFFFFF800  }
0x5e: {  	v4 =	vld [tilespmem:s13+$0x0];
	_ =	sdelay $0x4  }
0x5f: {  	v5 =	vshra.s32 v4, $0x1C  }
0x60: {  	v6 =	vand.u32 $0x3FFF, v4;
	vm0 =	veq.s32 v5, v0  }
0x61: {  	v5 =	vnsel vm0, $0x2710, v6;
	v6 =	vmpcnt.ones.xlane vm0;
	_ =	sdelay $0x1  }
0x62: {  	v6 =	vxor.u32 $0x80000000, v6  }
0x63: {  	(xrf0) =	vmax.scan.msk.u32 $0xffff, v6;
	_ =	sdelay $0x2  }
0x64: {  	[tilespmem:v5+s15+$0x0] =	vst.idx.add.f32.msk $0xffff, v2  }
0x65: {  	[tilespmem:s0+$0x800] =	vst.msk vm0, v4  }
0x66: {  	v4 =	vld [tilespmem:s13+$0x10]  }
0x67: {  	v5, _, _ =	vpop (xrf0)  }
0x68: {  	(v2sf) =	vpush v5, $0xF;
	_ =	sdelay $0x2  }
0x69: {  	v5 =	vshra.s32 v4, $0x1C  }
0x6a: {  	vm0 =	veq.s32 v5, v0  }
0x6b: {  	v5 =	vmpcnt.ones.xlane vm0;
	_ =	sdelay $0x1  }
0x6c: {  	v5 =	vxor.u32 $0x80000000, v5  }
0x6d: {  	(xrf0) =	vmax.scan.msk.u32 $0xffff, v5;
	_ =	sdelay $0x2  }
0x6e: {  	v5 =	vand.u32 $0x3FFF, v4  }
0x6f: {  	v5 =	vnsel vm0, $0x2710, v5;
	_ =	sdelay $0x1  }
0x70: {  	v6, _, _ =	vpop (xrf0)  }
0x71: {  	(v2sf) =	vpush v6, $0xF;
	s30 =	spop (v2sf)  }
0x72: {  	s17 =	sadd.s32 s30, s0  }
0x73: {  	[tilespmem:v5+s15+$0x0] =	vst.idx.add.f32.msk $0xffff, v2;
	s0 =	sadd.s32 $0x80000000, s17  }
0x74: {  	[tilespmem:s0+$0x800] =	vst.msk vm0, v4  }
0x75: {  	v4 =	vld [tilespmem:s13+$0x20];
	_ =	sdelay $0x4  }
0x76: {  	v5 =	vshra.s32 v4, $0x1C  }
0x77: {  	v6 =	vand.u32 $0x3FFF, v4;
	vm0 =	veq.s32 v5, v0  }
0x78: {  	v5 =	vnsel vm0, $0x2710, v6;
	v6 =	vmpcnt.ones.xlane vm0;
	_ =	sdelay $0x1  }
0x79: {  	v6 =	vxor.u32 $0x80000000, v6  }
0x7a: {  	(xrf0) =	vmax.scan.msk.u32 $0xffff, v6  }
0x7b: {  	s30 =	spop (v2sf)  }
0x7c: {  	s0 =	sadd.s32 s30, s0  }
0x7d: {  	s0 =	sadd.s32 $0x80000000, s0;
	[tilespmem:v5+s15+$0x0] =	vst.idx.add.f32.msk $0xffff, v2  }
0x7e: {  	[tilespmem:s0+$0x800] =	vst.msk vm0, v4  }
0x7f: {  	v4 =	vld [tilespmem:s13+$0x30]  }
0x80: {  	v5, _, _ =	vpop (xrf0)  }
0x81: {  	(v2sf) =	vpush v5, $0xF;
	_ =	sdelay $0x2  }
0x82: {  	v5 =	vshra.s32 v4, $0x1C  }
0x83: {  	vm0 =	veq.s32 v5, v0  }
0x84: {  	v5 =	vmpcnt.ones.xlane vm0;
	_ =	sdelay $0x1  }
0x85: {  	v5 =	vxor.u32 $0x80000000, v5  }
0x86: {  	(xrf0) =	vmax.scan.msk.u32 $0xffff, v5;
	_ =	sdelay $0x2  }
0x87: {  	v5 =	vand.u32 $0x3FFF, v4  }
0x88: {  	v5 =	vnsel vm0, $0x2710, v5;
	_ =	sdelay $0x1  }
0x89: {  	v6, _, _ =	vpop (xrf0)  }
0x8a: {  	(v2sf) =	vpush v6, $0xF;
	s30 =	spop (v2sf)  }
0x8b: {  	s0 =	sadd.s32 s30, s0  }
0x8c: {  	[tilespmem:v5+s15+$0x0] =	vst.idx.add.f32.msk $0xffff, v2;
	s0 =	sadd.s32 $0x80000000, s0  }
0x8d: {  	[tilespmem:s0+$0x800] =	vst.msk vm0, v4  }
0x8e: {  	v4 =	vld [tilespmem:s13+$0x40];
	_ =	sdelay $0x4  }
0x8f: {  	v5 =	vshra.s32 v4, $0x1C  }
0x90: {  	v6 =	vand.u32 $0x3FFF, v4;
	vm0 =	veq.s32 v5, v0  }
0x91: {  	v5 =	vnsel vm0, $0x2710, v6;
	v6 =	vmpcnt.ones.xlane vm0;
	_ =	sdelay $0x1  }
0x92: {  	v6 =	vxor.u32 $0x80000000, v6  }
0x93: {  	(xrf0) =	vmax.scan.msk.u32 $0xffff, v6  }
0x94: {  	s30 =	spop (v2sf)  }
0x95: {  	s0 =	sadd.s32 s30, s0  }
0x96: {  	s0 =	sadd.s32 $0x80000000, s0;
	[tilespmem:v5+s15+$0x0] =	vst.idx.add.f32.msk $0xffff, v2  }
0x97: {  	[tilespmem:s0+$0x800] =	vst.msk vm0, v4  }
0x98: {  	v4 =	vld [tilespmem:s13+$0x50]  }
0x99: {  	v5, _, _ =	vpop (xrf0)  }
0x9a: {  	(v2sf) =	vpush v5, $0xF;
	_ =	sdelay $0x2  }
0x9b: {  	v5 =	vshra.s32 v4, $0x1C  }
0x9c: {  	vm0 =	veq.s32 v5, v0  }
0x9d: {  	v5 =	vmpcnt.ones.xlane vm0;
	_ =	sdelay $0x1  }
0x9e: {  	v5 =	vxor.u32 $0x80000000, v5  }
0x9f: {  	(xrf0) =	vmax.scan.msk.u32 $0xffff, v5;
	_ =	sdelay $0x2  }
0xa0: {  	v5 =	vand.u32 $0x3FFF, v4  }
0xa1: {  	v5 =	vnsel vm0, $0x2710, v5;
	_ =	sdelay $0x1  }
0xa2: {  	v6, _, _ =	vpop (xrf0)  }
0xa3: {  	(v2sf) =	vpush v6, $0xF;
	s30 =	spop (v2sf)  }
0xa4: {  	s0 =	sadd.s32 s30, s0  }
0xa5: {  	[tilespmem:v5+s15+$0x0] =	vst.idx.add.f32.msk $0xffff, v2;
	s0 =	sadd.s32 $0x80000000, s0  }
0xa6: {  	[tilespmem:s0+$0x800] =	vst.msk vm0, v4  }
0xa7: {  	v4 =	vld [tilespmem:s13+$0x60];
	_ =	sdelay $0x4  }
0xa8: {  	v5 =	vshra.s32 v4, $0x1C  }
0xa9: {  	v6 =	vand.u32 $0x3FFF, v4;
	vm0 =	veq.s32 v5, v0  }
0xaa: {  	v5 =	vnsel vm0, $0x2710, v6;
	v6 =	vmpcnt.ones.xlane vm0;
	_ =	sdelay $0x1  }
0xab: {  	v6 =	vxor.u32 $0x80000000, v6  }
0xac: {  	(xrf0) =	vmax.scan.msk.u32 $0xffff, v6  }
0xad: {  	s30 =	spop (v2sf)  }
0xae: {  	s0 =	sadd.s32 s30, s0  }
0xaf: {  	s0 =	sadd.s32 $0x80000000, s0;
	[tilespmem:v5+s15+$0x0] =	vst.idx.add.f32.msk $0xffff, v2  }
0xb0: {  	[tilespmem:s0+$0x800] =	vst.msk vm0, v4  }
0xb1: {  	v4 =	vld [tilespmem:s13+$0x70]  }
0xb2: {  	v5, _, _ =	vpop (xrf0)  }
0xb3: {  	(v2sf) =	vpush v5, $0xF;
	_ =	sdelay $0x2  }
0xb4: {  	v5 =	vshra.s32 v4, $0x1C  }
0xb5: {  	vm0 =	veq.s32 v5, v0  }
0xb6: {  	v5 =	vmpcnt.ones.xlane vm0;
	_ =	sdelay $0x1  }
0xb7: {  	v5 =	vxor.u32 $0x80000000, v5  }
0xb8: {  	(xrf0) =	vmax.scan.msk.u32 $0xffff, v5;
	_ =	sdelay $0x2  }
0xb9: {  	v5 =	vand.u32 $0x3FFF, v4  }
0xba: {  	v5 =	vnsel vm0, $0x2710, v5;
	_ =	sdelay $0x1  }
0xbb: {  	v6, _, _ =	vpop (xrf0)  }
0xbc: {  	(v2sf) =	vpush v6, $0xF;
	s31 =	spop (v2sf)  }
0xbd: {  	s0 =	sadd.s32 s31, s0  }
0xbe: {  	[tilespmem:v5+s15+$0x0] =	vst.idx.add.f32.msk $0xffff, v2;
	s4 =	sadd.s32 $0x80000000, s0  }
0xbf: {  	s30 =	simm.s32 $0x80;
	[tilespmem:s4+$0x800] =	vst.msk vm0, v4  }
0xc0: {  	v4 =	vld [tilespmem:s30+$0x0];
	_ =	sdelay $0x4  }
0xc1: {  	v5 =	vshra.s32 v4, $0x1C  }
0xc2: {  	vm0 =	veq.s32 v5, v0  }
0xc3: {  	v5 =	vmpcnt.ones.xlane vm0  }
0xc4: {  	v6 =	vand.u32 $0x3FFF, v4  }
0xc5: {  	v7 =	vxor.u32 $0x80000000, v5;
	v5 =	vnsel vm0, $0x2710, v6;
	_ =	sdelay $0x1  }
0xc6: {  	s31 =	spop (v2sf)  }
0xc7: {  	s0 =	simm.s32 $0x400;
	(xrf0) =	vmax.scan.msk.u32 $0xffff, v7;
	s4 =	sadd.s32 s31, s4  }
.LBB2_7:
0xc8: {  	p0 =	sne.s32 s0, $0x1E00  }
0xc9: {  	[tilespmem:v5+s15+$0x0] =	vst.idx.add.f32.msk $0xffff, v2;
	s4 =	sadd.s32 $0x80000000, s4;
	s31 =	smov.u32 s0;
	s0 =	sadd.s32 $0x200, s0  }
0xca: {  	[tilespmem:s4+$0x800] =	vst.msk vm0, v4  }
0xcb: {  	v4 =	vld [tilespmem:s30+$0x10];
	_ =	sdelay $0x1  }
0xcc: {  	v5, _, _ =	vpop (xrf0)  }
0xcd: {  	(v2sf) =	vpush v5, $0xF;
	_ =	sdelay $0x1  }
0xce: {  	v5 =	vshra.s32 v4, $0x1C  }
0xcf: {  	v6 =	vand.u32 $0x3FFF, v4;
	vm0 =	veq.s32 v5, v0  }
0xd0: {  	v5 =	vnsel vm0, $0x2710, v6;
	v6 =	vmpcnt.ones.xlane vm0;
	_ =	sdelay $0x1  }
0xd1: {  	v6 =	vxor.u32 $0x80000000, v6  }
0xd2: {  	(xrf0) =	vmax.scan.msk.u32 $0xffff, v6;
	_ =	sdelay $0x5  }
0xd3: {  	v6, _, _ =	vpop (xrf0)  }
0xd4: {  	(v2sf) =	vpush v6, $0xF  }
0xd5: {  	s3 =	spop (v2sf)  }
0xd6: {  	s3 =	sadd.s32 s3, s4  }
0xd7: {  	s3 =	sadd.s32 $0x80000000, s3;
	[tilespmem:v5+s15+$0x0] =	vst.idx.add.f32.msk $0xffff, v2  }
0xd8: {  	[tilespmem:s3+$0x800] =	vst.msk vm0, v4  }
0xd9: {  	v4 =	vld [tilespmem:s30+$0x20];
	_ =	sdelay $0x4  }
0xda: {  	v5 =	vshra.s32 v4, $0x1C  }
0xdb: {  	v6 =	vand.u32 $0x3FFF, v4;
	vm0 =	veq.s32 v5, v0  }
0xdc: {  	v5 =	vnsel vm0, $0x2710, v6;
	v6 =	vmpcnt.ones.xlane vm0;
	_ =	sdelay $0x1  }
0xdd: {  	v6 =	vxor.u32 $0x80000000, v6  }
0xde: {  	s4 =	spop (v2sf);
	(xrf0) =	vmax.scan.msk.u32 $0xffff, v6  }
0xdf: {  	s3 =	sadd.s32 s4, s3  }
0xe0: {  	s3 =	sadd.s32 $0x80000000, s3;
	[tilespmem:v5+s15+$0x0] =	vst.idx.add.f32.msk $0xffff, v2  }
0xe1: {  	[tilespmem:s3+$0x800] =	vst.msk vm0, v4  }
0xe2: {  	v4 =	vld [tilespmem:s30+$0x30];
	_ =	sdelay $0x1  }
0xe3: {  	v5, _, _ =	vpop (xrf0)  }
0xe4: {  	(v2sf) =	vpush v5, $0xF;
	_ =	sdelay $0x1  }
0xe5: {  	v5 =	vshra.s32 v4, $0x1C  }
0xe6: {  	v6 =	vand.u32 $0x3FFF, v4;
	vm0 =	veq.s32 v5, v0  }
0xe7: {  	v5 =	vnsel vm0, $0x2710, v6;
	v6 =	vmpcnt.ones.xlane vm0;
	_ =	sdelay $0x1  }
0xe8: {  	v6 =	vxor.u32 $0x80000000, v6  }
0xe9: {  	(xrf0) =	vmax.scan.msk.u32 $0xffff, v6;
	_ =	sdelay $0x5  }
0xea: {  	v6, _, _ =	vpop (xrf0)  }
0xeb: {  	(v2sf) =	vpush v6, $0xF  }
0xec: {  	s4 =	spop (v2sf)  }
0xed: {  	s3 =	sadd.s32 s4, s3  }
0xee: {  	s3 =	sadd.s32 $0x80000000, s3;
	[tilespmem:v5+s15+$0x0] =	vst.idx.add.f32.msk $0xffff, v2  }
0xef: {  	[tilespmem:s3+$0x800] =	vst.msk vm0, v4  }
0xf0: {  	v4 =	vld [tilespmem:s30+$0x40];
	_ =	sdelay $0x4  }
0xf1: {  	v5 =	vshra.s32 v4, $0x1C  }
0xf2: {  	v6 =	vand.u32 $0x3FFF, v4;
	vm0 =	veq.s32 v5, v0  }
0xf3: {  	v5 =	vnsel vm0, $0x2710, v6;
	v6 =	vmpcnt.ones.xlane vm0;
	_ =	sdelay $0x1  }
0xf4: {  	v6 =	vxor.u32 $0x80000000, v6  }
0xf5: {  	s4 =	spop (v2sf);
	(xrf0) =	vmax.scan.msk.u32 $0xffff, v6  }
0xf6: {  	s3 =	sadd.s32 s4, s3  }
0xf7: {  	s3 =	sadd.s32 $0x80000000, s3;
	[tilespmem:v5+s15+$0x0] =	vst.idx.add.f32.msk $0xffff, v2  }
0xf8: {  	[tilespmem:s3+$0x800] =	vst.msk vm0, v4  }
0xf9: {  	v4 =	vld [tilespmem:s30+$0x50];
	_ =	sdelay $0x1  }
0xfa: {  	v5, _, _ =	vpop (xrf0)  }
0xfb: {  	(v2sf) =	vpush v5, $0xF;
	_ =	sdelay $0x1  }
0xfc: {  	v5 =	vshra.s32 v4, $0x1C  }
0xfd: {  	v6 =	vand.u32 $0x3FFF, v4;
	vm0 =	veq.s32 v5, v0  }
0xfe: {  	v5 =	vnsel vm0, $0x2710, v6;
	v6 =	vmpcnt.ones.xlane vm0;
	_ =	sdelay $0x1  }
0xff: {  	v6 =	vxor.u32 $0x80000000, v6  }
0x100: {  	(xrf0) =	vmax.scan.msk.u32 $0xffff, v6;
	_ =	sdelay $0x1  }
0x101: {  	[tilespmem:v5+s15+$0x0] =	vst.idx.add.f32.msk $0xffff, v2;
	_ =	sdelay $0x3  }
0x102: {  	v5, _, _ =	vpop (xrf0)  }
0x103: {  	(v2sf) =	vpush v5, $0xF  }
0x104: {  	s4 =	spop (v2sf)  }
0x105: {  	s3 =	sadd.s32 s4, s3  }
0x106: {  	s3 =	sadd.s32 $0x80000000, s3  }
0x107: {  	[tilespmem:s3+$0x800] =	vst.msk vm0, v4  }
0x108: {  	v4 =	vld [tilespmem:s30+$0x60];
	_ =	sdelay $0x4  }
0x109: {  	v5 =	vshra.s32 v4, $0x1C  }
0x10a: {  	v6 =	vand.u32 $0x3FFF, v4;
	vm0 =	veq.s32 v5, v0  }
0x10b: {  	v5 =	vnsel vm0, $0x2710, v6;
	v6 =	vmpcnt.ones.xlane vm0;
	_ =	sdelay $0x1  }
0x10c: {  	v6 =	vxor.u32 $0x80000000, v6  }
0x10d: {  	s4 =	spop (v2sf);
	(xrf0) =	vmax.scan.msk.u32 $0xffff, v6  }
0x10e: {  	s3 =	sadd.s32 s4, s3  }
0x10f: {  	s3 =	sadd.s32 $0x80000000, s3;
	[tilespmem:v5+s15+$0x0] =	vst.idx.add.f32.msk $0xffff, v2  }
0x110: {  	[tilespmem:s3+$0x800] =	vst.msk vm0, v4  }
0x111: {  	v4 =	vld [tilespmem:s30+$0x70];
	_ =	sdelay $0x1  }
0x112: {  	v5, _, _ =	vpop (xrf0)  }
0x113: {  	(v2sf) =	vpush v5, $0xF;
	_ =	sdelay $0x1  }
0x114: {  	v5 =	vshra.s32 v4, $0x1C  }
0x115: {  	v6 =	vand.u32 $0x3FFF, v4;
	vm0 =	veq.s32 v5, v0  }
0x116: {  	v5 =	vnsel vm0, $0x2710, v6;
	v6 =	vmpcnt.ones.xlane vm0;
	_ =	sdelay $0x1  }
0x117: {  	v6 =	vxor.u32 $0x80000000, v6  }
0x118: {  	(xrf0) =	vmax.scan.msk.u32 $0xffff, v6;
	_ =	sdelay $0x1  }
0x119: {  	[tilespmem:v5+s15+$0x0] =	vst.idx.add.f32.msk $0xffff, v2;
	_ =	sdelay $0x3  }
0x11a: {  	v5, _, _ =	vpop (xrf0)  }
0x11b: {  	(v2sf) =	vpush v5, $0xF  }
0x11c: {  	s4 =	spop (v2sf)  }
0x11d: {  	s3 =	sadd.s32 s4, s3  }
0x11e: {  	s3 =	sadd.s32 $0x80000000, s3  }
0x11f: {  	s30 =	sshra.s32 s31, $0x2;
	[tilespmem:s3+$0x800] =	vst.msk vm0, v4  }
0x120: {  	v4 =	vld [tilespmem:s30+$0x0];
	_ =	sdelay $0x4  }
0x121: {  	v5 =	vshra.s32 v4, $0x1C  }
0x122: {  	v6 =	vand.u32 $0x3FFF, v4;
	vm0 =	veq.s32 v5, v0  }
.Ltmp4:
0x123: {  	v5 =	vnsel vm0, $0x2710, v6;
	v6 =	vmpcnt.ones.xlane vm0;
	(pc) =	sbr.rel @p0 .LBB2_7-.Ltmp4, $4  }
0x124: {  	_ = 	snop  }
0x125: {  	v6 =	vxor.u32 $0x80000000, v6  }
0x126: {  	(xrf0) =	vmax.scan.msk.u32 $0xffff, v6;
	s4 =	spop (v2sf)  }
0x127: {  	s4 =	sadd.s32 s4, s3  }
0x128: {  	_ =	sdelay $0x3  }
0x129: {  	[tilespmem:v5+s15+$0x0] =	vst.idx.add.f32.msk $0xffff, v2;
	s0 =	sadd.s32 $0x80000000, s4  }
0x12a: {  	[tilespmem:s0+$0x800] =	vst.msk vm0, v4  }
0x12b: {  	v4 =	vld [tilespmem:s30+$0x10];
	_ =	sdelay $0x1  }
0x12c: {  	v5, _, _ =	vpop (xrf0)  }
0x12d: {  	(v2sf) =	vpush v5, $0xF;
	_ =	sdelay $0x1  }
0x12e: {  	v5 =	vshra.s32 v4, $0x1C  }
0x12f: {  	vm9 =	veq.s32 v5, v0  }
0x130: {  	v5 =	vmpcnt.ones.xlane vm9;
	_ =	sdelay $0x1  }
0x131: {  	v5 =	vxor.u32 $0x80000000, v5  }
0x132: {  	(xrf0) =	vmax.scan.msk.u32 $0xffff, v5;
	_ =	sdelay $0x3  }
0x133: {  	v5 =	vand.u32 $0x3FFF, v4  }
0x134: {  	v5 =	vnsel vm9, $0x2710, v5  }
0x135: {  	v6, _, _ =	vpop (xrf0)  }
0x136: {  	(v2sf) =	vpush v6, $0xF  }
0x137: {  	s3 =	spop (v2sf)  }
0x138: {  	s0 =	sadd.s32 s3, s0  }
0x139: {  	[tilespmem:v5+s15+$0x0] =	vst.idx.add.f32.msk $0xffff, v2;
	s0 =	sadd.s32 $0x80000000, s0  }
0x13a: {  	[tilespmem:s0+$0x800] =	vst.msk vm9, v4  }
0x13b: {  	v4 =	vld [tilespmem:s30+$0x20];
	_ =	sdelay $0x4  }
0x13c: {  	v5 =	vshra.s32 v4, $0x1C  }
0x13d: {  	v56 =	vand.u32 $0x3FFF, v4;
	vm10 =	veq.s32 v5, v0  }
0x13e: {  	v5 =	vnsel vm10, $0x2710, v56;
	v57 =	vmpcnt.ones.xlane vm10;
	_ =	sdelay $0x1  }
0x13f: {  	v6 =	vxor.u32 $0x80000000, v57  }
0x140: {  	s10 =	spop (v2sf);
	(xrf0) =	vmax.scan.msk.u32 $0xffff, v6  }
0x141: {  	s0 =	sadd.s32 s10, s0  }
0x142: {  	s0 =	sadd.s32 $0x80000000, s0;
	[tilespmem:v5+s15+$0x0] =	vst.idx.add.f32.msk $0xffff, v2  }
0x143: {  	[tilespmem:s0+$0x800] =	vst.msk vm10, v4  }
0x144: {  	v4 =	vld [tilespmem:s30+$0x30];
	_ =	sdelay $0x1  }
0x145: {  	v5, _, _ =	vpop (xrf0)  }
0x146: {  	(v2sf) =	vpush v5, $0xF;
	_ =	sdelay $0x1  }
0x147: {  	v5 =	vshra.s32 v4, $0x1C  }
0x148: {  	vm11 =	veq.s32 v5, v0  }
0x149: {  	v5 =	vmpcnt.ones.xlane vm11;
	_ =	sdelay $0x1  }
0x14a: {  	v5 =	vxor.u32 $0x80000000, v5  }
0x14b: {  	(xrf0) =	vmax.scan.msk.u32 $0xffff, v5;
	_ =	sdelay $0x3  }
0x14c: {  	v5 =	vand.u32 $0x3FFF, v4  }
0x14d: {  	v5 =	vnsel vm11, $0x2710, v5  }
0x14e: {  	v58, _, _ =	vpop (xrf0)  }
0x14f: {  	(v2sf) =	vpush v58, $0xF  }
0x150: {  	s11 =	spop (v2sf)  }
0x151: {  	s0 =	sadd.s32 s11, s0  }
0x152: {  	[tilespmem:v5+s15+$0x0] =	vst.idx.add.f32.msk $0xffff, v2;
	s0 =	sadd.s32 $0x80000000, s0  }
0x153: {  	[tilespmem:s0+$0x800] =	vst.msk vm11, v4  }
0x154: {  	v4 =	vld [tilespmem:s30+$0x40];
	_ =	sdelay $0x4  }
0x155: {  	v5 =	vshra.s32 v4, $0x1C  }
0x156: {  	v59 =	vand.u32 $0x3FFF, v4;
	vm12 =	veq.s32 v5, v0  }
0x157: {  	v5 =	vnsel vm12, $0x2710, v59;
	v60 =	vmpcnt.ones.xlane vm12;
	_ =	sdelay $0x1  }
0x158: {  	v6 =	vxor.u32 $0x80000000, v60  }
0x159: {  	s12 =	spop (v2sf);
	(xrf0) =	vmax.scan.msk.u32 $0xffff, v6  }
0x15a: {  	s0 =	sadd.s32 s12, s0  }
0x15b: {  	s0 =	sadd.s32 $0x80000000, s0;
	[tilespmem:v5+s15+$0x0] =	vst.idx.add.f32.msk $0xffff, v2  }
0x15c: {  	[tilespmem:s0+$0x800] =	vst.msk vm12, v4  }
0x15d: {  	v4 =	vld [tilespmem:s30+$0x50];
	_ =	sdelay $0x1  }
0x15e: {  	v5, _, _ =	vpop (xrf0)  }
0x15f: {  	(v2sf) =	vpush v5, $0xF;
	_ =	sdelay $0x1  }
0x160: {  	v5 =	vshra.s32 v4, $0x1C  }
0x161: {  	vm13 =	veq.s32 v5, v0  }
0x162: {  	v5 =	vmpcnt.ones.xlane vm13;
	_ =	sdelay $0x1  }
0x163: {  	v5 =	vxor.u32 $0x80000000, v5  }
0x164: {  	(xrf0) =	vmax.scan.msk.u32 $0xffff, v5;
	_ =	sdelay $0x3  }
0x165: {  	v5 =	vand.u32 $0x3FFF, v4  }
0x166: {  	v5 =	vnsel vm13, $0x2710, v5  }
0x167: {  	v61, _, _ =	vpop (xrf0)  }
0x168: {  	(v2sf) =	vpush v61, $0xF  }
0x169: {  	s13 =	spop (v2sf)  }
0x16a: {  	s0 =	sadd.s32 s13, s0  }
0x16b: {  	[tilespmem:v5+s15+$0x0] =	vst.idx.add.f32.msk $0xffff, v2;
	s0 =	sadd.s32 $0x80000000, s0  }
0x16c: {  	[tilespmem:s0+$0x800] =	vst.msk vm13, v4  }
0x16d: {  	v4 =	vld [tilespmem:s30+$0x60];
	_ =	sdelay $0x4  }
0x16e: {  	v5 =	vshra.s32 v4, $0x1C  }
0x16f: {  	v62 =	vand.u32 $0x3FFF, v4;
	vm14 =	veq.s32 v5, v0  }
0x170: {  	v5 =	vnsel vm14, $0x2710, v62;
	_ =	sdelay $0x2  }
0x171: {  	s17 =	spop (v2sf)  }
0x172: {  	s0 =	sadd.s32 s17, s0  }
0x173: {  	s0 =	sadd.s32 $0x80000000, s0;
	[tilespmem:v5+s15+$0x0] =	vst.idx.add.f32.msk $0xffff, v2  }
0x174: {  	[tilespmem:s0+$0x800] =	vst.msk vm14, v4  }
0x175: {  	v4 =	vld [tilespmem:s30+$0x70];
	_ =	sdelay $0x4  }
0x176: {  	v5 =	vmpcnt.ones.xlane vm14;
	v63 =	vshra.s32 v4, $0x1C  }
0x177: {  	vm15 =	veq.s32 v63, v0  }
0x178: {  	v5 =	vxor.u32 $0x80000000, v5;
	v6 =	vmpcnt.ones.xlane vm15  }
0x179: {  	(xrf0) =	vmax.scan.msk.u32 $0xffff, v5  }
0x17a: {  	v5 =	vxor.u32 $0x80000000, v6  }
0x17b: {  	(xrf0) =	vmax.scan.msk.u32 $0xffff, v5;
	_ =	sdelay $0x3  }
0x17c: {  	v5, _, _ =	vpop (xrf0)  }
0x17d: {  	(v2sf) =	vpush v5, $0xF  }
0x17e: {  	v5, _, _ =	vpop (xrf0)  }
0x17f: {  	(v2sf) =	vpush v5, $0xF;
	_ =	sdelay $0x9  }
0x180: {  	v5 =	vand.u32 $0x3FFF, v4  }
0x181: {  	s29 =	sadd.s32 $0x1, s29;
	v5 =	vnsel vm15, $0x2710, v5  }
0x182: {  	p0 =	sne.s32 s29, $0xA  }
.Ltmp5:
0x183: {  	s30 =	spop (v2sf);
	(pc) =	sbr.rel @p0 .LBB2_6-.Ltmp5, $4  }
0x184: {  	s0 =	sadd.s32 s30, s0  }
0x185: {  	s0 =	sadd.s32 $0x80000000, s0;
	s31 =	spop (v2sf)  }
0x186: {  	[tilespmem:v5+s15+$0x0] =	vst.idx.add.f32.msk $0xffff, v2;
	s3 =	sadd.s32 s31, s0  }
0x187: {  	[tilespmem:s0+$0x800] =	vst.msk vm15, v4;
	s0 =	sadd.s32 $0x80000000, s3  }
0x188: {  	s3 =	sand.u32 $0xFF, s0  }
0x189: {  	p0 =	seq.s32 s3, $0x0;
	s3 =	simm.s32 $0x0  }
0x18a: {  	s3 =	simm.s32 @!p0 $0x10  }
0x18b: {  	s3 =	sadd.s32 s0, s3  }
0x18c: {  	s4 =	sand.u32 $0xFF, s3  }
0x18d: {  	p0 =	seq.s32 s4, $0x0;
	s4 =	simm.s32 $0x0  }
0x18e: {  	s4 =	simm.s32 @!p0 $0x10  }
0x18f: {  	s4 =	sadd.s32 s3, s4  }
0x190: {  	s29 =	sand.u32 $0xFF, s4  }
0x191: {  	p0 =	seq.s32 s29, $0x0;
	s29 =	simm.s32 $0x0  }
0x192: {  	s29 =	simm.s32 @!p0 $0x10  }
0x193: {  	s29 =	sadd.s32 s4, s29  }
0x194: {  	s30 =	sand.u32 $0xFF, s29  }
0x195: {  	p0 =	seq.s32 s30, $0x0;
	s30 =	simm.s32 $0x0  }
0x196: {  	s30 =	simm.s32 @!p0 $0x10  }
0x197: {  	s30 =	sadd.s32 s29, s30  }
0x198: {  	s31 =	sand.u32 $0xFF, s30  }
0x199: {  	p0 =	seq.s32 s31, $0x0;
	s31 =	simm.s32 $0x0  }
0x19a: {  	s31 =	simm.s32 @!p0 $0x10  }
0x19b: {  	s31 =	sadd.s32 s30, s31  }
0x19c: {  	s8 =	sand.u32 $0xFF, s31  }
0x19d: {  	p0 =	seq.s32 s8, $0x0;
	s8 =	simm.s32 $0x0  }
0x19e: {  	s8 =	simm.s32 @!p0 $0x10  }
0x19f: {  	s8 =	sadd.s32 s31, s8  }
0x1a0: {  	s12 =	sand.u32 $0xFF, s8  }
0x1a1: {  	p0 =	seq.s32 s12, $0x0;
	s12 =	simm.s32 $0x0  }
0x1a2: {  	s12 =	simm.s32 @!p0 $0x10  }
0x1a3: {  	s12 =	sadd.s32 s8, s12  }
0x1a4: {  	s13 =	sand.u32 $0xFF, s12  }
0x1a5: {  	p0 =	seq.s32 s13, $0x0;
	s13 =	simm.s32 $0x0  }
0x1a6: {  	s13 =	simm.s32 @!p0 $0x10  }
0x1a7: {  	s13 =	sadd.s32 s12, s13  }
0x1a8: {  	s9 =	sand.u32 $0xFF, s13  }
0x1a9: {  	p0 =	seq.s32 s9, $0x0;
	s9 =	simm.s32 $0x0  }
0x1aa: {  	s9 =	simm.s32 @!p0 $0x10  }
0x1ab: {  	s9 =	sadd.s32 s13, s9  }
0x1ac: {  	s17 =	sand.u32 $0xFF, s9  }
0x1ad: {  	p0 =	seq.s32 s17, $0x0;
	s17 =	simm.s32 $0x0  }
0x1ae: {  	s17 =	simm.s32 @!p0 $0x10  }
0x1af: {  	s17 =	sadd.s32 s9, s17  }
0x1b0: {  	s11 =	sand.u32 $0xFF, s17  }
0x1b1: {  	p0 =	seq.s32 s11, $0x0;
	s11 =	simm.s32 $0x0  }
0x1b2: {  	s11 =	simm.s32 @!p0 $0x10  }
0x1b3: {  	s11 =	sadd.s32 s17, s11  }
0x1b4: {  	s10 =	sand.u32 $0xFF, s11  }
0x1b5: {  	p0 =	seq.s32 s10, $0x0;
	s10 =	simm.s32 $0x0  }
0x1b6: {  	[tilespmem:s0+$0x800] =	vst v3;
	s10 =	simm.s32 @!p0 $0x10  }
0x1b7: {  	[tilespmem:s3+$0x800] =	vst v3;
	s0 =	sadd.s32 s11, s10  }
0x1b8: {  	[tilespmem:s4+$0x800] =	vst v3;
	s10 =	sand.u32 $0xFF, s0  }
0x1b9: {  	s3 =	simm.s32 $0x0;
	[tilespmem:s29+$0x800] =	vst v3;
	p0 =	seq.s32 s10, $0x0  }
0x1ba: {  	[tilespmem:s30+$0x800] =	vst v3;
	s3 =	simm.s32 @!p0 $0x10  }
0x1bb: {  	[tilespmem:s31+$0x800] =	vst v3;
	s3 =	sadd.s32 s0, s3  }
0x1bc: {  	[tilespmem:s8+$0x800] =	vst v3;
	s31 =	sand.u32 $0xFF, s3  }
0x1bd: {  	s4 =	simm.s32 $0x0;
	[tilespmem:s12+$0x800] =	vst v3;
	p0 =	seq.s32 s31, $0x0  }
0x1be: {  	[tilespmem:s13+$0x800] =	vst v3;
	s4 =	simm.s32 @!p0 $0x10  }
0x1bf: {  	[tilespmem:s9+$0x800] =	vst v3;
	s4 =	sadd.s32 s3, s4  }
0x1c0: {  	[tilespmem:s17+$0x800] =	vst v3;
	s10 =	sand.u32 $0xFF, s4  }
0x1c1: {  	s8 =	simm.s32 $0x0;
	[tilespmem:s11+$0x800] =	vst v3;
	p0 =	seq.s32 s10, $0x0  }
0x1c2: {  	[tilespmem:s0+$0x800] =	vst v3;
	s8 =	simm.s32 @!p0 $0x10  }
0x1c3: {  	[tilespmem:s3+$0x800] =	vst v3;
	s11 =	sadd.s32 s4, s8  }
0x1c4: {  	s13 =	simm.s32 $0x0;
	[tilespmem:s4+$0x800] =	vst v3;
	s12 =	sand.u32 $0xFF, s11  }
0x1c5: {  	s17 =	rddreg [dreg:$0x6];
	s3 =	simm.s32 $0x0;
	[tilespmem:s11+$0x800] =	vst v3;
	p0 =	seq.s32 s12, $0x0  }
0x1c6: {  	[hbm4b:s17+s13] =	stream.linear.scatter [tilespmem:s15], [sflag:$0x4], $0x2720, $0x38;
	[tilespmem:$0x1ACE0] =	vst v63  }
0x1c7: {  	s3 =	simm.s32 @!p0 $0x10  }
0x1c8: {  	s4 =	simm.s32 $0x9B00;
	_ =	swait.ge [sflag:s14], $0x2720;
	s0 =	sadd.s32 s11, s3  }
0x1c9: {  	[sflag:s14] =	ssyncset.done $0x0;
	s8 =	rddreg [dreg:$0x8];
	s3 =	sand.u32 $0xFF, s0  }
0x1ca: {  	s31 =	sshra.s32 s0, $0x1F;
	[sflag:s14] =	ssyncadd.s32 $0xFFFFD8E0;
	p1 =	slt.s32 s0, $0x1  }
0x1cb: {  	[spmem:s8] =	stream.linear.scatter [tilespmem:s4], [sflag:$0x4], $0x4E40, $0x38;
	[tilespmem:$0x1ACE0] =	vst v63  }
0x1cc: {  	p6 =	sne.s32 s3, $0x0;
	s3 =	sshrl.u32 s31, $0x18;
	_ =	swait.ge [sflag:s14], $0x4E40  }
0x1cd: {  	s0 =	sadd.s32 s3, s0;
	p0 =	por !p1, !p6;
	s3 =	simm.s32 $0x1  }
0x1ce: {  	[sflag:s14] =	ssyncset.done $0x0;
	p0 =	por !p0, !p0;
	s9 =	rddreg [dreg:$0x9]  }
0x1cf: {  	s0 =	sshra.s32 s0, $0x8;
	[sflag:s14] =	ssyncadd.s32 $0xFFFFB1C0;
	s3 =	simm.s32 @!p0 $0x0  }
0x1d0: {  	[spmem:s9] =	stream.linear.scatter [tilespmem:s4], [sflag:$0x4], $0x4E40, $0x38;
	[tilespmem:$0x1ACE0] =	vst v63  }
0x1d1: {  	s29 =	ssub.s32 s0, s3  }
0x1d2: {  	p0 =	slt.s32 s29, $0x1  }
.Ltmp6:
0x1d3: {  	_ =	swait.ge [sflag:s14], $0x4E40;
	(pc) =	sbr.rel @p0 .LBB2_13-.Ltmp6, $4  }
0x1d4: {  	[sflag:s14] =	ssyncset.done $0x0  }
0x1d5: {  	[sflag:s14] =	ssyncadd.s32 $0xFFFFB1C0  }
0x1d6: {  	[bflag:$0x0] =	sbarrier.arrive $0xFFFF  }
0x1d7: {  	s30 =	simm.s32 $0x880  }
0x1d8: {  	v4 =	vld [tilespmem:s30+$0x0]  }
0x1d9: {  	v5 =	vld [tilespmem:s30+$0xFFFFFF80];
	_ =	sdelay $0x3  }
0x1da: {  	v6 =	vand.u32 $0x3FFF, v4  }
0x1db: {  	v7 =	vand.u32 $0x3FFF, v5;
	v5 =	vshrl.u32 v5, $0xE;
	[tilespmem:$0x5980] =	vst v6  }
0x1dc: {  	v4 =	vshrl.u32 v4, $0xE;
	[tilespmem:$0x5900] =	vst v7;
	v5 =	vand.u32 $0x3FFF, v5  }
0x1dd: {  	v4 =	vand.u32 $0x3FFF, v4;
	[tilespmem:$0x5A00] =	vst v5  }
0x1de: {  	[tilespmem:$0x5A80] =	vst v4  }
0x1df: {  	v4 =	vld [tilespmem:s30+$0x10]  }
0x1e0: {  	v5 =	vld [tilespmem:s30+$0xFFFFFF90];
	_ =	sdelay $0x3  }
0x1e1: {  	v6 =	vand.u32 $0x3FFF, v4  }
0x1e2: {  	v7 =	vand.u32 $0x3FFF, v5;
	v5 =	vshrl.u32 v5, $0xE;
	[tilespmem:$0x5990] =	vst v6  }
0x1e3: {  	v4 =	vshrl.u32 v4, $0xE;
	[tilespmem:$0x5910] =	vst v7;
	v5 =	vand.u32 $0x3FFF, v5  }
0x1e4: {  	v4 =	vand.u32 $0x3FFF, v4;
	[tilespmem:$0x5A10] =	vst v5  }
0x1e5: {  	[tilespmem:$0x5A90] =	vst v4  }
0x1e6: {  	v4 =	vld [tilespmem:s30+$0x20]  }
0x1e7: {  	v5 =	vld [tilespmem:s30+$0xFFFFFFA0];
	_ =	sdelay $0x3  }
0x1e8: {  	v6 =	vand.u32 $0x3FFF, v4  }
0x1e9: {  	v7 =	vand.u32 $0x3FFF, v5;
	v5 =	vshrl.u32 v5, $0xE;
	[tilespmem:$0x59A0] =	vst v6  }
0x1ea: {  	v4 =	vshrl.u32 v4, $0xE;
	[tilespmem:$0x5920] =	vst v7;
	v5 =	vand.u32 $0x3FFF, v5  }
0x1eb: {  	v4 =	vand.u32 $0x3FFF, v4;
	[tilespmem:$0x5A20] =	vst v5  }
0x1ec: {  	[tilespmem:$0x5AA0] =	vst v4  }
0x1ed: {  	v4 =	vld [tilespmem:s30+$0xFFFFFFB0];
	_ =	sdelay $0x1  }
0x1ee: {  	v5 =	vld [tilespmem:s30+$0x30];
	_ =	sdelay $0x2  }
0x1ef: {  	v6 =	vand.u32 $0x3FFF, v4;
	v4 =	vshrl.u32 v4, $0xE  }
0x1f0: {  	[tilespmem:$0x5930] =	vst v6;
	v4 =	vand.u32 $0x3FFF, v4  }
0x1f1: {  	v6 =	vshrl.u32 v5, $0xE;
	v5 =	vand.u32 $0x3FFF, v5;
	[tilespmem:$0x5A30] =	vst v4  }
0x1f2: {  	v4 =	vand.u32 $0x3FFF, v6;
	[tilespmem:$0x59B0] =	vst v5  }
0x1f3: {  	[tilespmem:$0x5AB0] =	vst v4  }
0x1f4: {  	v4 =	vld [tilespmem:s30+$0xFFFFFFC0]  }
0x1f5: {  	v5 =	vld [tilespmem:s30+$0x40]  }
0x1f6: {  	p1 =	sne.s32 s29, $0x1  }
.Ltmp7:
0x1f7: {  	_ = 	snop;
	(pc) =	sbr.rel @!p1 .LBB2_12-.Ltmp7, $4  }
0x1f8: {  	_ = 	snop  }
0x1f9: {  	v6 =	vand.u32 $0x3FFF, v4;
	v4 =	vshrl.u32 v4, $0xE  }
0x1fa: {  	v7 =	vshrl.u32 v5, $0xE;
	[tilespmem:$0x5940] =	vst v6;
	v6 =	vand.u32 $0x3FFF, v4  }
0x1fb: {  	s0 =	sadd.s32 $0xFFFFFFFF, s29;
	s31 =	simm.s32 $0x880;
	v4 =	vand.u32 $0x3FFF, v5;
	v5 =	vand.u32 $0x3FFF, v7;
	[tilespmem:$0x5A40] =	vst v6  }
.LBB2_11:
0x1fc: {  	p1 =	sne.s32 s0, $0x1;
	s0 =	sadd.s32 $0xFFFFFFFF, s0;
	[tilespmem:$0x5AC0] =	vst v5;
	s31 =	sadd.s32 $0x100, s31  }
0x1fd: {  	[tilespmem:$0x59C0] =	vst v4  }
0x1fe: {  	v4 =	vld [tilespmem:s30+$0xFFFFFFD0]  }
0x1ff: {  	v5 =	vld [tilespmem:s30+$0x50];
	_ =	sdelay $0x3  }
0x200: {  	v6 =	vand.u32 $0x3FFF, v4;
	v4 =	vshrl.u32 v4, $0xE  }
0x201: {  	[tilespmem:$0x5950] =	vst v6;
	v6 =	vand.u32 $0x3FFF, v5;
	v4 =	vand.u32 $0x3FFF, v4;
	v5 =	vshrl.u32 v5, $0xE  }
0x202: {  	[tilespmem:$0x5A50] =	vst v4;
	v4 =	vand.u32 $0x3FFF, v5  }
0x203: {  	[tilespmem:$0x5AD0] =	vst v4  }
0x204: {  	[tilespmem:$0x59D0] =	vst v6  }
0x205: {  	v4 =	vld [tilespmem:s30+$0xFFFFFFE0]  }
0x206: {  	v5 =	vld [tilespmem:s30+$0x60];
	_ =	sdelay $0x3  }
0x207: {  	v6 =	vand.u32 $0x3FFF, v4;
	v4 =	vshrl.u32 v4, $0xE  }
0x208: {  	[tilespmem:$0x5960] =	vst v6;
	v6 =	vand.u32 $0x3FFF, v5;
	v4 =	vand.u32 $0x3FFF, v4;
	v5 =	vshrl.u32 v5, $0xE  }
0x209: {  	[tilespmem:$0x59E0] =	vst v6;
	v5 =	vand.u32 $0x3FFF, v5  }
0x20a: {  	[tilespmem:$0x5AE0] =	vst v5  }
0x20b: {  	[tilespmem:$0x5A60] =	vst v4  }
0x20c: {  	v4 =	vld [tilespmem:s30+$0xFFFFFFF0]  }
0x20d: {  	v5 =	vld [tilespmem:s30+$0x70];
	s30 =	smov.u32 s31;
	_ =	sdelay $0x3  }
0x20e: {  	v6 =	vand.u32 $0x3FFF, v4;
	v4 =	vshrl.u32 v4, $0xE  }
0x20f: {  	[tilespmem:$0x5970] =	vst v6;
	v6 =	vand.u32 $0x3FFF, v5;
	v4 =	vand.u32 $0x3FFF, v4;
	v5 =	vshrl.u32 v5, $0xE  }
0x210: {  	[tilespmem:$0x59F0] =	vst v6;
	v5 =	vand.u32 $0x3FFF, v5  }
0x211: {  	[tilespmem:$0x5AF0] =	vst v5  }
0x212: {  	[tilespmem:$0x5A70] =	vst v4  }
0x213: {  	[tilespmem:s20], [sflag:$0x1] =	stream.indirect.gather [hbm4b:s5+s18], $0x40, s19, s18, $0xb8;
	[tilespmem:$0x1ACE0] =	vst v63  }
0x214: {  	_ = 	snop  }
0x215: {  	[tilespmem:s22], [sflag:$0x2] =	stream.indirect.gather [hbm4b:s5+s18], $0x40, s21, s18, $0xb8;
	[tilespmem:$0x1ACE0] =	vst v63  }
0x216: {  	_ =	swait.ge [sflag:s16], $0x2000  }
0x217: {  	[sflag:s16] =	ssyncset.done $0x0  }
0x218: {  	[sflag:s16] =	ssyncadd.s32 $0xFFFFE000  }
0x219: {  	[spmem:s2] =	stream.indirect.scatter.add.f32 [tilespmem:s20], [sflag:$0x3], $0x40, s23, s18, $0xb8;
	[tilespmem:$0x1ACE0] =	vst v63  }
0x21a: {  	_ =	swait.ge [sflag:s24], $0x2000  }
0x21b: {  	[sflag:s24] =	ssyncset.done $0x0  }
0x21c: {  	[sflag:s24] =	ssyncadd.s32 $0xFFFFE000  }
0x21d: {  	_ =	swait.ge [sflag:s25], $0x2000  }
0x21e: {  	[sflag:s25] =	ssyncset.done $0x0  }
0x21f: {  	[sflag:s25] =	ssyncadd.s32 $0xFFFFE000  }
0x220: {  	[spmem:s2] =	stream.indirect.scatter.add.f32 [tilespmem:s22], [sflag:$0x3], $0x40, s26, s18, $0xb8;
	[tilespmem:$0x1ACE0] =	vst v63  }
0x221: {  	_ =	swait.ge [sflag:s24], $0x2000  }
0x222: {  	[sflag:s24] =	ssyncset.done $0x0  }
0x223: {  	[sflag:s24] =	ssyncadd.s32 $0xFFFFE000  }
0x224: {  	v4 =	vld [tilespmem:s31+$0x0]  }
0x225: {  	v5 =	vld [tilespmem:s31+$0xFFFFFF80];
	_ =	sdelay $0x3  }
0x226: {  	v6 =	vand.u32 $0x3FFF, v4;
	v4 =	vshrl.u32 v4, $0xE  }
0x227: {  	v7 =	vand.u32 $0x3FFF, v5;
	[tilespmem:$0x5980] =	vst v6;
	v5 =	vshrl.u32 v5, $0xE;
	v4 =	vand.u32 $0x3FFF, v4  }
0x228: {  	[tilespmem:$0x5900] =	vst v7;
	v5 =	vand.u32 $0x3FFF, v5  }
0x229: {  	[tilespmem:$0x5A00] =	vst v5  }
0x22a: {  	[tilespmem:$0x5A80] =	vst v4  }
0x22b: {  	v4 =	vld [tilespmem:s31+$0x10]  }
0x22c: {  	v5 =	vld [tilespmem:s31+$0xFFFFFF90];
	_ =	sdelay $0x3  }
0x22d: {  	v6 =	vand.u32 $0x3FFF, v4;
	v4 =	vshrl.u32 v4, $0xE  }
0x22e: {  	v7 =	vand.u32 $0x3FFF, v5;
	[tilespmem:$0x5990] =	vst v6;
	v5 =	vshrl.u32 v5, $0xE;
	v4 =	vand.u32 $0x3FFF, v4  }
0x22f: {  	[tilespmem:$0x5910] =	vst v7;
	v5 =	vand.u32 $0x3FFF, v5  }
0x230: {  	[tilespmem:$0x5A10] =	vst v5  }
0x231: {  	[tilespmem:$0x5A90] =	vst v4  }
0x232: {  	v4 =	vld [tilespmem:s31+$0x20]  }
0x233: {  	v5 =	vld [tilespmem:s31+$0xFFFFFFA0];
	_ =	sdelay $0x3  }
0x234: {  	v6 =	vand.u32 $0x3FFF, v4;
	v4 =	vshrl.u32 v4, $0xE  }
0x235: {  	v7 =	vand.u32 $0x3FFF, v5;
	[tilespmem:$0x59A0] =	vst v6;
	v5 =	vshrl.u32 v5, $0xE;
	v4 =	vand.u32 $0x3FFF, v4  }
0x236: {  	[tilespmem:$0x5920] =	vst v7;
	v5 =	vand.u32 $0x3FFF, v5  }
0x237: {  	[tilespmem:$0x5A20] =	vst v5  }
0x238: {  	[tilespmem:$0x5AA0] =	vst v4  }
0x239: {  	v4 =	vld [tilespmem:s31+$0xFFFFFFB0]  }
0x23a: {  	v5 =	vld [tilespmem:s31+$0x30];
	_ =	sdelay $0x3  }
0x23b: {  	v6 =	vand.u32 $0x3FFF, v4;
	v4 =	vshrl.u32 v4, $0xE  }
0x23c: {  	[tilespmem:$0x5930] =	vst v6;
	v6 =	vand.u32 $0x3FFF, v5;
	v4 =	vand.u32 $0x3FFF, v4;
	v5 =	vshrl.u32 v5, $0xE  }
0x23d: {  	[tilespmem:$0x5A30] =	vst v4;
	v4 =	vand.u32 $0x3FFF, v5  }
0x23e: {  	[tilespmem:$0x5AB0] =	vst v4  }
0x23f: {  	[tilespmem:$0x59B0] =	vst v6  }
0x240: {  	v4 =	vld [tilespmem:s31+$0xFFFFFFC0]  }
0x241: {  	v5 =	vld [tilespmem:s31+$0x40];
	_ =	sdelay $0x1  }
.Ltmp8:
0x242: {  	(pc) =	sbr.rel @p1 .LBB2_11-.Ltmp8, $4  }
0x243: {  	_ = 	snop  }
0x244: {  	v6 =	vand.u32 $0x3FFF, v4;
	v7 =	vshrl.u32 v4, $0xE  }
0x245: {  	[tilespmem:$0x5940] =	vst v6;
	v4 =	vand.u32 $0x3FFF, v5;
	v6 =	vand.u32 $0x3FFF, v7;
	v5 =	vshrl.u32 v5, $0xE  }
0x246: {  	[tilespmem:$0x5A40] =	vst v6;
	v5 =	vand.u32 $0x3FFF, v5  }
.LBB2_12:
0x247: {  	[tilespmem:$0x5AC0] =	vst v5  }
0x248: {  	[tilespmem:$0x59C0] =	vst v4  }
0x249: {  	v4 =	vld [tilespmem:s30+$0xFFFFFFD0]  }
0x24a: {  	v5 =	vld [tilespmem:s30+$0x50];
	_ =	sdelay $0x3  }
0x24b: {  	v6 =	vand.u32 $0x3FFF, v4  }
0x24c: {  	v4 =	vshrl.u32 v4, $0xE;
	v59 =	vshrl.u32 v5, $0xE;
	v5 =	vand.u32 $0x3FFF, v5;
	[tilespmem:$0x5950] =	vst v6  }
0x24d: {  	v4 =	vand.u32 $0x3FFF, v4;
	[tilespmem:$0x59D0] =	vst v5  }
0x24e: {  	[tilespmem:$0x5A50] =	vst v4;
	v4 =	vand.u32 $0x3FFF, v59  }
0x24f: {  	[tilespmem:$0x5AD0] =	vst v4  }
0x250: {  	v4 =	vld [tilespmem:s30+$0xFFFFFFE0]  }
0x251: {  	v5 =	vld [tilespmem:s30+$0x60];
	_ =	sdelay $0x3  }
0x252: {  	v60 =	vand.u32 $0x3FFF, v4  }
0x253: {  	v61 =	vand.u32 $0x3FFF, v5;
	v5 =	vshrl.u32 v5, $0xE;
	[tilespmem:$0x5960] =	vst v60  }
0x254: {  	v4 =	vshrl.u32 v4, $0xE;
	[tilespmem:$0x59E0] =	vst v61;
	v5 =	vand.u32 $0x3FFF, v5  }
0x255: {  	v4 =	vand.u32 $0x3FFF, v4;
	[tilespmem:$0x5AE0] =	vst v5  }
0x256: {  	[tilespmem:$0x5A60] =	vst v4  }
0x257: {  	v4 =	vld [tilespmem:s30+$0xFFFFFFF0]  }
0x258: {  	v5 =	vld [tilespmem:s30+$0x70];
	_ =	sdelay $0x3  }
0x259: {  	v62 =	vand.u32 $0x3FFF, v4  }
0x25a: {  	v63 =	vand.u32 $0x3FFF, v5;
	v5 =	vshrl.u32 v5, $0xE;
	[tilespmem:$0x5970] =	vst v62  }
0x25b: {  	v4 =	vshrl.u32 v4, $0xE;
	[tilespmem:$0x59F0] =	vst v63;
	v5 =	vand.u32 $0x3FFF, v5  }
0x25c: {  	v4 =	vand.u32 $0x3FFF, v4;
	[tilespmem:$0x5AF0] =	vst v5  }
0x25d: {  	[tilespmem:$0x5A70] =	vst v4  }
0x25e: {  	[tilespmem:s20], [sflag:$0x1] =	stream.indirect.gather [hbm4b:s5+s18], $0x40, s19, s18, $0xb8;
	[tilespmem:$0x1ACE0] =	vst v63  }
0x25f: {  	_ = 	snop  }
0x260: {  	[tilespmem:s22], [sflag:$0x2] =	stream.indirect.gather [hbm4b:s5+s18], $0x40, s21, s18, $0xb8;
	[tilespmem:$0x1ACE0] =	vst v63  }
0x261: {  	_ =	swait.ge [sflag:s16], $0x2000  }
0x262: {  	[sflag:s16] =	ssyncset.done $0x0  }
0x263: {  	[sflag:s16] =	ssyncadd.s32 $0xFFFFE000  }
0x264: {  	[spmem:s2] =	stream.indirect.scatter.add.f32 [tilespmem:s20], [sflag:$0x3], $0x40, s23, s18, $0xb8;
	[tilespmem:$0x1ACE0] =	vst v63  }
0x265: {  	_ =	swait.ge [sflag:s24], $0x2000  }
0x266: {  	[sflag:s24] =	ssyncset.done $0x0  }
0x267: {  	[sflag:s24] =	ssyncadd.s32 $0xFFFFE000  }
0x268: {  	_ =	swait.ge [sflag:s25], $0x2000  }
0x269: {  	[sflag:s25] =	ssyncset.done $0x0  }
0x26a: {  	[sflag:s25] =	ssyncadd.s32 $0xFFFFE000  }
0x26b: {  	[spmem:s2] =	stream.indirect.scatter.add.f32 [tilespmem:s22], [sflag:$0x3], $0x40, s26, s18, $0xb8;
	[tilespmem:$0x1ACE0] =	vst v63  }
0x26c: {  	_ =	swait.ge [sflag:s24], $0x2000  }
0x26d: {  	[sflag:s24] =	ssyncset.done $0x0  }
0x26e: {  	[sflag:s24] =	ssyncadd.s32 $0xFFFFE000  }
.LBB2_13:
0x26f: {  	s0 =	stileid.u32  }
0x270: {  	[bflag:$0x0] =	sbarrier.arrive $0xFFFF;
	s0 =	sshll.u32 s0, $0x6  }
0x271: {  	s31 =	sshrl.u32 s8, $0x3;
	s17 =	rddreg [dreg:$0x7];
	s30 =	sor.u32 $0x1C04, s0  }
0x272: {  	[hbm:s17], [sflag:s30] =	dma.local [spmem:s31], $0x1390  }
0x273: {  	_ =	swait.ge [sflag:s14], $0x1390  }
0x274: {  	[sflag:s14] =	ssyncset.done $0x0  }
0x275: {  	[sflag:s14] =	ssyncadd.s32 $0xFFFFEC70  }
0x276: {  	[bflag:$0x0] =	sbarrier.arrive $0xFFFF  }
0x277: {  	[spmem:s8] =	stream.linear.scatter [tilespmem:s4], [sflag:$0x4], $0x4E40, $0x38;
	[tilespmem:$0x1ACE0] =	vst v63  }
0x278: {  	_ =	swait.ge [sflag:s14], $0x4E40  }
0x279: {  	[sflag:s14] =	ssyncset.done $0x0  }
0x27a: {  	[sflag:s14] =	ssyncadd.s32 $0xFFFFB1C0  }
0x27b: {  	[spmem:s9] =	stream.linear.scatter [tilespmem:s4], [sflag:$0x4], $0x4E40, $0x38;
	[tilespmem:$0x1ACE0] =	vst v63  }
.Ltmp9:
0x27c: {  	_ =	swait.ge [sflag:s14], $0x4E40;
	(pc) =	sbr.rel @p0 .LBB2_17-.Ltmp9, $4  }
0x27d: {  	[sflag:s14] =	ssyncset.done $0x0  }
0x27e: {  	[sflag:s14] =	ssyncadd.s32 $0xFFFFB1C0  }
0x27f: {  	[bflag:$0x0] =	sbarrier.arrive $0xFFFF  }
0x280: {  	s0 =	simm.s32 $0x880  }
0x281: {  	v4 =	vld [tilespmem:s0+$0x0]  }
0x282: {  	v5 =	vld [tilespmem:s0+$0xFFFFFF80];
	_ =	sdelay $0x3  }
0x283: {  	v6 =	vand.u32 $0x3FFF, v4  }
0x284: {  	v7 =	vand.u32 $0x3FFF, v5;
	v5 =	vshrl.u32 v5, $0xE;
	[tilespmem:$0x5980] =	vst v6  }
0x285: {  	v4 =	vshrl.u32 v4, $0xE;
	[tilespmem:$0x5900] =	vst v7;
	v5 =	vand.u32 $0x3FFF, v5  }
0x286: {  	v4 =	vand.u32 $0x3FFF, v4;
	[tilespmem:$0x5A00] =	vst v5  }
0x287: {  	[tilespmem:$0x5A80] =	vst v4  }
0x288: {  	v4 =	vld [tilespmem:s0+$0x10]  }
0x289: {  	v5 =	vld [tilespmem:s0+$0xFFFFFF90];
	_ =	sdelay $0x3  }
0x28a: {  	v6 =	vand.u32 $0x3FFF, v4  }
0x28b: {  	v7 =	vand.u32 $0x3FFF, v5;
	v5 =	vshrl.u32 v5, $0xE;
	[tilespmem:$0x5990] =	vst v6  }
0x28c: {  	v4 =	vshrl.u32 v4, $0xE;
	[tilespmem:$0x5910] =	vst v7;
	v5 =	vand.u32 $0x3FFF, v5  }
0x28d: {  	v4 =	vand.u32 $0x3FFF, v4;
	[tilespmem:$0x5A10] =	vst v5  }
0x28e: {  	[tilespmem:$0x5A90] =	vst v4  }
0x28f: {  	v4 =	vld [tilespmem:s0+$0x20]  }
0x290: {  	v5 =	vld [tilespmem:s0+$0xFFFFFFA0];
	_ =	sdelay $0x3  }
0x291: {  	v6 =	vand.u32 $0x3FFF, v4  }
0x292: {  	v7 =	vand.u32 $0x3FFF, v5;
	v5 =	vshrl.u32 v5, $0xE;
	[tilespmem:$0x59A0] =	vst v6  }
0x293: {  	v4 =	vshrl.u32 v4, $0xE;
	[tilespmem:$0x5920] =	vst v7;
	v5 =	vand.u32 $0x3FFF, v5  }
0x294: {  	v4 =	vand.u32 $0x3FFF, v4;
	[tilespmem:$0x5A20] =	vst v5  }
0x295: {  	[tilespmem:$0x5AA0] =	vst v4  }
0x296: {  	v4 =	vld [tilespmem:s0+$0xFFFFFFB0];
	_ =	sdelay $0x1  }
0x297: {  	v5 =	vld [tilespmem:s0+$0x30];
	_ =	sdelay $0x2  }
0x298: {  	v6 =	vand.u32 $0x3FFF, v4;
	v4 =	vshrl.u32 v4, $0xE  }
0x299: {  	[tilespmem:$0x5930] =	vst v6;
	v4 =	vand.u32 $0x3FFF, v4  }
0x29a: {  	v6 =	vshrl.u32 v5, $0xE;
	v5 =	vand.u32 $0x3FFF, v5;
	[tilespmem:$0x5A30] =	vst v4  }
0x29b: {  	v4 =	vand.u32 $0x3FFF, v6;
	[tilespmem:$0x59B0] =	vst v5  }
0x29c: {  	[tilespmem:$0x5AB0] =	vst v4  }
0x29d: {  	v4 =	vld [tilespmem:s0+$0xFFFFFFC0]  }
0x29e: {  	v5 =	vld [tilespmem:s0+$0x40]  }
0x29f: {  	p0 =	sne.s32 s29, $0x1  }
.Ltmp10:
0x2a0: {  	_ = 	snop;
	(pc) =	sbr.rel @!p0 .LBB2_16-.Ltmp10, $4  }
0x2a1: {  	_ = 	snop  }
0x2a2: {  	v6 =	vand.u32 $0x3FFF, v4;
	v4 =	vshrl.u32 v4, $0xE  }
0x2a3: {  	v7 =	vshrl.u32 v5, $0xE;
	[tilespmem:$0x5940] =	vst v6;
	v6 =	vand.u32 $0x3FFF, v4  }
0x2a4: {  	s29 =	sadd.s32 $0xFFFFFFFF, s29;
	s4 =	simm.s32 $0x880;
	v4 =	vand.u32 $0x3FFF, v5;
	v5 =	vand.u32 $0x3FFF, v7;
	[tilespmem:$0x5A40] =	vst v6  }
.LBB2_15:
0x2a5: {  	p0 =	sne.s32 s29, $0x1;
	s29 =	sadd.s32 $0xFFFFFFFF, s29;
	[tilespmem:$0x5AC0] =	vst v5;
	s4 =	sadd.s32 $0x100, s4  }
0x2a6: {  	[tilespmem:$0x59C0] =	vst v4  }
0x2a7: {  	v4 =	vld [tilespmem:s0+$0xFFFFFFD0]  }
0x2a8: {  	v5 =	vld [tilespmem:s0+$0x50];
	_ =	sdelay $0x3  }
0x2a9: {  	v6 =	vand.u32 $0x3FFF, v4;
	v4 =	vshrl.u32 v4, $0xE  }
0x2aa: {  	[tilespmem:$0x5950] =	vst v6;
	v6 =	vand.u32 $0x3FFF, v5;
	v4 =	vand.u32 $0x3FFF, v4;
	v5 =	vshrl.u32 v5, $0xE  }
0x2ab: {  	[tilespmem:$0x5A50] =	vst v4;
	v4 =	vand.u32 $0x3FFF, v5  }
0x2ac: {  	[tilespmem:$0x5AD0] =	vst v4  }
0x2ad: {  	[tilespmem:$0x59D0] =	vst v6  }
0x2ae: {  	v4 =	vld [tilespmem:s0+$0xFFFFFFE0]  }
0x2af: {  	v5 =	vld [tilespmem:s0+$0x60];
	_ =	sdelay $0x3  }
0x2b0: {  	v6 =	vand.u32 $0x3FFF, v4;
	v4 =	vshrl.u32 v4, $0xE  }
0x2b1: {  	[tilespmem:$0x5960] =	vst v6;
	v6 =	vand.u32 $0x3FFF, v5;
	v4 =	vand.u32 $0x3FFF, v4;
	v5 =	vshrl.u32 v5, $0xE  }
0x2b2: {  	[tilespmem:$0x59E0] =	vst v6;
	v5 =	vand.u32 $0x3FFF, v5  }
0x2b3: {  	[tilespmem:$0x5AE0] =	vst v5  }
0x2b4: {  	[tilespmem:$0x5A60] =	vst v4  }
0x2b5: {  	v4 =	vld [tilespmem:s0+$0xFFFFFFF0]  }
0x2b6: {  	v5 =	vld [tilespmem:s0+$0x70];
	s0 =	smov.u32 s4;
	_ =	sdelay $0x3  }
0x2b7: {  	v6 =	vand.u32 $0x3FFF, v4;
	v4 =	vshrl.u32 v4, $0xE  }
0x2b8: {  	[tilespmem:$0x5970] =	vst v6;
	v6 =	vand.u32 $0x3FFF, v5;
	v4 =	vand.u32 $0x3FFF, v4;
	v5 =	vshrl.u32 v5, $0xE  }
0x2b9: {  	[tilespmem:$0x59F0] =	vst v6;
	v5 =	vand.u32 $0x3FFF, v5  }
0x2ba: {  	[tilespmem:$0x5AF0] =	vst v5  }
0x2bb: {  	[tilespmem:$0x5A70] =	vst v4  }
0x2bc: {  	[tilespmem:s20], [sflag:$0x1] =	stream.indirect.gather [hbm4b:s6+s18], $0x40, s19, s18, $0xb8;
	[tilespmem:$0x1ACE0] =	vst v63  }
0x2bd: {  	_ = 	snop  }
0x2be: {  	[tilespmem:s22], [sflag:$0x2] =	stream.indirect.gather [hbm4b:s6+s18], $0x40, s21, s18, $0xb8;
	[tilespmem:$0x1ACE0] =	vst v63  }
0x2bf: {  	_ =	swait.ge [sflag:s16], $0x2000  }
0x2c0: {  	[sflag:s16] =	ssyncset.done $0x0  }
0x2c1: {  	[sflag:s16] =	ssyncadd.s32 $0xFFFFE000  }
0x2c2: {  	[spmem:s2] =	stream.indirect.scatter.add.f32 [tilespmem:s20], [sflag:$0x3], $0x40, s23, s18, $0xb8;
	[tilespmem:$0x1ACE0] =	vst v63  }
0x2c3: {  	_ =	swait.ge [sflag:s24], $0x2000  }
0x2c4: {  	[sflag:s24] =	ssyncset.done $0x0  }
0x2c5: {  	[sflag:s24] =	ssyncadd.s32 $0xFFFFE000  }
0x2c6: {  	_ =	swait.ge [sflag:s25], $0x2000  }
0x2c7: {  	[sflag:s25] =	ssyncset.done $0x0  }
0x2c8: {  	[sflag:s25] =	ssyncadd.s32 $0xFFFFE000  }
0x2c9: {  	[spmem:s2] =	stream.indirect.scatter.add.f32 [tilespmem:s22], [sflag:$0x3], $0x40, s26, s18, $0xb8;
	[tilespmem:$0x1ACE0] =	vst v63  }
0x2ca: {  	_ =	swait.ge [sflag:s24], $0x2000  }
0x2cb: {  	[sflag:s24] =	ssyncset.done $0x0  }
0x2cc: {  	[sflag:s24] =	ssyncadd.s32 $0xFFFFE000  }
0x2cd: {  	v4 =	vld [tilespmem:s4+$0x0]  }
0x2ce: {  	v5 =	vld [tilespmem:s4+$0xFFFFFF80];
	_ =	sdelay $0x3  }
0x2cf: {  	v6 =	vand.u32 $0x3FFF, v4;
	v4 =	vshrl.u32 v4, $0xE  }
0x2d0: {  	v7 =	vand.u32 $0x3FFF, v5;
	[tilespmem:$0x5980] =	vst v6;
	v5 =	vshrl.u32 v5, $0xE;
	v4 =	vand.u32 $0x3FFF, v4  }
0x2d1: {  	[tilespmem:$0x5900] =	vst v7;
	v5 =	vand.u32 $0x3FFF, v5  }
0x2d2: {  	[tilespmem:$0x5A00] =	vst v5  }
0x2d3: {  	[tilespmem:$0x5A80] =	vst v4  }
0x2d4: {  	v4 =	vld [tilespmem:s4+$0x10]  }
0x2d5: {  	v5 =	vld [tilespmem:s4+$0xFFFFFF90];
	_ =	sdelay $0x3  }
0x2d6: {  	v6 =	vand.u32 $0x3FFF, v4;
	v4 =	vshrl.u32 v4, $0xE  }
0x2d7: {  	v7 =	vand.u32 $0x3FFF, v5;
	[tilespmem:$0x5990] =	vst v6;
	v5 =	vshrl.u32 v5, $0xE;
	v4 =	vand.u32 $0x3FFF, v4  }
0x2d8: {  	[tilespmem:$0x5910] =	vst v7;
	v5 =	vand.u32 $0x3FFF, v5  }
0x2d9: {  	[tilespmem:$0x5A10] =	vst v5  }
0x2da: {  	[tilespmem:$0x5A90] =	vst v4  }
0x2db: {  	v4 =	vld [tilespmem:s4+$0x20]  }
0x2dc: {  	v5 =	vld [tilespmem:s4+$0xFFFFFFA0];
	_ =	sdelay $0x3  }
0x2dd: {  	v6 =	vand.u32 $0x3FFF, v4;
	v4 =	vshrl.u32 v4, $0xE  }
0x2de: {  	v7 =	vand.u32 $0x3FFF, v5;
	[tilespmem:$0x59A0] =	vst v6;
	v5 =	vshrl.u32 v5, $0xE;
	v4 =	vand.u32 $0x3FFF, v4  }
0x2df: {  	[tilespmem:$0x5920] =	vst v7;
	v5 =	vand.u32 $0x3FFF, v5  }
0x2e0: {  	[tilespmem:$0x5A20] =	vst v5  }
0x2e1: {  	[tilespmem:$0x5AA0] =	vst v4  }
0x2e2: {  	v4 =	vld [tilespmem:s4+$0xFFFFFFB0]  }
0x2e3: {  	v5 =	vld [tilespmem:s4+$0x30];
	_ =	sdelay $0x3  }
0x2e4: {  	v6 =	vand.u32 $0x3FFF, v4;
	v4 =	vshrl.u32 v4, $0xE  }
0x2e5: {  	[tilespmem:$0x5930] =	vst v6;
	v6 =	vand.u32 $0x3FFF, v5;
	v4 =	vand.u32 $0x3FFF, v4;
	v5 =	vshrl.u32 v5, $0xE  }
0x2e6: {  	[tilespmem:$0x5A30] =	vst v4;
	v4 =	vand.u32 $0x3FFF, v5  }
0x2e7: {  	[tilespmem:$0x5AB0] =	vst v4  }
0x2e8: {  	[tilespmem:$0x59B0] =	vst v6  }
0x2e9: {  	v4 =	vld [tilespmem:s4+$0xFFFFFFC0]  }
0x2ea: {  	v5 =	vld [tilespmem:s4+$0x40];
	_ =	sdelay $0x1  }
.Ltmp11:
0x2eb: {  	(pc) =	sbr.rel @p0 .LBB2_15-.Ltmp11, $4  }
0x2ec: {  	_ = 	snop  }
0x2ed: {  	v6 =	vand.u32 $0x3FFF, v4;
	v7 =	vshrl.u32 v4, $0xE  }
0x2ee: {  	[tilespmem:$0x5940] =	vst v6;
	v4 =	vand.u32 $0x3FFF, v5;
	v6 =	vand.u32 $0x3FFF, v7;
	v5 =	vshrl.u32 v5, $0xE  }
0x2ef: {  	[tilespmem:$0x5A40] =	vst v6;
	v5 =	vand.u32 $0x3FFF, v5  }
.Ltmp12:
0x2f0: {  	_ = 	snop;
	(pc) =	sbr.rel .LBB2_16-.Ltmp12, $1  }
0x2f1: {  	_ =	sdelay $0x3  }
.LBB2_18:
0x2f2: {  	_ =	sfence.sel $0x180000  }
0x2f3: {  	[bflag:$0x0] =	sbarrier.arrive $0xFFFF  }
0x2f4: {  	_ =	strace $0x90000047  }
0x2f5: {  	s0 =	stileid.u32;
	[bflag:$0x2] =	sbarrier.arrive $0xFFFF  }
0x2f6: {  	p0 =	sne.s32 s0, $0x0;
	s0 =	rddreg [dreg:$0x5]  }
0x2f7: {  	s0 =	sadd.s32 @!p0 $0x100000, s0  }
0x2f8: {  	[sflag:s0] =	ssyncadd.tile.s32 @!p0 $0x1;
	_ =	shalt  }
.Lfunc_end2:
_tile_overlayer_lowered:
.L_overlay_start_2:
0x2f9: {  	(tag) =	ssettag $0x2  }
0x2fa: {  	s0 =	rddreg [dreg:$0x0];
	s2 =	stileid.u32  }
0x2fb: {  	s1 =	rddreg [dreg:$0x1];
	p0 =	sne.s32 s2, $0x0  }
0x2fc: {  	s3 =	rddreg [dreg:$0x2];
	[bflag:$0x3] =	sbarrier.arrive $0xFFFF;
	s2 =	simm.s32 @!p0 $0x1C04  }
0x2fd: {  	[timem:s3], [sflag:s2] =	dma.local @!p0 [hbm:s0], s1  }
0x2fe: {  	s0 =	simm.s32 @!p0 $0x4  }
0x2ff: {  	_ =	swait.ge @!p0 [sflag:s0], s1  }
0x300: {  	s1 =	ssub.s32 @!p0 $0x0, s1;
	[sflag:s0] =	ssyncset.done @!p0 $0x0  }
0x301: {  	[sflag:s0] =	ssyncadd.s32 @!p0 s1  }
0x302: {  	[bflag:$0x3] =	sbarrier.arrive $0xFFFF  }
0x303: {  	_ =	shalt  }

</sc_bundles>
